<compile_context>
chip_gen: v7x
topology: tpu7x:2x2x1
jax: 0.10.2.dev20260603
libtpu: 0.0.44.dev20260713+nightly
codegen_flags: <defaults>
</compile_context>

<pallas_src>
import math

import numpy as np
import jax
import jax.numpy as jnp
from jax import lax
from jax.experimental import pallas as pl
from jax.experimental.pallas import tpu as pltpu
from jax.experimental.pallas import tpu_sc as plsc

_IN = (128, 256)
_OUT = (64, 128)
_K = 3
_C = 64
_CUT = _K * math.pi / _IN[0]

NW = 32
PL = 32
ACCW = PL * _C
WLAT = 6
HROW = (128 + PL) * _C
WINW = 2 * WLAT * HROW


def _nz_pattern():
    nlat_in, nlon_in = _IN
    nlat_out = _OUT[0]
    lats_in = np.linspace(0.0, np.pi, nlat_in)
    lats_out = np.linspace(0.0, np.pi, nlat_out)
    phis = np.linspace(0.0, 2.0 * np.pi, nlon_in)
    d_theta = _CUT / _K
    alpha = -lats_in.reshape(-1, 1)
    beta = phis.reshape(1, -1)
    nz = {}
    for t in range(nlat_out):
        gamma = lats_out[t]
        z = np.cos(alpha) * np.cos(gamma) - np.cos(beta) * np.sin(alpha) * np.sin(gamma)
        theta = np.arccos(np.clip(z, -1.0, 1.0))
        for ik in range(_K):
            diff = np.abs(theta - ik * d_theta)
            mask = (diff < d_theta) & (theta < _CUT)
            ii, jj = np.nonzero(mask)
            nz[(ik, t)] = (ii.astype(np.int64), jj.astype(np.int64))
    return nz


_ZERO_PSI_IDX = 32 * _IN[0] * _IN[1]


def _build_schedule():
    nlat_out = _OUT[0]
    nz = _nz_pattern()
    assert 0 not in (nz[(0, 32)][0] * _IN[1] + nz[(0, 32)][1]).tolist()

    ilo_t = np.zeros(nlat_out, dtype=np.int64)
    for t in range(nlat_out):
        allio = np.concatenate([nz[(k, t)][0] for k in range(_K)])
        lo, hi = int(allio.min()), int(allio.max())
        assert hi - lo + 1 <= WLAT
        ilo_t[t] = min(max(lo, 0), _IN[0] - WLAT)

    row_set = {}
    for t in range(nlat_out):
        for k in range(_K):
            ii, jj = nz[(k, t)]
            row_set[(k, t)] = set(zip((jj % 2).tolist(), ii.tolist()))

    nchunks = 128 // PL
    items_by_t = {t: [] for t in range(nlat_out)}
    cost_t = np.zeros(nlat_out)
    for t in range(nlat_out):
        for k in range(_K):
            cnt = len(nz[(k, t)][0])
            for ch in range(nchunks):
                items_by_t[t].append((k, ch, cnt * PL))
            cost_t[t] += cnt * 128

    ROWPEN = 650.0
    load = np.zeros(NW)
    bin_rows = [set() for _ in range(NW)]
    bin_items = [[] for _ in range(NW)]
    for t in sorted(range(nlat_out), key=lambda t: -cost_t[t]):
        for (k, ch, cost) in sorted(items_by_t[t], key=lambda it: -it[2]):
            rows = row_set[(k, t)]
            best, bestv = 0, None
            for w in range(NW):
                v = load[w] + ROWPEN * len(rows - bin_rows[w])
                if bestv is None or v < bestv:
                    best, bestv = w, v
            load[best] += cost
            bin_rows[best] |= rows
            bin_items[best].append((t, k, ch))

    hdr, g_ncp, g_nit = [], [], []
    cs_dst, cs_src = [], []
    it_outb, it_nzc4 = [], []
    nz_w_idx, nz_qw_i, nz_s1 = [], [], []
    per_bin_counts = []
    for w in range(NW):
        groups = {}
        for (t, k, ch) in bin_items[w]:
            groups.setdefault(t, []).append((k, ch))
        hdr.append(len(groups))
        bg_ncp, bg_nit = [], []
        bi_outb, bi_nzc4 = [], []
        bn = 0
        slot_row = [None] * (2 * WLAT)
        slot_age = [0] * (2 * WLAT)
        clock = 0
        bcs_dst, bcs_src = [], []
        for t in sorted(groups, key=lambda t: int(ilo_t[t])):
            its = groups[t]
            need = sorted(set().union(*[row_set[(k, t)] for (k, ch) in its]))
            clock += 1
            ncp = 0
            rowslot = {}
            for r in need:
                if r in slot_row:
                    sl = slot_row.index(r)
                    slot_age[sl] = clock
                    rowslot[r] = sl
            for r in need:
                if r in rowslot:
                    continue
                sl = min((s for s in range(2 * WLAT)
                          if slot_age[s] < clock),
                         key=lambda s: slot_age[s])
                slot_row[sl] = r
                slot_age[sl] = clock
                rowslot[r] = sl
                bcs_dst.append(sl * HROW)
                bcs_src.append((r[0] * 128 + r[1]) * HROW)
                ncp += 1
            bg_ncp.append(ncp)
            bg_nit.append(len(its))
            for (k, ch) in its:
                ii, jj = nz[(k, t)]
                p0 = ch * PL
                r = k * nlat_out + t
                bi_outb.append(r * 128 * _C + p0 * _C)
                par = jj % 2
                m0 = jj // 2
                s = (128 - m0) % 128
                vstart = (p0 + s) % 128
                rb = np.array([rowslot[(int(par[q]), int(ii[q]))] * HROW
                               for q in range(len(ii))], dtype=np.int64)
                s1 = (rb + vstart * _C).tolist()
                widx = (k * (nlat_out * _IN[0] * _IN[1])
                        + t * (_IN[0] * _IN[1]) + ii * _IN[1] + jj).tolist()
                qwi = ii.tolist()
                npad = (-len(s1)) % 4
                s1 += [0] * npad
                widx += [_ZERO_PSI_IDX] * npad
                qwi += [0] * npad
                bi_nzc4.append(len(s1) // 4)
                nz_s1.extend(s1)
                nz_w_idx.extend(widx)
                nz_qw_i.extend(qwi)
                bn += len(s1)
        g_ncp.append(bg_ncp)
        g_nit.append(bg_nit)
        cs_dst.append(bcs_dst)
        cs_src.append(bcs_src)
        it_outb.append(bi_outb)
        it_nzc4.append(bi_nzc4)
        per_bin_counts.append((len(bg_ncp), len(bi_outb), bn, len(bcs_dst)))

    def _pad16(v):
        return (v + 16 + 15) // 16 * 16

    maxg = _pad16(max(c[0] for c in per_bin_counts))
    maxm = _pad16(max(c[1] for c in per_bin_counts))
    maxc = _pad16(max(c[3] for c in per_bin_counts))
    maxn = max(c[2] for c in per_bin_counts) + 16
    maxn = (maxn + 127) // 128 * 128

    A_hdr = np.zeros((NW, 16), dtype=np.int32)
    A_gncp = np.zeros((NW, maxg), dtype=np.int32)
    A_gnit = np.zeros((NW, maxg), dtype=np.int32)
    A_csd = np.zeros((NW, maxc), dtype=np.int32)
    A_css = np.zeros((NW, maxc), dtype=np.int32)
    A_outb = np.zeros((NW, maxm), dtype=np.int32)
    A_nzc4 = np.zeros((NW, maxm), dtype=np.int32)
    A_s1 = np.zeros((NW, maxn), dtype=np.int32)
    A_widx = np.full((NW, maxn), _ZERO_PSI_IDX, dtype=np.int32)
    A_qwi = np.zeros((NW, maxn), dtype=np.int32)
    off = 0
    for w in range(NW):
        ng, nm, bn, nc = per_bin_counts[w]
        A_hdr[w, 0] = ng
        A_gncp[w, :ng] = g_ncp[w]
        A_gnit[w, :ng] = g_nit[w]
        A_csd[w, :nc] = cs_dst[w]
        A_css[w, :nc] = cs_src[w]
        A_outb[w, :nm] = it_outb[w]
        A_nzc4[w, :nm] = it_nzc4[w]
        A_s1[w, :bn] = nz_s1[off:off + bn]
        A_widx[w, :bn] = nz_w_idx[off:off + bn]
        A_qwi[w, :bn] = nz_qw_i[off:off + bn]
        off += bn
    return (A_hdr, A_gncp, A_gnit, A_csd, A_css, A_outb, A_nzc4, A_s1,
            A_widx, A_qwi, maxn)


_SCHED = _build_schedule()
_MAXN = _SCHED[10]
_NGCH = _MAXN // 128


def _sc_body(xrev_ref, psi_ref, qw_ref, widx_ref, qwi_ref, hdr_ref, gncp_ref,
             gnit_ref, csd_ref, css_ref, outb_ref, nzc_ref, s1_ref, out_ref,
             win_v, acc_v, wv_v, idx_v, qw_v, hdr_v, gncp_v, gnit_v,
             csd_v, css_v, outb_v, nzc_v, s1_v, sem):
    wid = lax.axis_index("s") * 2 + lax.axis_index("c")

    pltpu.sync_copy(hdr_ref.at[wid], hdr_v)
    pltpu.sync_copy(gncp_ref.at[wid], gncp_v)
    pltpu.sync_copy(gnit_ref.at[wid], gnit_v)
    pltpu.sync_copy(csd_ref.at[wid], csd_v)
    pltpu.sync_copy(css_ref.at[wid], css_v)
    pltpu.sync_copy(outb_ref.at[wid], outb_v)
    pltpu.sync_copy(nzc_ref.at[wid], nzc_v)
    pltpu.sync_copy(s1_ref.at[wid], s1_v)
    pltpu.sync_copy(widx_ref.at[wid], idx_v)
    pltpu.sync_copy(qw_ref, qw_v)

    for c in range(_NGCH):
        pltpu.async_copy(psi_ref.at[idx_v.at[pl.ds(c * 128, 128)]],
                         wv_v.at[pl.ds(c * 128, 128)], sem).wait()

    pltpu.sync_copy(qwi_ref.at[wid], idx_v)

    @plsc.parallel_loop(0, _MAXN, 16, unroll=2)
    def qw_scale(o):
        qv = plsc.load_gather(qw_v, [idx_v[pl.ds(o, 16)]])
        wv_v[pl.ds(o, 16)] = wv_v[pl.ds(o, 16)] * qv

    def _sld(ref, i):
        return ref[pl.ds(i, 16)][0]

    ng = _sld(hdr_v, 0)

    def group_body(g, carry):
        item_ptr, nz_ptr, cp_ptr = carry
        ncp = _sld(gncp_v, g)

        def fire(j, _):
            dst = pl.multiple_of(_sld(csd_v, cp_ptr + j), HROW)
            srw = pl.multiple_of(_sld(css_v, cp_ptr + j), HROW)
            pltpu.async_copy(xrev_ref.at[pl.ds(srw, HROW)],
                             win_v.at[pl.ds(dst, HROW)], sem)
            return 0
        lax.fori_loop(0, ncp, fire, 0)

        def drain(j, _):
            pltpu.make_async_copy(xrev_ref.at[pl.ds(0, HROW)],
                                  win_v.at[pl.ds(0, HROW)], sem).wait()
            return 0
        lax.fori_loop(0, ncp, drain, 0)
        nitems = _sld(gnit_v, g)

        def item_body(it, carry2):
            ip, nzp = carry2
            outb = pl.multiple_of(_sld(outb_v, ip), ACCW)
            nzc4 = _sld(nzc_v, ip)

            def _quad(base):
                ws = [_sld(wv_v, base + u) for u in range(4)]
                es = [pl.multiple_of(_sld(s1_v, base + u), 16) for u in range(4)]
                return ws, es

            def _sum4(ws, es, o):
                v01 = (ws[0] * win_v[pl.ds(es[0] + o, 16)]
                       + ws[1] * win_v[pl.ds(es[1] + o, 16)])
                v23 = (ws[2] * win_v[pl.ds(es[2] + o, 16)]
                       + ws[3] * win_v[pl.ds(es[3] + o, 16)])
                return v01 + v23

            ws, es = _quad(nzp)

            @plsc.parallel_loop(0, ACCW, 16, unroll=4)
            def init_body(o):
                acc_v[pl.ds(o, 16)] = _sum4(ws, es, o)

            def nz_body(n, _):
                ws, es = _quad(nzp + n * 4)

                @plsc.parallel_loop(0, ACCW, 16, unroll=4)
                def fma_body(o):
                    acc_v[pl.ds(o, 16)] = acc_v[pl.ds(o, 16)] + _sum4(ws, es, o)
                return 0

            lax.fori_loop(1, nzc4, nz_body, 0)
            pltpu.sync_copy(acc_v, out_ref.at[pl.ds(outb, ACCW)])
            return (ip + 1, nzp + (nzc4 << 2))

        ip2, nzp2 = lax.fori_loop(0, nitems, item_body, (item_ptr, nz_ptr))
        return (ip2, nzp2, cp_ptr + ncp)

    lax.fori_loop(0, ng, group_body,
                  (jnp.int32(0), jnp.int32(0), jnp.int32(0)))


def kernel(x, psi, quad_weights):
    (A_hdr, A_gncp, A_gnit, A_csd, A_css, A_outb, A_nzc4, A_s1,
     A_widx, A_qwi, maxn) = _SCHED

    qw = quad_weights.reshape(-1).astype(jnp.float32)
    psi_flat = psi.reshape(-1)

    xs = x.reshape(_C, _IN[0], _IN[1])
    xt = jnp.transpose(xs, (1, 2, 0))
    xp = xt.reshape(_IN[0], 128, 2, _C)
    xp = jnp.transpose(xp, (2, 0, 1, 3))
    xr4 = jnp.flip(xp, axis=2)
    xrev = jnp.concatenate([xr4, xr4[:, :, :PL, :]], axis=2).reshape(-1)

    mesh = plsc.VectorSubcoreMesh(core_axis_name="c", subcore_axis_name="s",
                                  num_cores=2, num_subcores=16)
    maxg = A_gncp.shape[1]
    maxm = A_outb.shape[1]
    maxc = A_csd.shape[1]
    out_flat = pl.kernel(
        _sc_body,
        out_type=jax.ShapeDtypeStruct((_K * _OUT[0] * 128 * _C,), jnp.float32),
        mesh=mesh,
        compiler_params=pltpu.CompilerParams(needs_layout_passes=False),
        scratch_types=[
            pltpu.VMEM((WINW,), jnp.float32),
            pltpu.VMEM((ACCW,), jnp.float32),
            pltpu.VMEM((maxn,), jnp.float32),
            pltpu.VMEM((maxn,), jnp.int32),
            pltpu.VMEM((128,), jnp.float32),
            pltpu.VMEM((16,), jnp.int32),
            pltpu.VMEM((maxg,), jnp.int32),
            pltpu.VMEM((maxg,), jnp.int32),
            pltpu.VMEM((maxc,), jnp.int32),
            pltpu.VMEM((maxc,), jnp.int32),
            pltpu.VMEM((maxm,), jnp.int32),
            pltpu.VMEM((maxm,), jnp.int32),
            pltpu.VMEM((maxn,), jnp.int32),
            pltpu.SemaphoreType.DMA,
        ],
    )(xrev, psi_flat, qw,
      jnp.asarray(A_widx), jnp.asarray(A_qwi),
      jnp.asarray(A_hdr), jnp.asarray(A_gncp), jnp.asarray(A_gnit),
      jnp.asarray(A_csd), jnp.asarray(A_css),
      jnp.asarray(A_outb), jnp.asarray(A_nzc4), jnp.asarray(A_s1))

    out = out_flat.reshape(_K, _OUT[0], 128, _C)
    out = jnp.transpose(out, (3, 0, 1, 2))
    return out.reshape(1, _C, _K, _OUT[0], _OUT[1])

# --- scband reference (transcript-rebuilt; emitter-appended) ---
"""Pipeline reference for scband-discrete-continuous-conv-s2-79852031967248 (READ-ONLY COPY).

The authoritative reference and input builder live on the scoring server;
editing this copy changes nothing except your own understanding.
"""

import math
import jax, jax.numpy as jnp
import numpy as np

IN_SHAPE = (128, 256)
OUT_SHAPE = (64, 128)
KERNEL_SIZE = 3
B, C = 1, 64
THETA_CUTOFF = KERNEL_SIZE * math.pi / IN_SHAPE[0]


def _clenshaw_curtis_weights(n):
    # quadrature weights for equiangular (Clenshaw-Curtis) grid on cos(theta) in [-1, 1]
    N = n - 1
    theta = np.pi * np.arange(n) / N
    w = np.ones(n, dtype=np.float64)
    for j in range(n):
        s = 0.0
        for k in range(1, N // 2 + 1):
            b = 2.0 if 2 * k != N else 1.0
            s += b * np.cos(2 * k * theta[j]) / (4 * k * k - 1)
        w[j] = (2.0 / N) * (1.0 - s)
    w[0] *= 0.5
    w[-1] *= 0.5
    return w


def _precompute_latitudes(nlat):
    # equiangular colatitudes in [0, pi] and Clenshaw-Curtis quadrature weights
    lats = np.linspace(0.0, np.pi, nlat)
    wgl = _clenshaw_curtis_weights(nlat)
    return lats, wgl


def _precompute_psi_dense(in_shape, out_shape, kernel_size, theta_cutoff):
    # dense equivalent of _precompute_convolution_tensor: shape (K, nlat_out, nlat_in*nlon_in)
    nlat_in, nlon_in = in_shape
    nlat_out, nlon_out = out_shape
    lats_in, _ = _precompute_latitudes(nlat_in)
    lats_out, _ = _precompute_latitudes(nlat_out)
    phis = np.linspace(0.0, 2.0 * np.pi, nlon_in)
    d_theta = theta_cutoff / kernel_size
    itheta = np.arange(kernel_size) * d_theta
    psi = np.zeros((kernel_size, nlat_out, nlat_in * nlon_in), dtype=np.float32)
    alpha = -lats_in.reshape(-1, 1)
    beta = phis.reshape(1, -1)
    for t in range(nlat_out):
        gamma = lats_out[t]
        z = np.cos(alpha) * np.cos(gamma) - np.cos(beta) * np.sin(alpha) * np.sin(gamma)
        theta = np.arccos(np.clip(z, -1.0, 1.0))
        for ik in range(kernel_size):
            diff = np.abs(theta - itheta[ik])
            mask = (diff < d_theta) & (theta < theta_cutoff)
            vals = np.where(mask, 1.0 - diff / d_theta, 0.0)
            psi[ik, t, :] = vals.reshape(-1).astype(np.float32)
    return psi


def setup_inputs(seed: int = 0) -> dict:
    key = jax.random.key(seed)
    x = jax.random.normal(key, (B, C, IN_SHAPE[0], IN_SHAPE[1]), dtype=jnp.float32)
    psi = jnp.asarray(_precompute_psi_dense(IN_SHAPE, OUT_SHAPE, KERNEL_SIZE, THETA_CUTOFF))
    _, wgl = _precompute_latitudes(IN_SHAPE[0])
    quad_weights = jnp.asarray((2.0 * np.pi * wgl / IN_SHAPE[1]).reshape(-1, 1).astype(np.float32))
    return {"x": x, "psi": psi, "quad_weights": quad_weights}


def reference(x, psi, quad_weights):
    nlat_in, nlon_in = IN_SHAPE
    nlat_out, nlon_out = OUT_SHAPE
    K = KERNEL_SIZE
    b, c = x.shape[0], x.shape[1]
    xw = quad_weights * x  # (B, C, nlat_in, nlon_in)
    scale_factor = nlon_in // nlon_out
    xr = xw.reshape(b * c, nlat_in, nlon_in).transpose(1, 2, 0)  # (nlat_in, nlon_in, B*C)
    psi2 = psi.reshape(K * nlat_out, nlat_in * nlon_in)

    def body(carry, _):
        xcur = jnp.roll(carry, scale_factor, axis=1)
        out_p = psi2 @ xcur.reshape(nlat_in * nlon_in, b * c)  # (K*nlat_out, B*C)
        return xcur, out_p

    _, outs = jax.lax.scan(body, xr, jnp.arange(nlon_out))
    # outs: (nlon_out, K*nlat_out, B*C)
    out = outs.reshape(nlon_out, K, nlat_out, b * c).transpose(3, 1, 2, 0)
    out = out.reshape(b, c, K, nlat_out, nlon_out)
    return out

if __name__ == "__main__":
    import jax
    _d = setup_inputs()
    print(jax.jit(kernel)(*tuple(_d.values())))

</pallas_src>

<mosaic_0001>
#map = affine_map<(d0, d1) -> (0)>
#map1 = affine_map<(d0, d1) -> (0, 0)>
module attributes {stable_mosaic.version = 14 : i64} {
  func.func @_sc_body(%arg0: i32, %arg1: i32, %arg2: memref<2621440xf32, #tpu.memory_space<hbm>>, %arg3: memref<6291456xf32, #tpu.memory_space<hbm>>, %arg4: memref<128xf32, #tpu.memory_space<hbm>>, %arg5: memref<32x1408xi32, #tpu.memory_space<hbm>>, %arg6: memref<32x1408xi32, #tpu.memory_space<hbm>>, %arg7: memref<32x16xi32, #tpu.memory_space<hbm>>, %arg8: memref<32x32xi32, #tpu.memory_space<hbm>>, %arg9: memref<32x32xi32, #tpu.memory_space<hbm>>, %arg10: memref<32x80xi32, #tpu.memory_space<hbm>>, %arg11: memref<32x80xi32, #tpu.memory_space<hbm>>, %arg12: memref<32x64xi32, #tpu.memory_space<hbm>>, %arg13: memref<32x64xi32, #tpu.memory_space<hbm>>, %arg14: memref<32x1408xi32, #tpu.memory_space<hbm>>, %arg15: memref<1572864xf32, #tpu.memory_space<hbm>>, %arg16: memref<122880xf32, #tpu.memory_space<vmem>>, %arg17: memref<2048xf32, #tpu.memory_space<vmem>>, %arg18: memref<1408xf32, #tpu.memory_space<vmem>>, %arg19: memref<1408xi32, #tpu.memory_space<vmem>>, %arg20: memref<128xf32, #tpu.memory_space<vmem>>, %arg21: memref<16xi32, #tpu.memory_space<vmem>>, %arg22: memref<32xi32, #tpu.memory_space<vmem>>, %arg23: memref<32xi32, #tpu.memory_space<vmem>>, %arg24: memref<80xi32, #tpu.memory_space<vmem>>, %arg25: memref<80xi32, #tpu.memory_space<vmem>>, %arg26: memref<64xi32, #tpu.memory_space<vmem>>, %arg27: memref<64xi32, #tpu.memory_space<vmem>>, %arg28: memref<1408xi32, #tpu.memory_space<vmem>>, %arg29: memref<!tpu.dma_semaphore, #tpu.memory_space<semaphore_mem>>) attributes {dimension_semantics = [#tpu.dimension_semantics<core_parallel>, #tpu.dimension_semantics<subcore_parallel>], iteration_bounds = array<i64: 2, 16>, scalar_prefetch = 0 : i64, scratch_operands = 14 : i64, tpu.core_type = #tpu.core_type<sc_vector_subcore>, window_params = [{transform_indices = #map}, {transform_indices = #map}, {transform_indices = #map}, {transform_indices = #map1}, {transform_indices = #map1}, {transform_indices = #map1}, {transform_indices = #map1}, {transform_indices = #map1}, {transform_indices = #map1}, {transform_indices = #map1}, {transform_indices = #map1}, {transform_indices = #map1}, {transform_indices = #map1}, {transform_indices = #map}]} {
    %mul3A = arith.constant 2 : i32
    %mul3A_0 = arith.muli %arg1, %mul3A : i32
    %add3A = arith.addi %mul3A_0, %arg0 : i32
    "tpu.region"() ({
      %run_scoped3A = tpu.sem_alloc : memref<!tpu.dma_semaphore, #tpu.memory_space<semaphore_mem>>
      %dma_start3A_147 = arith.constant 0 : i32
      %dma_start3A_148 = tpu.memref_slice %arg7[%add3A, %dma_start3A_147] : memref<32x16xi32, #tpu.memory_space<hbm>> -> memref<1x16xi32, #tpu.memory_space<hbm>>
      %dma_start3A_149 = tpu.memref_squeeze %dma_start3A_148 : memref<1x16xi32, #tpu.memory_space<hbm>> -> memref<16xi32, #tpu.memory_space<hbm>>
      %dma_start3A_150 = arith.constant 0 : i32
      %dma_start3A_151 = tpu.memref_slice %arg7[%add3A, %dma_start3A_150] : memref<32x16xi32, #tpu.memory_space<hbm>> -> memref<1x16xi32, #tpu.memory_space<hbm>>
      %dma_start3A_152 = tpu.memref_squeeze %dma_start3A_151 : memref<1x16xi32, #tpu.memory_space<hbm>> -> memref<16xi32, #tpu.memory_space<hbm>>
      tpu.enqueue_dma source(%dma_start3A_152 : memref<16xi32, #tpu.memory_space<hbm>>) target(%arg21 : memref<16xi32, #tpu.memory_space<vmem>>) target_semaphore(%run_scoped3A : memref<!tpu.dma_semaphore, #tpu.memory_space<semaphore_mem>>)
      %dma_wait3A_153 = arith.constant 0 : i32
      %dma_wait3A_154 = tpu.memref_slice %arg7[%add3A, %dma_wait3A_153] : memref<32x16xi32, #tpu.memory_space<hbm>> -> memref<1x16xi32, #tpu.memory_space<hbm>>
      %dma_wait3A_155 = tpu.memref_squeeze %dma_wait3A_154 : memref<1x16xi32, #tpu.memory_space<hbm>> -> memref<16xi32, #tpu.memory_space<hbm>>
      %dma_wait3A_156 = arith.constant 0 : i32
      %dma_wait3A_157 = tpu.memref_slice %arg7[%add3A, %dma_wait3A_156] : memref<32x16xi32, #tpu.memory_space<hbm>> -> memref<1x16xi32, #tpu.memory_space<hbm>>
      %dma_wait3A_158 = tpu.memref_squeeze %dma_wait3A_157 : memref<1x16xi32, #tpu.memory_space<hbm>> -> memref<16xi32, #tpu.memory_space<hbm>>
      tpu.wait_dma2 semaphore(%run_scoped3A : memref<!tpu.dma_semaphore, #tpu.memory_space<semaphore_mem>>) src(%dma_wait3A_158 : memref<16xi32, #tpu.memory_space<hbm>>) dst(%arg21 : memref<16xi32, #tpu.memory_space<vmem>>)
      tpu.yield
    }) : () -> ()
    "tpu.region"() ({
      %run_scoped3A = tpu.sem_alloc : memref<!tpu.dma_semaphore, #tpu.memory_space<semaphore_mem>>
      %dma_start3A_147 = arith.constant 0 : i32
      %dma_start3A_148 = tpu.memref_slice %arg8[%add3A, %dma_start3A_147] : memref<32x32xi32, #tpu.memory_space<hbm>> -> memref<1x32xi32, #tpu.memory_space<hbm>>
      %dma_start3A_149 = tpu.memref_squeeze %dma_start3A_148 : memref<1x32xi32, #tpu.memory_space<hbm>> -> memref<32xi32, #tpu.memory_space<hbm>>
      %dma_start3A_150 = arith.constant 0 : i32
      %dma_start3A_151 = tpu.memref_slice %arg8[%add3A, %dma_start3A_150] : memref<32x32xi32, #tpu.memory_space<hbm>> -> memref<1x32xi32, #tpu.memory_space<hbm>>
      %dma_start3A_152 = tpu.memref_squeeze %dma_start3A_151 : memref<1x32xi32, #tpu.memory_space<hbm>> -> memref<32xi32, #tpu.memory_space<hbm>>
      tpu.enqueue_dma source(%dma_start3A_152 : memref<32xi32, #tpu.memory_space<hbm>>) target(%arg22 : memref<32xi32, #tpu.memory_space<vmem>>) target_semaphore(%run_scoped3A : memref<!tpu.dma_semaphore, #tpu.memory_space<semaphore_mem>>)
      %dma_wait3A_153 = arith.constant 0 : i32
      %dma_wait3A_154 = tpu.memref_slice %arg8[%add3A, %dma_wait3A_153] : memref<32x32xi32, #tpu.memory_space<hbm>> -> memref<1x32xi32, #tpu.memory_space<hbm>>
      %dma_wait3A_155 = tpu.memref_squeeze %dma_wait3A_154 : memref<1x32xi32, #tpu.memory_space<hbm>> -> memref<32xi32, #tpu.memory_space<hbm>>
      %dma_wait3A_156 = arith.constant 0 : i32
      %dma_wait3A_157 = tpu.memref_slice %arg8[%add3A, %dma_wait3A_156] : memref<32x32xi32, #tpu.memory_space<hbm>> -> memref<1x32xi32, #tpu.memory_space<hbm>>
      %dma_wait3A_158 = tpu.memref_squeeze %dma_wait3A_157 : memref<1x32xi32, #tpu.memory_space<hbm>> -> memref<32xi32, #tpu.memory_space<hbm>>
      tpu.wait_dma2 semaphore(%run_scoped3A : memref<!tpu.dma_semaphore, #tpu.memory_space<semaphore_mem>>) src(%dma_wait3A_158 : memref<32xi32, #tpu.memory_space<hbm>>) dst(%arg22 : memref<32xi32, #tpu.memory_space<vmem>>)
      tpu.yield
    }) : () -> ()
    "tpu.region"() ({
      %run_scoped3A = tpu.sem_alloc : memref<!tpu.dma_semaphore, #tpu.memory_space<semaphore_mem>>
      %dma_start3A_147 = arith.constant 0 : i32
      %dma_start3A_148 = tpu.memref_slice %arg9[%add3A, %dma_start3A_147] : memref<32x32xi32, #tpu.memory_space<hbm>> -> memref<1x32xi32, #tpu.memory_space<hbm>>
      %dma_start3A_149 = tpu.memref_squeeze %dma_start3A_148 : memref<1x32xi32, #tpu.memory_space<hbm>> -> memref<32xi32, #tpu.memory_space<hbm>>
      %dma_start3A_150 = arith.constant 0 : i32
      %dma_start3A_151 = tpu.memref_slice %arg9[%add3A, %dma_start3A_150] : memref<32x32xi32, #tpu.memory_space<hbm>> -> memref<1x32xi32, #tpu.memory_space<hbm>>
      %dma_start3A_152 = tpu.memref_squeeze %dma_start3A_151 : memref<1x32xi32, #tpu.memory_space<hbm>> -> memref<32xi32, #tpu.memory_space<hbm>>
      tpu.enqueue_dma source(%dma_start3A_152 : memref<32xi32, #tpu.memory_space<hbm>>) target(%arg23 : memref<32xi32, #tpu.memory_space<vmem>>) target_semaphore(%run_scoped3A : memref<!tpu.dma_semaphore, #tpu.memory_space<semaphore_mem>>)
      %dma_wait3A_153 = arith.constant 0 : i32
      %dma_wait3A_154 = tpu.memref_slice %arg9[%add3A, %dma_wait3A_153] : memref<32x32xi32, #tpu.memory_space<hbm>> -> memref<1x32xi32, #tpu.memory_space<hbm>>
      %dma_wait3A_155 = tpu.memref_squeeze %dma_wait3A_154 : memref<1x32xi32, #tpu.memory_space<hbm>> -> memref<32xi32, #tpu.memory_space<hbm>>
      %dma_wait3A_156 = arith.constant 0 : i32
      %dma_wait3A_157 = tpu.memref_slice %arg9[%add3A, %dma_wait3A_156] : memref<32x32xi32, #tpu.memory_space<hbm>> -> memref<1x32xi32, #tpu.memory_space<hbm>>
      %dma_wait3A_158 = tpu.memref_squeeze %dma_wait3A_157 : memref<1x32xi32, #tpu.memory_space<hbm>> -> memref<32xi32, #tpu.memory_space<hbm>>
      tpu.wait_dma2 semaphore(%run_scoped3A : memref<!tpu.dma_semaphore, #tpu.memory_space<semaphore_mem>>) src(%dma_wait3A_158 : memref<32xi32, #tpu.memory_space<hbm>>) dst(%arg23 : memref<32xi32, #tpu.memory_space<vmem>>)
      tpu.yield
    }) : () -> ()
    "tpu.region"() ({
      %run_scoped3A = tpu.sem_alloc : memref<!tpu.dma_semaphore, #tpu.memory_space<semaphore_mem>>
      %dma_start3A_147 = arith.constant 0 : i32
      %dma_start3A_148 = tpu.memref_slice %arg10[%add3A, %dma_start3A_147] : memref<32x80xi32, #tpu.memory_space<hbm>> -> memref<1x80xi32, #tpu.memory_space<hbm>>
      %dma_start3A_149 = tpu.memref_squeeze %dma_start3A_148 : memref<1x80xi32, #tpu.memory_space<hbm>> -> memref<80xi32, #tpu.memory_space<hbm>>
      %dma_start3A_150 = arith.constant 0 : i32
      %dma_start3A_151 = tpu.memref_slice %arg10[%add3A, %dma_start3A_150] : memref<32x80xi32, #tpu.memory_space<hbm>> -> memref<1x80xi32, #tpu.memory_space<hbm>>
      %dma_start3A_152 = tpu.memref_squeeze %dma_start3A_151 : memref<1x80xi32, #tpu.memory_space<hbm>> -> memref<80xi32, #tpu.memory_space<hbm>>
      tpu.enqueue_dma source(%dma_start3A_152 : memref<80xi32, #tpu.memory_space<hbm>>) target(%arg24 : memref<80xi32, #tpu.memory_space<vmem>>) target_semaphore(%run_scoped3A : memref<!tpu.dma_semaphore, #tpu.memory_space<semaphore_mem>>)
      %dma_wait3A_153 = arith.constant 0 : i32
      %dma_wait3A_154 = tpu.memref_slice %arg10[%add3A, %dma_wait3A_153] : memref<32x80xi32, #tpu.memory_space<hbm>> -> memref<1x80xi32, #tpu.memory_space<hbm>>
      %dma_wait3A_155 = tpu.memref_squeeze %dma_wait3A_154 : memref<1x80xi32, #tpu.memory_space<hbm>> -> memref<80xi32, #tpu.memory_space<hbm>>
      %dma_wait3A_156 = arith.constant 0 : i32
      %dma_wait3A_157 = tpu.memref_slice %arg10[%add3A, %dma_wait3A_156] : memref<32x80xi32, #tpu.memory_space<hbm>> -> memref<1x80xi32, #tpu.memory_space<hbm>>
      %dma_wait3A_158 = tpu.memref_squeeze %dma_wait3A_157 : memref<1x80xi32, #tpu.memory_space<hbm>> -> memref<80xi32, #tpu.memory_space<hbm>>
      tpu.wait_dma2 semaphore(%run_scoped3A : memref<!tpu.dma_semaphore, #tpu.memory_space<semaphore_mem>>) src(%dma_wait3A_158 : memref<80xi32, #tpu.memory_space<hbm>>) dst(%arg24 : memref<80xi32, #tpu.memory_space<vmem>>)
      tpu.yield
    }) : () -> ()
    "tpu.region"() ({
      %run_scoped3A = tpu.sem_alloc : memref<!tpu.dma_semaphore, #tpu.memory_space<semaphore_mem>>
      %dma_start3A_147 = arith.constant 0 : i32
      %dma_start3A_148 = tpu.memref_slice %arg11[%add3A, %dma_start3A_147] : memref<32x80xi32, #tpu.memory_space<hbm>> -> memref<1x80xi32, #tpu.memory_space<hbm>>
      %dma_start3A_149 = tpu.memref_squeeze %dma_start3A_148 : memref<1x80xi32, #tpu.memory_space<hbm>> -> memref<80xi32, #tpu.memory_space<hbm>>
      %dma_start3A_150 = arith.constant 0 : i32
      %dma_start3A_151 = tpu.memref_slice %arg11[%add3A, %dma_start3A_150] : memref<32x80xi32, #tpu.memory_space<hbm>> -> memref<1x80xi32, #tpu.memory_space<hbm>>
      %dma_start3A_152 = tpu.memref_squeeze %dma_start3A_151 : memref<1x80xi32, #tpu.memory_space<hbm>> -> memref<80xi32, #tpu.memory_space<hbm>>
      tpu.enqueue_dma source(%dma_start3A_152 : memref<80xi32, #tpu.memory_space<hbm>>) target(%arg25 : memref<80xi32, #tpu.memory_space<vmem>>) target_semaphore(%run_scoped3A : memref<!tpu.dma_semaphore, #tpu.memory_space<semaphore_mem>>)
      %dma_wait3A_153 = arith.constant 0 : i32
      %dma_wait3A_154 = tpu.memref_slice %arg11[%add3A, %dma_wait3A_153] : memref<32x80xi32, #tpu.memory_space<hbm>> -> memref<1x80xi32, #tpu.memory_space<hbm>>
      %dma_wait3A_155 = tpu.memref_squeeze %dma_wait3A_154 : memref<1x80xi32, #tpu.memory_space<hbm>> -> memref<80xi32, #tpu.memory_space<hbm>>
      %dma_wait3A_156 = arith.constant 0 : i32
      %dma_wait3A_157 = tpu.memref_slice %arg11[%add3A, %dma_wait3A_156] : memref<32x80xi32, #tpu.memory_space<hbm>> -> memref<1x80xi32, #tpu.memory_space<hbm>>
      %dma_wait3A_158 = tpu.memref_squeeze %dma_wait3A_157 : memref<1x80xi32, #tpu.memory_space<hbm>> -> memref<80xi32, #tpu.memory_space<hbm>>
      tpu.wait_dma2 semaphore(%run_scoped3A : memref<!tpu.dma_semaphore, #tpu.memory_space<semaphore_mem>>) src(%dma_wait3A_158 : memref<80xi32, #tpu.memory_space<hbm>>) dst(%arg25 : memref<80xi32, #tpu.memory_space<vmem>>)
      tpu.yield
    }) : () -> ()
    "tpu.region"() ({
      %run_scoped3A = tpu.sem_alloc : memref<!tpu.dma_semaphore, #tpu.memory_space<semaphore_mem>>
      %dma_start3A_147 = arith.constant 0 : i32
      %dma_start3A_148 = tpu.memref_slice %arg12[%add3A, %dma_start3A_147] : memref<32x64xi32, #tpu.memory_space<hbm>> -> memref<1x64xi32, #tpu.memory_space<hbm>>
      %dma_start3A_149 = tpu.memref_squeeze %dma_start3A_148 : memref<1x64xi32, #tpu.memory_space<hbm>> -> memref<64xi32, #tpu.memory_space<hbm>>
      %dma_start3A_150 = arith.constant 0 : i32
      %dma_start3A_151 = tpu.memref_slice %arg12[%add3A, %dma_start3A_150] : memref<32x64xi32, #tpu.memory_space<hbm>> -> memref<1x64xi32, #tpu.memory_space<hbm>>
      %dma_start3A_152 = tpu.memref_squeeze %dma_start3A_151 : memref<1x64xi32, #tpu.memory_space<hbm>> -> memref<64xi32, #tpu.memory_space<hbm>>
      tpu.enqueue_dma source(%dma_start3A_152 : memref<64xi32, #tpu.memory_space<hbm>>) target(%arg26 : memref<64xi32, #tpu.memory_space<vmem>>) target_semaphore(%run_scoped3A : memref<!tpu.dma_semaphore, #tpu.memory_space<semaphore_mem>>)
      %dma_wait3A_153 = arith.constant 0 : i32
      %dma_wait3A_154 = tpu.memref_slice %arg12[%add3A, %dma_wait3A_153] : memref<32x64xi32, #tpu.memory_space<hbm>> -> memref<1x64xi32, #tpu.memory_space<hbm>>
      %dma_wait3A_155 = tpu.memref_squeeze %dma_wait3A_154 : memref<1x64xi32, #tpu.memory_space<hbm>> -> memref<64xi32, #tpu.memory_space<hbm>>
      %dma_wait3A_156 = arith.constant 0 : i32
      %dma_wait3A_157 = tpu.memref_slice %arg12[%add3A, %dma_wait3A_156] : memref<32x64xi32, #tpu.memory_space<hbm>> -> memref<1x64xi32, #tpu.memory_space<hbm>>
      %dma_wait3A_158 = tpu.memref_squeeze %dma_wait3A_157 : memref<1x64xi32, #tpu.memory_space<hbm>> -> memref<64xi32, #tpu.memory_space<hbm>>
      tpu.wait_dma2 semaphore(%run_scoped3A : memref<!tpu.dma_semaphore, #tpu.memory_space<semaphore_mem>>) src(%dma_wait3A_158 : memref<64xi32, #tpu.memory_space<hbm>>) dst(%arg26 : memref<64xi32, #tpu.memory_space<vmem>>)
      tpu.yield
    }) : () -> ()
    "tpu.region"() ({
      %run_scoped3A = tpu.sem_alloc : memref<!tpu.dma_semaphore, #tpu.memory_space<semaphore_mem>>
      %dma_start3A_147 = arith.constant 0 : i32
      %dma_start3A_148 = tpu.memref_slice %arg13[%add3A, %dma_start3A_147] : memref<32x64xi32, #tpu.memory_space<hbm>> -> memref<1x64xi32, #tpu.memory_space<hbm>>
      %dma_start3A_149 = tpu.memref_squeeze %dma_start3A_148 : memref<1x64xi32, #tpu.memory_space<hbm>> -> memref<64xi32, #tpu.memory_space<hbm>>
      %dma_start3A_150 = arith.constant 0 : i32
      %dma_start3A_151 = tpu.memref_slice %arg13[%add3A, %dma_start3A_150] : memref<32x64xi32, #tpu.memory_space<hbm>> -> memref<1x64xi32, #tpu.memory_space<hbm>>
      %dma_start3A_152 = tpu.memref_squeeze %dma_start3A_151 : memref<1x64xi32, #tpu.memory_space<hbm>> -> memref<64xi32, #tpu.memory_space<hbm>>
      tpu.enqueue_dma source(%dma_start3A_152 : memref<64xi32, #tpu.memory_space<hbm>>) target(%arg27 : memref<64xi32, #tpu.memory_space<vmem>>) target_semaphore(%run_scoped3A : memref<!tpu.dma_semaphore, #tpu.memory_space<semaphore_mem>>)
      %dma_wait3A_153 = arith.constant 0 : i32
      %dma_wait3A_154 = tpu.memref_slice %arg13[%add3A, %dma_wait3A_153] : memref<32x64xi32, #tpu.memory_space<hbm>> -> memref<1x64xi32, #tpu.memory_space<hbm>>
      %dma_wait3A_155 = tpu.memref_squeeze %dma_wait3A_154 : memref<1x64xi32, #tpu.memory_space<hbm>> -> memref<64xi32, #tpu.memory_space<hbm>>
      %dma_wait3A_156 = arith.constant 0 : i32
      %dma_wait3A_157 = tpu.memref_slice %arg13[%add3A, %dma_wait3A_156] : memref<32x64xi32, #tpu.memory_space<hbm>> -> memref<1x64xi32, #tpu.memory_space<hbm>>
      %dma_wait3A_158 = tpu.memref_squeeze %dma_wait3A_157 : memref<1x64xi32, #tpu.memory_space<hbm>> -> memref<64xi32, #tpu.memory_space<hbm>>
      tpu.wait_dma2 semaphore(%run_scoped3A : memref<!tpu.dma_semaphore, #tpu.memory_space<semaphore_mem>>) src(%dma_wait3A_158 : memref<64xi32, #tpu.memory_space<hbm>>) dst(%arg27 : memref<64xi32, #tpu.memory_space<vmem>>)
      tpu.yield
    }) : () -> ()
    "tpu.region"() ({
      %run_scoped3A = tpu.sem_alloc : memref<!tpu.dma_semaphore, #tpu.memory_space<semaphore_mem>>
      %dma_start3A_147 = arith.constant 0 : i32
      %dma_start3A_148 = tpu.memref_slice %arg14[%add3A, %dma_start3A_147] : memref<32x1408xi32, #tpu.memory_space<hbm>> -> memref<1x1408xi32, #tpu.memory_space<hbm>>
      %dma_start3A_149 = tpu.memref_squeeze %dma_start3A_148 : memref<1x1408xi32, #tpu.memory_space<hbm>> -> memref<1408xi32, #tpu.memory_space<hbm>>
      %dma_start3A_150 = arith.constant 0 : i32
      %dma_start3A_151 = tpu.memref_slice %arg14[%add3A, %dma_start3A_150] : memref<32x1408xi32, #tpu.memory_space<hbm>> -> memref<1x1408xi32, #tpu.memory_space<hbm>>
      %dma_start3A_152 = tpu.memref_squeeze %dma_start3A_151 : memref<1x1408xi32, #tpu.memory_space<hbm>> -> memref<1408xi32, #tpu.memory_space<hbm>>
      tpu.enqueue_dma source(%dma_start3A_152 : memref<1408xi32, #tpu.memory_space<hbm>>) target(%arg28 : memref<1408xi32, #tpu.memory_space<vmem>>) target_semaphore(%run_scoped3A : memref<!tpu.dma_semaphore, #tpu.memory_space<semaphore_mem>>)
      %dma_wait3A_153 = arith.constant 0 : i32
      %dma_wait3A_154 = tpu.memref_slice %arg14[%add3A, %dma_wait3A_153] : memref<32x1408xi32, #tpu.memory_space<hbm>> -> memref<1x1408xi32, #tpu.memory_space<hbm>>
      %dma_wait3A_155 = tpu.memref_squeeze %dma_wait3A_154 : memref<1x1408xi32, #tpu.memory_space<hbm>> -> memref<1408xi32, #tpu.memory_space<hbm>>
      %dma_wait3A_156 = arith.constant 0 : i32
      %dma_wait3A_157 = tpu.memref_slice %arg14[%add3A, %dma_wait3A_156] : memref<32x1408xi32, #tpu.memory_space<hbm>> -> memref<1x1408xi32, #tpu.memory_space<hbm>>
      %dma_wait3A_158 = tpu.memref_squeeze %dma_wait3A_157 : memref<1x1408xi32, #tpu.memory_space<hbm>> -> memref<1408xi32, #tpu.memory_space<hbm>>
      tpu.wait_dma2 semaphore(%run_scoped3A : memref<!tpu.dma_semaphore, #tpu.memory_space<semaphore_mem>>) src(%dma_wait3A_158 : memref<1408xi32, #tpu.memory_space<hbm>>) dst(%arg28 : memref<1408xi32, #tpu.memory_space<vmem>>)
      tpu.yield
    }) : () -> ()
    "tpu.region"() ({
      %run_scoped3A = tpu.sem_alloc : memref<!tpu.dma_semaphore, #tpu.memory_space<semaphore_mem>>
      %dma_start3A_147 = arith.constant 0 : i32
      %dma_start3A_148 = tpu.memref_slice %arg5[%add3A, %dma_start3A_147] : memref<32x1408xi32, #tpu.memory_space<hbm>> -> memref<1x1408xi32, #tpu.memory_space<hbm>>
      %dma_start3A_149 = tpu.memref_squeeze %dma_start3A_148 : memref<1x1408xi32, #tpu.memory_space<hbm>> -> memref<1408xi32, #tpu.memory_space<hbm>>
      %dma_start3A_150 = arith.constant 0 : i32
      %dma_start3A_151 = tpu.memref_slice %arg5[%add3A, %dma_start3A_150] : memref<32x1408xi32, #tpu.memory_space<hbm>> -> memref<1x1408xi32, #tpu.memory_space<hbm>>
      %dma_start3A_152 = tpu.memref_squeeze %dma_start3A_151 : memref<1x1408xi32, #tpu.memory_space<hbm>> -> memref<1408xi32, #tpu.memory_space<hbm>>
      tpu.enqueue_dma source(%dma_start3A_152 : memref<1408xi32, #tpu.memory_space<hbm>>) target(%arg19 : memref<1408xi32, #tpu.memory_space<vmem>>) target_semaphore(%run_scoped3A : memref<!tpu.dma_semaphore, #tpu.memory_space<semaphore_mem>>)
      %dma_wait3A_153 = arith.constant 0 : i32
      %dma_wait3A_154 = tpu.memref_slice %arg5[%add3A, %dma_wait3A_153] : memref<32x1408xi32, #tpu.memory_space<hbm>> -> memref<1x1408xi32, #tpu.memory_space<hbm>>
      %dma_wait3A_155 = tpu.memref_squeeze %dma_wait3A_154 : memref<1x1408xi32, #tpu.memory_space<hbm>> -> memref<1408xi32, #tpu.memory_space<hbm>>
      %dma_wait3A_156 = arith.constant 0 : i32
      %dma_wait3A_157 = tpu.memref_slice %arg5[%add3A, %dma_wait3A_156] : memref<32x1408xi32, #tpu.memory_space<hbm>> -> memref<1x1408xi32, #tpu.memory_space<hbm>>
      %dma_wait3A_158 = tpu.memref_squeeze %dma_wait3A_157 : memref<1x1408xi32, #tpu.memory_space<hbm>> -> memref<1408xi32, #tpu.memory_space<hbm>>
      tpu.wait_dma2 semaphore(%run_scoped3A : memref<!tpu.dma_semaphore, #tpu.memory_space<semaphore_mem>>) src(%dma_wait3A_158 : memref<1408xi32, #tpu.memory_space<hbm>>) dst(%arg19 : memref<1408xi32, #tpu.memory_space<vmem>>)
      tpu.yield
    }) : () -> ()
    "tpu.region"() ({
      %run_scoped3A = tpu.sem_alloc : memref<!tpu.dma_semaphore, #tpu.memory_space<semaphore_mem>>
      tpu.enqueue_dma source(%arg4 : memref<128xf32, #tpu.memory_space<hbm>>) target(%arg20 : memref<128xf32, #tpu.memory_space<vmem>>) target_semaphore(%run_scoped3A : memref<!tpu.dma_semaphore, #tpu.memory_space<semaphore_mem>>)
      tpu.wait_dma2 semaphore(%run_scoped3A : memref<!tpu.dma_semaphore, #tpu.memory_space<semaphore_mem>>) src(%arg4 : memref<128xf32, #tpu.memory_space<hbm>>) dst(%arg20 : memref<128xf32, #tpu.memory_space<vmem>>)
      tpu.yield
    }) : () -> ()
    %dma_start3A = arith.constant 0 : i32
    %dma_start3A_1 = tpu.memref_slice %arg18[%dma_start3A] : memref<1408xf32, #tpu.memory_space<vmem>> -> memref<128xf32, #tpu.memory_space<vmem>>
    %dma_start3A_2 = arith.constant 0 : i32
    %dma_start3A_3 = tpu.memref_slice %arg19[%dma_start3A_2] : memref<1408xi32, #tpu.memory_space<vmem>> -> memref<128xi32, #tpu.memory_space<vmem>>
    %dma_start3A_4 = arith.constant 0 : i32
    %dma_start3A_5 = tpu.memref_slice %arg3[%dma_start3A_4] : memref<6291456xf32, #tpu.memory_space<hbm>> -> memref<6291456xf32, #tpu.memory_space<hbm>>
    tpu.enqueue_indirect_dma source(%dma_start3A_5 : memref<6291456xf32, #tpu.memory_space<hbm>>) target(%dma_start3A_1 : memref<128xf32, #tpu.memory_space<vmem>>) offsets(%dma_start3A_3 : memref<128xi32, #tpu.memory_space<vmem>>) semaphore(%arg29 : memref<!tpu.dma_semaphore, #tpu.memory_space<semaphore_mem>>)
    %dma_wait3A = arith.constant 0 : i32
    %dma_wait3A_6 = tpu.memref_slice %arg18[%dma_wait3A] : memref<1408xf32, #tpu.memory_space<vmem>> -> memref<128xf32, #tpu.memory_space<vmem>>
    %dma_wait3A_7 = arith.constant 0 : i32
    %dma_wait3A_8 = tpu.memref_slice %arg19[%dma_wait3A_7] : memref<1408xi32, #tpu.memory_space<vmem>> -> memref<128xi32, #tpu.memory_space<vmem>>
    %dma_wait3A_9 = arith.constant 0 : i32
    %dma_wait3A_10 = tpu.memref_slice %arg3[%dma_wait3A_9] : memref<6291456xf32, #tpu.memory_space<hbm>> -> memref<6291456xf32, #tpu.memory_space<hbm>>
    tpu.wait_indirect_dma semaphore(%arg29 : memref<!tpu.dma_semaphore, #tpu.memory_space<semaphore_mem>>) src(%dma_wait3A_10 : memref<6291456xf32, #tpu.memory_space<hbm>>) dst(%dma_wait3A_6 : memref<128xf32, #tpu.memory_space<vmem>>)
    %dma_start3A_11 = arith.constant 128 : i32
    %dma_start3A_12 = tpu.memref_slice %arg18[%dma_start3A_11] : memref<1408xf32, #tpu.memory_space<vmem>> -> memref<128xf32, #tpu.memory_space<vmem>>
    %dma_start3A_13 = arith.constant 128 : i32
    %dma_start3A_14 = tpu.memref_slice %arg19[%dma_start3A_13] : memref<1408xi32, #tpu.memory_space<vmem>> -> memref<128xi32, #tpu.memory_space<vmem>>
    %dma_start3A_15 = arith.constant 0 : i32
    %dma_start3A_16 = tpu.memref_slice %arg3[%dma_start3A_15] : memref<6291456xf32, #tpu.memory_space<hbm>> -> memref<6291456xf32, #tpu.memory_space<hbm>>
    tpu.enqueue_indirect_dma source(%dma_start3A_16 : memref<6291456xf32, #tpu.memory_space<hbm>>) target(%dma_start3A_12 : memref<128xf32, #tpu.memory_space<vmem>>) offsets(%dma_start3A_14 : memref<128xi32, #tpu.memory_space<vmem>>) semaphore(%arg29 : memref<!tpu.dma_semaphore, #tpu.memory_space<semaphore_mem>>)
    %dma_wait3A_17 = arith.constant 128 : i32
    %dma_wait3A_18 = tpu.memref_slice %arg18[%dma_wait3A_17] : memref<1408xf32, #tpu.memory_space<vmem>> -> memref<128xf32, #tpu.memory_space<vmem>>
    %dma_wait3A_19 = arith.constant 128 : i32
    %dma_wait3A_20 = tpu.memref_slice %arg19[%dma_wait3A_19] : memref<1408xi32, #tpu.memory_space<vmem>> -> memref<128xi32, #tpu.memory_space<vmem>>
    %dma_wait3A_21 = arith.constant 0 : i32
    %dma_wait3A_22 = tpu.memref_slice %arg3[%dma_wait3A_21] : memref<6291456xf32, #tpu.memory_space<hbm>> -> memref<6291456xf32, #tpu.memory_space<hbm>>
    tpu.wait_indirect_dma semaphore(%arg29 : memref<!tpu.dma_semaphore, #tpu.memory_space<semaphore_mem>>) src(%dma_wait3A_22 : memref<6291456xf32, #tpu.memory_space<hbm>>) dst(%dma_wait3A_18 : memref<128xf32, #tpu.memory_space<vmem>>)
    %dma_start3A_23 = arith.constant 256 : i32
    %dma_start3A_24 = tpu.memref_slice %arg18[%dma_start3A_23] : memref<1408xf32, #tpu.memory_space<vmem>> -> memref<128xf32, #tpu.memory_space<vmem>>
    %dma_start3A_25 = arith.constant 256 : i32
    %dma_start3A_26 = tpu.memref_slice %arg19[%dma_start3A_25] : memref<1408xi32, #tpu.memory_space<vmem>> -> memref<128xi32, #tpu.memory_space<vmem>>
    %dma_start3A_27 = arith.constant 0 : i32
    %dma_start3A_28 = tpu.memref_slice %arg3[%dma_start3A_27] : memref<6291456xf32, #tpu.memory_space<hbm>> -> memref<6291456xf32, #tpu.memory_space<hbm>>
    tpu.enqueue_indirect_dma source(%dma_start3A_28 : memref<6291456xf32, #tpu.memory_space<hbm>>) target(%dma_start3A_24 : memref<128xf32, #tpu.memory_space<vmem>>) offsets(%dma_start3A_26 : memref<128xi32, #tpu.memory_space<vmem>>) semaphore(%arg29 : memref<!tpu.dma_semaphore, #tpu.memory_space<semaphore_mem>>)
    %dma_wait3A_29 = arith.constant 256 : i32
    %dma_wait3A_30 = tpu.memref_slice %arg18[%dma_wait3A_29] : memref<1408xf32, #tpu.memory_space<vmem>> -> memref<128xf32, #tpu.memory_space<vmem>>
    %dma_wait3A_31 = arith.constant 256 : i32
    %dma_wait3A_32 = tpu.memref_slice %arg19[%dma_wait3A_31] : memref<1408xi32, #tpu.memory_space<vmem>> -> memref<128xi32, #tpu.memory_space<vmem>>
    %dma_wait3A_33 = arith.constant 0 : i32
    %dma_wait3A_34 = tpu.memref_slice %arg3[%dma_wait3A_33] : memref<6291456xf32, #tpu.memory_space<hbm>> -> memref<6291456xf32, #tpu.memory_space<hbm>>
    tpu.wait_indirect_dma semaphore(%arg29 : memref<!tpu.dma_semaphore, #tpu.memory_space<semaphore_mem>>) src(%dma_wait3A_34 : memref<6291456xf32, #tpu.memory_space<hbm>>) dst(%dma_wait3A_30 : memref<128xf32, #tpu.memory_space<vmem>>)
    %dma_start3A_35 = arith.constant 384 : i32
    %dma_start3A_36 = tpu.memref_slice %arg18[%dma_start3A_35] : memref<1408xf32, #tpu.memory_space<vmem>> -> memref<128xf32, #tpu.memory_space<vmem>>
    %dma_start3A_37 = arith.constant 384 : i32
    %dma_start3A_38 = tpu.memref_slice %arg19[%dma_start3A_37] : memref<1408xi32, #tpu.memory_space<vmem>> -> memref<128xi32, #tpu.memory_space<vmem>>
    %dma_start3A_39 = arith.constant 0 : i32
    %dma_start3A_40 = tpu.memref_slice %arg3[%dma_start3A_39] : memref<6291456xf32, #tpu.memory_space<hbm>> -> memref<6291456xf32, #tpu.memory_space<hbm>>
    tpu.enqueue_indirect_dma source(%dma_start3A_40 : memref<6291456xf32, #tpu.memory_space<hbm>>) target(%dma_start3A_36 : memref<128xf32, #tpu.memory_space<vmem>>) offsets(%dma_start3A_38 : memref<128xi32, #tpu.memory_space<vmem>>) semaphore(%arg29 : memref<!tpu.dma_semaphore, #tpu.memory_space<semaphore_mem>>)
    %dma_wait3A_41 = arith.constant 384 : i32
    %dma_wait3A_42 = tpu.memref_slice %arg18[%dma_wait3A_41] : memref<1408xf32, #tpu.memory_space<vmem>> -> memref<128xf32, #tpu.memory_space<vmem>>
    %dma_wait3A_43 = arith.constant 384 : i32
    %dma_wait3A_44 = tpu.memref_slice %arg19[%dma_wait3A_43] : memref<1408xi32, #tpu.memory_space<vmem>> -> memref<128xi32, #tpu.memory_space<vmem>>
    %dma_wait3A_45 = arith.constant 0 : i32
    %dma_wait3A_46 = tpu.memref_slice %arg3[%dma_wait3A_45] : memref<6291456xf32, #tpu.memory_space<hbm>> -> memref<6291456xf32, #tpu.memory_space<hbm>>
    tpu.wait_indirect_dma semaphore(%arg29 : memref<!tpu.dma_semaphore, #tpu.memory_space<semaphore_mem>>) src(%dma_wait3A_46 : memref<6291456xf32, #tpu.memory_space<hbm>>) dst(%dma_wait3A_42 : memref<128xf32, #tpu.memory_space<vmem>>)
    %dma_start3A_47 = arith.constant 512 : i32
    %dma_start3A_48 = tpu.memref_slice %arg18[%dma_start3A_47] : memref<1408xf32, #tpu.memory_space<vmem>> -> memref<128xf32, #tpu.memory_space<vmem>>
    %dma_start3A_49 = arith.constant 512 : i32
    %dma_start3A_50 = tpu.memref_slice %arg19[%dma_start3A_49] : memref<1408xi32, #tpu.memory_space<vmem>> -> memref<128xi32, #tpu.memory_space<vmem>>
    %dma_start3A_51 = arith.constant 0 : i32
    %dma_start3A_52 = tpu.memref_slice %arg3[%dma_start3A_51] : memref<6291456xf32, #tpu.memory_space<hbm>> -> memref<6291456xf32, #tpu.memory_space<hbm>>
    tpu.enqueue_indirect_dma source(%dma_start3A_52 : memref<6291456xf32, #tpu.memory_space<hbm>>) target(%dma_start3A_48 : memref<128xf32, #tpu.memory_space<vmem>>) offsets(%dma_start3A_50 : memref<128xi32, #tpu.memory_space<vmem>>) semaphore(%arg29 : memref<!tpu.dma_semaphore, #tpu.memory_space<semaphore_mem>>)
    %dma_wait3A_53 = arith.constant 512 : i32
    %dma_wait3A_54 = tpu.memref_slice %arg18[%dma_wait3A_53] : memref<1408xf32, #tpu.memory_space<vmem>> -> memref<128xf32, #tpu.memory_space<vmem>>
    %dma_wait3A_55 = arith.constant 512 : i32
    %dma_wait3A_56 = tpu.memref_slice %arg19[%dma_wait3A_55] : memref<1408xi32, #tpu.memory_space<vmem>> -> memref<128xi32, #tpu.memory_space<vmem>>
    %dma_wait3A_57 = arith.constant 0 : i32
    %dma_wait3A_58 = tpu.memref_slice %arg3[%dma_wait3A_57] : memref<6291456xf32, #tpu.memory_space<hbm>> -> memref<6291456xf32, #tpu.memory_space<hbm>>
    tpu.wait_indirect_dma semaphore(%arg29 : memref<!tpu.dma_semaphore, #tpu.memory_space<semaphore_mem>>) src(%dma_wait3A_58 : memref<6291456xf32, #tpu.memory_space<hbm>>) dst(%dma_wait3A_54 : memref<128xf32, #tpu.memory_space<vmem>>)
    %dma_start3A_59 = arith.constant 640 : i32
    %dma_start3A_60 = tpu.memref_slice %arg18[%dma_start3A_59] : memref<1408xf32, #tpu.memory_space<vmem>> -> memref<128xf32, #tpu.memory_space<vmem>>
    %dma_start3A_61 = arith.constant 640 : i32
    %dma_start3A_62 = tpu.memref_slice %arg19[%dma_start3A_61] : memref<1408xi32, #tpu.memory_space<vmem>> -> memref<128xi32, #tpu.memory_space<vmem>>
    %dma_start3A_63 = arith.constant 0 : i32
    %dma_start3A_64 = tpu.memref_slice %arg3[%dma_start3A_63] : memref<6291456xf32, #tpu.memory_space<hbm>> -> memref<6291456xf32, #tpu.memory_space<hbm>>
    tpu.enqueue_indirect_dma source(%dma_start3A_64 : memref<6291456xf32, #tpu.memory_space<hbm>>) target(%dma_start3A_60 : memref<128xf32, #tpu.memory_space<vmem>>) offsets(%dma_start3A_62 : memref<128xi32, #tpu.memory_space<vmem>>) semaphore(%arg29 : memref<!tpu.dma_semaphore, #tpu.memory_space<semaphore_mem>>)
    %dma_wait3A_65 = arith.constant 640 : i32
    %dma_wait3A_66 = tpu.memref_slice %arg18[%dma_wait3A_65] : memref<1408xf32, #tpu.memory_space<vmem>> -> memref<128xf32, #tpu.memory_space<vmem>>
    %dma_wait3A_67 = arith.constant 640 : i32
    %dma_wait3A_68 = tpu.memref_slice %arg19[%dma_wait3A_67] : memref<1408xi32, #tpu.memory_space<vmem>> -> memref<128xi32, #tpu.memory_space<vmem>>
    %dma_wait3A_69 = arith.constant 0 : i32
    %dma_wait3A_70 = tpu.memref_slice %arg3[%dma_wait3A_69] : memref<6291456xf32, #tpu.memory_space<hbm>> -> memref<6291456xf32, #tpu.memory_space<hbm>>
    tpu.wait_indirect_dma semaphore(%arg29 : memref<!tpu.dma_semaphore, #tpu.memory_space<semaphore_mem>>) src(%dma_wait3A_70 : memref<6291456xf32, #tpu.memory_space<hbm>>) dst(%dma_wait3A_66 : memref<128xf32, #tpu.memory_space<vmem>>)
    %dma_start3A_71 = arith.constant 768 : i32
    %dma_start3A_72 = tpu.memref_slice %arg18[%dma_start3A_71] : memref<1408xf32, #tpu.memory_space<vmem>> -> memref<128xf32, #tpu.memory_space<vmem>>
    %dma_start3A_73 = arith.constant 768 : i32
    %dma_start3A_74 = tpu.memref_slice %arg19[%dma_start3A_73] : memref<1408xi32, #tpu.memory_space<vmem>> -> memref<128xi32, #tpu.memory_space<vmem>>
    %dma_start3A_75 = arith.constant 0 : i32
    %dma_start3A_76 = tpu.memref_slice %arg3[%dma_start3A_75] : memref<6291456xf32, #tpu.memory_space<hbm>> -> memref<6291456xf32, #tpu.memory_space<hbm>>
    tpu.enqueue_indirect_dma source(%dma_start3A_76 : memref<6291456xf32, #tpu.memory_space<hbm>>) target(%dma_start3A_72 : memref<128xf32, #tpu.memory_space<vmem>>) offsets(%dma_start3A_74 : memref<128xi32, #tpu.memory_space<vmem>>) semaphore(%arg29 : memref<!tpu.dma_semaphore, #tpu.memory_space<semaphore_mem>>)
    %dma_wait3A_77 = arith.constant 768 : i32
    %dma_wait3A_78 = tpu.memref_slice %arg18[%dma_wait3A_77] : memref<1408xf32, #tpu.memory_space<vmem>> -> memref<128xf32, #tpu.memory_space<vmem>>
    %dma_wait3A_79 = arith.constant 768 : i32
    %dma_wait3A_80 = tpu.memref_slice %arg19[%dma_wait3A_79] : memref<1408xi32, #tpu.memory_space<vmem>> -> memref<128xi32, #tpu.memory_space<vmem>>
    %dma_wait3A_81 = arith.constant 0 : i32
    %dma_wait3A_82 = tpu.memref_slice %arg3[%dma_wait3A_81] : memref<6291456xf32, #tpu.memory_space<hbm>> -> memref<6291456xf32, #tpu.memory_space<hbm>>
    tpu.wait_indirect_dma semaphore(%arg29 : memref<!tpu.dma_semaphore, #tpu.memory_space<semaphore_mem>>) src(%dma_wait3A_82 : memref<6291456xf32, #tpu.memory_space<hbm>>) dst(%dma_wait3A_78 : memref<128xf32, #tpu.memory_space<vmem>>)
    %dma_start3A_83 = arith.constant 896 : i32
    %dma_start3A_84 = tpu.memref_slice %arg18[%dma_start3A_83] : memref<1408xf32, #tpu.memory_space<vmem>> -> memref<128xf32, #tpu.memory_space<vmem>>
    %dma_start3A_85 = arith.constant 896 : i32
    %dma_start3A_86 = tpu.memref_slice %arg19[%dma_start3A_85] : memref<1408xi32, #tpu.memory_space<vmem>> -> memref<128xi32, #tpu.memory_space<vmem>>
    %dma_start3A_87 = arith.constant 0 : i32
    %dma_start3A_88 = tpu.memref_slice %arg3[%dma_start3A_87] : memref<6291456xf32, #tpu.memory_space<hbm>> -> memref<6291456xf32, #tpu.memory_space<hbm>>
    tpu.enqueue_indirect_dma source(%dma_start3A_88 : memref<6291456xf32, #tpu.memory_space<hbm>>) target(%dma_start3A_84 : memref<128xf32, #tpu.memory_space<vmem>>) offsets(%dma_start3A_86 : memref<128xi32, #tpu.memory_space<vmem>>) semaphore(%arg29 : memref<!tpu.dma_semaphore, #tpu.memory_space<semaphore_mem>>)
    %dma_wait3A_89 = arith.constant 896 : i32
    %dma_wait3A_90 = tpu.memref_slice %arg18[%dma_wait3A_89] : memref<1408xf32, #tpu.memory_space<vmem>> -> memref<128xf32, #tpu.memory_space<vmem>>
    %dma_wait3A_91 = arith.constant 896 : i32
    %dma_wait3A_92 = tpu.memref_slice %arg19[%dma_wait3A_91] : memref<1408xi32, #tpu.memory_space<vmem>> -> memref<128xi32, #tpu.memory_space<vmem>>
    %dma_wait3A_93 = arith.constant 0 : i32
    %dma_wait3A_94 = tpu.memref_slice %arg3[%dma_wait3A_93] : memref<6291456xf32, #tpu.memory_space<hbm>> -> memref<6291456xf32, #tpu.memory_space<hbm>>
    tpu.wait_indirect_dma semaphore(%arg29 : memref<!tpu.dma_semaphore, #tpu.memory_space<semaphore_mem>>) src(%dma_wait3A_94 : memref<6291456xf32, #tpu.memory_space<hbm>>) dst(%dma_wait3A_90 : memref<128xf32, #tpu.memory_space<vmem>>)
    %dma_start3A_95 = arith.constant 1024 : i32
    %dma_start3A_96 = tpu.memref_slice %arg18[%dma_start3A_95] : memref<1408xf32, #tpu.memory_space<vmem>> -> memref<128xf32, #tpu.memory_space<vmem>>
    %dma_start3A_97 = arith.constant 1024 : i32
    %dma_start3A_98 = tpu.memref_slice %arg19[%dma_start3A_97] : memref<1408xi32, #tpu.memory_space<vmem>> -> memref<128xi32, #tpu.memory_space<vmem>>
    %dma_start3A_99 = arith.constant 0 : i32
    %dma_start3A_100 = tpu.memref_slice %arg3[%dma_start3A_99] : memref<6291456xf32, #tpu.memory_space<hbm>> -> memref<6291456xf32, #tpu.memory_space<hbm>>
    tpu.enqueue_indirect_dma source(%dma_start3A_100 : memref<6291456xf32, #tpu.memory_space<hbm>>) target(%dma_start3A_96 : memref<128xf32, #tpu.memory_space<vmem>>) offsets(%dma_start3A_98 : memref<128xi32, #tpu.memory_space<vmem>>) semaphore(%arg29 : memref<!tpu.dma_semaphore, #tpu.memory_space<semaphore_mem>>)
    %dma_wait3A_101 = arith.constant 1024 : i32
    %dma_wait3A_102 = tpu.memref_slice %arg18[%dma_wait3A_101] : memref<1408xf32, #tpu.memory_space<vmem>> -> memref<128xf32, #tpu.memory_space<vmem>>
    %dma_wait3A_103 = arith.constant 1024 : i32
    %dma_wait3A_104 = tpu.memref_slice %arg19[%dma_wait3A_103] : memref<1408xi32, #tpu.memory_space<vmem>> -> memref<128xi32, #tpu.memory_space<vmem>>
    %dma_wait3A_105 = arith.constant 0 : i32
    %dma_wait3A_106 = tpu.memref_slice %arg3[%dma_wait3A_105] : memref<6291456xf32, #tpu.memory_space<hbm>> -> memref<6291456xf32, #tpu.memory_space<hbm>>
    tpu.wait_indirect_dma semaphore(%arg29 : memref<!tpu.dma_semaphore, #tpu.memory_space<semaphore_mem>>) src(%dma_wait3A_106 : memref<6291456xf32, #tpu.memory_space<hbm>>) dst(%dma_wait3A_102 : memref<128xf32, #tpu.memory_space<vmem>>)
    %dma_start3A_107 = arith.constant 1152 : i32
    %dma_start3A_108 = tpu.memref_slice %arg18[%dma_start3A_107] : memref<1408xf32, #tpu.memory_space<vmem>> -> memref<128xf32, #tpu.memory_space<vmem>>
    %dma_start3A_109 = arith.constant 1152 : i32
    %dma_start3A_110 = tpu.memref_slice %arg19[%dma_start3A_109] : memref<1408xi32, #tpu.memory_space<vmem>> -> memref<128xi32, #tpu.memory_space<vmem>>
    %dma_start3A_111 = arith.constant 0 : i32
    %dma_start3A_112 = tpu.memref_slice %arg3[%dma_start3A_111] : memref<6291456xf32, #tpu.memory_space<hbm>> -> memref<6291456xf32, #tpu.memory_space<hbm>>
    tpu.enqueue_indirect_dma source(%dma_start3A_112 : memref<6291456xf32, #tpu.memory_space<hbm>>) target(%dma_start3A_108 : memref<128xf32, #tpu.memory_space<vmem>>) offsets(%dma_start3A_110 : memref<128xi32, #tpu.memory_space<vmem>>) semaphore(%arg29 : memref<!tpu.dma_semaphore, #tpu.memory_space<semaphore_mem>>)
    %dma_wait3A_113 = arith.constant 1152 : i32
    %dma_wait3A_114 = tpu.memref_slice %arg18[%dma_wait3A_113] : memref<1408xf32, #tpu.memory_space<vmem>> -> memref<128xf32, #tpu.memory_space<vmem>>
    %dma_wait3A_115 = arith.constant 1152 : i32
    %dma_wait3A_116 = tpu.memref_slice %arg19[%dma_wait3A_115] : memref<1408xi32, #tpu.memory_space<vmem>> -> memref<128xi32, #tpu.memory_space<vmem>>
    %dma_wait3A_117 = arith.constant 0 : i32
    %dma_wait3A_118 = tpu.memref_slice %arg3[%dma_wait3A_117] : memref<6291456xf32, #tpu.memory_space<hbm>> -> memref<6291456xf32, #tpu.memory_space<hbm>>
    tpu.wait_indirect_dma semaphore(%arg29 : memref<!tpu.dma_semaphore, #tpu.memory_space<semaphore_mem>>) src(%dma_wait3A_118 : memref<6291456xf32, #tpu.memory_space<hbm>>) dst(%dma_wait3A_114 : memref<128xf32, #tpu.memory_space<vmem>>)
    %dma_start3A_119 = arith.constant 1280 : i32
    %dma_start3A_120 = tpu.memref_slice %arg18[%dma_start3A_119] : memref<1408xf32, #tpu.memory_space<vmem>> -> memref<128xf32, #tpu.memory_space<vmem>>
    %dma_start3A_121 = arith.constant 1280 : i32
    %dma_start3A_122 = tpu.memref_slice %arg19[%dma_start3A_121] : memref<1408xi32, #tpu.memory_space<vmem>> -> memref<128xi32, #tpu.memory_space<vmem>>
    %dma_start3A_123 = arith.constant 0 : i32
    %dma_start3A_124 = tpu.memref_slice %arg3[%dma_start3A_123] : memref<6291456xf32, #tpu.memory_space<hbm>> -> memref<6291456xf32, #tpu.memory_space<hbm>>
    tpu.enqueue_indirect_dma source(%dma_start3A_124 : memref<6291456xf32, #tpu.memory_space<hbm>>) target(%dma_start3A_120 : memref<128xf32, #tpu.memory_space<vmem>>) offsets(%dma_start3A_122 : memref<128xi32, #tpu.memory_space<vmem>>) semaphore(%arg29 : memref<!tpu.dma_semaphore, #tpu.memory_space<semaphore_mem>>)
    %dma_wait3A_125 = arith.constant 1280 : i32
    %dma_wait3A_126 = tpu.memref_slice %arg18[%dma_wait3A_125] : memref<1408xf32, #tpu.memory_space<vmem>> -> memref<128xf32, #tpu.memory_space<vmem>>
    %dma_wait3A_127 = arith.constant 1280 : i32
    %dma_wait3A_128 = tpu.memref_slice %arg19[%dma_wait3A_127] : memref<1408xi32, #tpu.memory_space<vmem>> -> memref<128xi32, #tpu.memory_space<vmem>>
    %dma_wait3A_129 = arith.constant 0 : i32
    %dma_wait3A_130 = tpu.memref_slice %arg3[%dma_wait3A_129] : memref<6291456xf32, #tpu.memory_space<hbm>> -> memref<6291456xf32, #tpu.memory_space<hbm>>
    tpu.wait_indirect_dma semaphore(%arg29 : memref<!tpu.dma_semaphore, #tpu.memory_space<semaphore_mem>>) src(%dma_wait3A_130 : memref<6291456xf32, #tpu.memory_space<hbm>>) dst(%dma_wait3A_126 : memref<128xf32, #tpu.memory_space<vmem>>)
    "tpu.region"() ({
      %run_scoped3A = tpu.sem_alloc : memref<!tpu.dma_semaphore, #tpu.memory_space<semaphore_mem>>
      %dma_start3A_147 = arith.constant 0 : i32
      %dma_start3A_148 = tpu.memref_slice %arg6[%add3A, %dma_start3A_147] : memref<32x1408xi32, #tpu.memory_space<hbm>> -> memref<1x1408xi32, #tpu.memory_space<hbm>>
      %dma_start3A_149 = tpu.memref_squeeze %dma_start3A_148 : memref<1x1408xi32, #tpu.memory_space<hbm>> -> memref<1408xi32, #tpu.memory_space<hbm>>
      %dma_start3A_150 = arith.constant 0 : i32
      %dma_start3A_151 = tpu.memref_slice %arg6[%add3A, %dma_start3A_150] : memref<32x1408xi32, #tpu.memory_space<hbm>> -> memref<1x1408xi32, #tpu.memory_space<hbm>>
      %dma_start3A_152 = tpu.memref_squeeze %dma_start3A_151 : memref<1x1408xi32, #tpu.memory_space<hbm>> -> memref<1408xi32, #tpu.memory_space<hbm>>
      tpu.enqueue_dma source(%dma_start3A_152 : memref<1408xi32, #tpu.memory_space<hbm>>) target(%arg19 : memref<1408xi32, #tpu.memory_space<vmem>>) target_semaphore(%run_scoped3A : memref<!tpu.dma_semaphore, #tpu.memory_space<semaphore_mem>>)
      %dma_wait3A_153 = arith.constant 0 : i32
      %dma_wait3A_154 = tpu.memref_slice %arg6[%add3A, %dma_wait3A_153] : memref<32x1408xi32, #tpu.memory_space<hbm>> -> memref<1x1408xi32, #tpu.memory_space<hbm>>
      %dma_wait3A_155 = tpu.memref_squeeze %dma_wait3A_154 : memref<1x1408xi32, #tpu.memory_space<hbm>> -> memref<1408xi32, #tpu.memory_space<hbm>>
      %dma_wait3A_156 = arith.constant 0 : i32
      %dma_wait3A_157 = tpu.memref_slice %arg6[%add3A, %dma_wait3A_156] : memref<32x1408xi32, #tpu.memory_space<hbm>> -> memref<1x1408xi32, #tpu.memory_space<hbm>>
      %dma_wait3A_158 = tpu.memref_squeeze %dma_wait3A_157 : memref<1x1408xi32, #tpu.memory_space<hbm>> -> memref<1408xi32, #tpu.memory_space<hbm>>
      tpu.wait_dma2 semaphore(%run_scoped3A : memref<!tpu.dma_semaphore, #tpu.memory_space<semaphore_mem>>) src(%dma_wait3A_158 : memref<1408xi32, #tpu.memory_space<hbm>>) dst(%arg19 : memref<1408xi32, #tpu.memory_space<vmem>>)
      tpu.yield
    }) : () -> ()
    %parallel_loop3A = arith.constant 0 : i32
    %parallel_loop3A_131 = arith.constant 1408 : i32
    %parallel_loop3A_132 = arith.constant 16 : i32
    scf.for %parallel_loop3A_147 = %parallel_loop3A to %parallel_loop3A_131 step %parallel_loop3A_132  : i32 {
      %parallel_loop3A_148 = arith.index_cast %parallel_loop3A_147 : i32 to index
      %parallel_loop3A_149 = tpu.vector_load %arg19[%parallel_loop3A_148] {strides = array<i32>} : memref<1408xi32, #tpu.memory_space<vmem>>, vector<16xi32>,
      %parallel_loop3A_150 = tpu.vector_load_idx %arg20[%parallel_loop3A_149] : memref<128xf32, #tpu.memory_space<vmem>>[vector<16xi32>], vector<16xf32>,
      %parallel_loop3A_151 = arith.index_cast %parallel_loop3A_147 : i32 to index
      %parallel_loop3A_152 = tpu.vector_load %arg18[%parallel_loop3A_151] {strides = array<i32>} : memref<1408xf32, #tpu.memory_space<vmem>>, vector<16xf32>,
      %parallel_loop3A_153 = arith.mulf %parallel_loop3A_152, %parallel_loop3A_150 : vector<16xf32>
      %parallel_loop3A_154 = arith.index_cast %parallel_loop3A_147 : i32 to index
      %parallel_loop3A_155 = tpu.vector_load %arg18[%parallel_loop3A_154] {strides = array<i32>} : memref<1408xf32, #tpu.memory_space<vmem>>, vector<16xf32>,
      tpu.vector_store %arg18[%parallel_loop3A_154], %parallel_loop3A_153 {strides = array<i32>} : memref<1408xf32, #tpu.memory_space<vmem>>, vector<16xf32>,
    } {sc.loop_unroll_factor = 2 : i64, sc.parallel_access}
    %get3A = arith.constant 0 : index
    %get3A_133 = tpu.vector_load %arg21[%get3A] {strides = array<i32>} : memref<16xi32, #tpu.memory_space<vmem>>, vector<16xi32>,
    %slice3A = vector.extract_strided_slice %get3A_133 {offsets = [0], sizes = [1], strides = [1]} : vector<16xi32> to vector<1xi32>
    %squeeze3A = vector.extract %slice3A[0] : i32 from vector<1xi32>
    %while3A = arith.constant 0 : i32
    %while3A_134 = arith.constant 0 : i32
    %while3A_135 = arith.constant 0 : i32
    %while3A_136 = arith.constant 0 : i32
    %while3A_137 = arith.subi %squeeze3A, %while3A : i32
    %while3A_138 = arith.addi %while3A, %while3A_137 : i32
    %while3A_139 = arith.constant 1 : i32
    %while3A_140 = arith.divsi %while3A_137, %while3A_139 : i32
    %while3A_141 = arith.muli %while3A_140, %while3A_139 : i32
    %while3A_142 = arith.addi %while3A, %while3A_141 : i32
    %while3A_143 = arith.constant 1 : i32
    %while3A_144:3 = scf.for %while3A_147 = %while3A to %while3A_142 step %while3A_143 iter_args(%while3A_148 = %while3A_134, %while3A_149 = %while3A_135, %while3A_150 = %while3A_136) -> (i32, i32, i32)  : i32 {
      %get3A_151 = arith.index_cast %while3A_147 : i32 to index
      %get3A_152 = tpu.vector_load %arg22[%get3A_151] {strides = array<i32>} : memref<32xi32, #tpu.memory_space<vmem>>, vector<16xi32>,
      %slice3A_153 = vector.extract_strided_slice %get3A_152 {offsets = [0], sizes = [1], strides = [1]} : vector<16xi32> to vector<1xi32>
      %squeeze3A_154 = vector.extract %slice3A_153[0] : i32 from vector<1xi32>
      %while3A_155 = arith.constant 0 : i32
      %while3A_156 = arith.constant 0 : i32
      %while3A_157 = arith.subi %squeeze3A_154, %while3A_155 : i32
      %while3A_158 = arith.addi %while3A_155, %while3A_157 : i32
      %while3A_159 = arith.constant 1 : i32
      %while3A_160 = arith.divsi %while3A_157, %while3A_159 : i32
      %while3A_161 = arith.muli %while3A_160, %while3A_159 : i32
      %while3A_162 = arith.addi %while3A_155, %while3A_161 : i32
      %while3A_163 = arith.constant 1 : i32
      %while3A_164 = scf.for %while3A_195 = %while3A_155 to %while3A_162 step %while3A_163 iter_args(%while3A_196 = %while3A_156) -> (i32)  : i32 {
        %add3A_197 = arith.addi %while3A_150, %while3A_195 : i32
        %get3A_198 = arith.index_cast %add3A_197 : i32 to index
        %get3A_199 = tpu.vector_load %arg24[%get3A_198] {strides = array<i32>} : memref<80xi32, #tpu.memory_space<vmem>>, vector<16xi32>,
        %slice3A_200 = vector.extract_strided_slice %get3A_199 {offsets = [0], sizes = [1], strides = [1]} : vector<16xi32> to vector<1xi32>
        %squeeze3A_201 = vector.extract %slice3A_200[0] : i32 from vector<1xi32>
        %multiple_of3A = tpu.assume_multiple %squeeze3A_201, 10240 : i32
        %add3A_202 = arith.addi %while3A_150, %while3A_195 : i32
        %get3A_203 = arith.index_cast %add3A_202 : i32 to index
        %get3A_204 = tpu.vector_load %arg25[%get3A_203] {strides = array<i32>} : memref<80xi32, #tpu.memory_space<vmem>>, vector<16xi32>,
        %slice3A_205 = vector.extract_strided_slice %get3A_204 {offsets = [0], sizes = [1], strides = [1]} : vector<16xi32> to vector<1xi32>
        %squeeze3A_206 = vector.extract %slice3A_205[0] : i32 from vector<1xi32>
        %multiple_of3A_207 = tpu.assume_multiple %squeeze3A_206, 10240 : i32
        %dma_start3A_208 = tpu.memref_slice %arg16[%multiple_of3A] : memref<122880xf32, #tpu.memory_space<vmem>> -> memref<10240xf32, #tpu.memory_space<vmem>>
        %dma_start3A_209 = tpu.memref_slice %arg2[%multiple_of3A_207] : memref<2621440xf32, #tpu.memory_space<hbm>> -> memref<10240xf32, #tpu.memory_space<hbm>>
        %dma_start3A_210 = tpu.memref_slice %arg16[%multiple_of3A] : memref<122880xf32, #tpu.memory_space<vmem>> -> memref<10240xf32, #tpu.memory_space<vmem>>
        %dma_start3A_211 = tpu.memref_slice %arg2[%multiple_of3A_207] : memref<2621440xf32, #tpu.memory_space<hbm>> -> memref<10240xf32, #tpu.memory_space<hbm>>
        tpu.enqueue_dma source(%dma_start3A_211 : memref<10240xf32, #tpu.memory_space<hbm>>) target(%dma_start3A_210 : memref<10240xf32, #tpu.memory_space<vmem>>) target_semaphore(%arg29 : memref<!tpu.dma_semaphore, #tpu.memory_space<semaphore_mem>>)
        %while3A_212 = arith.constant 0 : i32
        scf.yield %while3A_212 : i32
      }
      %while3A_165 = arith.constant 1 : i32
      %while3A_166 = scf.for %while3A_195 = %while3A_162 to %while3A_158 step %while3A_165 iter_args(%while3A_196 = %while3A_164) -> (i32)  : i32 {
        %add3A_197 = arith.addi %while3A_150, %while3A_195 : i32
        %get3A_198 = arith.index_cast %add3A_197 : i32 to index
        %get3A_199 = tpu.vector_load %arg24[%get3A_198] {strides = array<i32>} : memref<80xi32, #tpu.memory_space<vmem>>, vector<16xi32>,
        %slice3A_200 = vector.extract_strided_slice %get3A_199 {offsets = [0], sizes = [1], strides = [1]} : vector<16xi32> to vector<1xi32>
        %squeeze3A_201 = vector.extract %slice3A_200[0] : i32 from vector<1xi32>
        %multiple_of3A = tpu.assume_multiple %squeeze3A_201, 10240 : i32
        %add3A_202 = arith.addi %while3A_150, %while3A_195 : i32
        %get3A_203 = arith.index_cast %add3A_202 : i32 to index
        %get3A_204 = tpu.vector_load %arg25[%get3A_203] {strides = array<i32>} : memref<80xi32, #tpu.memory_space<vmem>>, vector<16xi32>,
        %slice3A_205 = vector.extract_strided_slice %get3A_204 {offsets = [0], sizes = [1], strides = [1]} : vector<16xi32> to vector<1xi32>
        %squeeze3A_206 = vector.extract %slice3A_205[0] : i32 from vector<1xi32>
        %multiple_of3A_207 = tpu.assume_multiple %squeeze3A_206, 10240 : i32
        %dma_start3A_208 = tpu.memref_slice %arg16[%multiple_of3A] : memref<122880xf32, #tpu.memory_space<vmem>> -> memref<10240xf32, #tpu.memory_space<vmem>>
        %dma_start3A_209 = tpu.memref_slice %arg2[%multiple_of3A_207] : memref<2621440xf32, #tpu.memory_space<hbm>> -> memref<10240xf32, #tpu.memory_space<hbm>>
        %dma_start3A_210 = tpu.memref_slice %arg16[%multiple_of3A] : memref<122880xf32, #tpu.memory_space<vmem>> -> memref<10240xf32, #tpu.memory_space<vmem>>
        %dma_start3A_211 = tpu.memref_slice %arg2[%multiple_of3A_207] : memref<2621440xf32, #tpu.memory_space<hbm>> -> memref<10240xf32, #tpu.memory_space<hbm>>
        tpu.enqueue_dma source(%dma_start3A_211 : memref<10240xf32, #tpu.memory_space<hbm>>) target(%dma_start3A_210 : memref<10240xf32, #tpu.memory_space<vmem>>) target_semaphore(%arg29 : memref<!tpu.dma_semaphore, #tpu.memory_space<semaphore_mem>>)
        %while3A_212 = arith.constant 0 : i32
        scf.yield %while3A_212 : i32
      }
      %while3A_167 = arith.constant 0 : i32
      %while3A_168 = arith.constant 0 : i32
      %while3A_169 = arith.subi %squeeze3A_154, %while3A_167 : i32
      %while3A_170 = arith.addi %while3A_167, %while3A_169 : i32
      %while3A_171 = arith.constant 1 : i32
      %while3A_172 = arith.divsi %while3A_169, %while3A_171 : i32
      %while3A_173 = arith.muli %while3A_172, %while3A_171 : i32
      %while3A_174 = arith.addi %while3A_167, %while3A_173 : i32
      %while3A_175 = arith.constant 1 : i32
      %while3A_176 = scf.for %while3A_195 = %while3A_167 to %while3A_174 step %while3A_175 iter_args(%while3A_196 = %while3A_168) -> (i32)  : i32 {
        %dma_wait3A_197 = arith.constant 0 : i32
        %dma_wait3A_198 = tpu.memref_slice %arg16[%dma_wait3A_197] : memref<122880xf32, #tpu.memory_space<vmem>> -> memref<10240xf32, #tpu.memory_space<vmem>>
        %dma_wait3A_199 = arith.constant 0 : i32
        %dma_wait3A_200 = tpu.memref_slice %arg2[%dma_wait3A_199] : memref<2621440xf32, #tpu.memory_space<hbm>> -> memref<10240xf32, #tpu.memory_space<hbm>>
        %dma_wait3A_201 = arith.constant 0 : i32
        %dma_wait3A_202 = tpu.memref_slice %arg16[%dma_wait3A_201] : memref<122880xf32, #tpu.memory_space<vmem>> -> memref<10240xf32, #tpu.memory_space<vmem>>
        %dma_wait3A_203 = arith.constant 0 : i32
        %dma_wait3A_204 = tpu.memref_slice %arg2[%dma_wait3A_203] : memref<2621440xf32, #tpu.memory_space<hbm>> -> memref<10240xf32, #tpu.memory_space<hbm>>
        tpu.wait_dma2 semaphore(%arg29 : memref<!tpu.dma_semaphore, #tpu.memory_space<semaphore_mem>>) src(%dma_wait3A_204 : memref<10240xf32, #tpu.memory_space<hbm>>) dst(%dma_wait3A_202 : memref<10240xf32, #tpu.memory_space<vmem>>)
        %while3A_205 = arith.constant 0 : i32
        scf.yield %while3A_205 : i32
      }
      %while3A_177 = arith.constant 1 : i32
      %while3A_178 = scf.for %while3A_195 = %while3A_174 to %while3A_170 step %while3A_177 iter_args(%while3A_196 = %while3A_176) -> (i32)  : i32 {
        %dma_wait3A_197 = arith.constant 0 : i32
        %dma_wait3A_198 = tpu.memref_slice %arg16[%dma_wait3A_197] : memref<122880xf32, #tpu.memory_space<vmem>> -> memref<10240xf32, #tpu.memory_space<vmem>>
        %dma_wait3A_199 = arith.constant 0 : i32
        %dma_wait3A_200 = tpu.memref_slice %arg2[%dma_wait3A_199] : memref<2621440xf32, #tpu.memory_space<hbm>> -> memref<10240xf32, #tpu.memory_space<hbm>>
        %dma_wait3A_201 = arith.constant 0 : i32
        %dma_wait3A_202 = tpu.memref_slice %arg16[%dma_wait3A_201] : memref<122880xf32, #tpu.memory_space<vmem>> -> memref<10240xf32, #tpu.memory_space<vmem>>
        %dma_wait3A_203 = arith.constant 0 : i32
        %dma_wait3A_204 = tpu.memref_slice %arg2[%dma_wait3A_203] : memref<2621440xf32, #tpu.memory_space<hbm>> -> memref<10240xf32, #tpu.memory_space<hbm>>
        tpu.wait_dma2 semaphore(%arg29 : memref<!tpu.dma_semaphore, #tpu.memory_space<semaphore_mem>>) src(%dma_wait3A_204 : memref<10240xf32, #tpu.memory_space<hbm>>) dst(%dma_wait3A_202 : memref<10240xf32, #tpu.memory_space<vmem>>)
        %while3A_205 = arith.constant 0 : i32
        scf.yield %while3A_205 : i32
      }
      %get3A_179 = arith.index_cast %while3A_147 : i32 to index
      %get3A_180 = tpu.vector_load %arg23[%get3A_179] {strides = array<i32>} : memref<32xi32, #tpu.memory_space<vmem>>, vector<16xi32>,
      %slice3A_181 = vector.extract_strided_slice %get3A_180 {offsets = [0], sizes = [1], strides = [1]} : vector<16xi32> to vector<1xi32>
      %squeeze3A_182 = vector.extract %slice3A_181[0] : i32 from vector<1xi32>
      %while3A_183 = arith.constant 0 : i32
      %while3A_184 = arith.subi %squeeze3A_182, %while3A_183 : i32
      %while3A_185 = arith.addi %while3A_183, %while3A_184 : i32
      %while3A_186 = arith.constant 1 : i32
      %while3A_187 = arith.divsi %while3A_184, %while3A_186 : i32
      %while3A_188 = arith.muli %while3A_187, %while3A_186 : i32
      %while3A_189 = arith.addi %while3A_183, %while3A_188 : i32
      %while3A_190 = arith.constant 1 : i32
      %while3A_191:2 = scf.for %while3A_195 = %while3A_183 to %while3A_189 step %while3A_190 iter_args(%while3A_196 = %while3A_148, %while3A_197 = %while3A_149) -> (i32, i32)  : i32 {
        %get3A_198 = arith.index_cast %while3A_196 : i32 to index
        %get3A_199 = tpu.vector_load %arg26[%get3A_198] {strides = array<i32>} : memref<64xi32, #tpu.memory_space<vmem>>, vector<16xi32>,
        %slice3A_200 = vector.extract_strided_slice %get3A_199 {offsets = [0], sizes = [1], strides = [1]} : vector<16xi32> to vector<1xi32>
        %squeeze3A_201 = vector.extract %slice3A_200[0] : i32 from vector<1xi32>
        %multiple_of3A = tpu.assume_multiple %squeeze3A_201, 2048 : i32
        %get3A_202 = arith.index_cast %while3A_196 : i32 to index
        %get3A_203 = tpu.vector_load %arg27[%get3A_202] {strides = array<i32>} : memref<64xi32, #tpu.memory_space<vmem>>, vector<16xi32>,
        %slice3A_204 = vector.extract_strided_slice %get3A_203 {offsets = [0], sizes = [1], strides = [1]} : vector<16xi32> to vector<1xi32>
        %squeeze3A_205 = vector.extract %slice3A_204[0] : i32 from vector<1xi32>
        %add3A_206 = arith.constant 0 : i32
        %add3A_207 = arith.addi %while3A_197, %add3A_206 : i32
        %get3A_208 = arith.index_cast %add3A_207 : i32 to index
        %get3A_209 = tpu.vector_load %arg18[%get3A_208] {strides = array<i32>} : memref<1408xf32, #tpu.memory_space<vmem>>, vector<16xf32>,
        %slice3A_210 = vector.extract_strided_slice %get3A_209 {offsets = [0], sizes = [1], strides = [1]} : vector<16xf32> to vector<1xf32>
        %squeeze3A_211 = vector.extract %slice3A_210[0] : f32 from vector<1xf32>
        %add3A_212 = arith.constant 1 : i32
        %add3A_213 = arith.addi %while3A_197, %add3A_212 : i32
        %get3A_214 = arith.index_cast %add3A_213 : i32 to index
        %get3A_215 = tpu.vector_load %arg18[%get3A_214] {strides = array<i32>} : memref<1408xf32, #tpu.memory_space<vmem>>, vector<16xf32>,
        %slice3A_216 = vector.extract_strided_slice %get3A_215 {offsets = [0], sizes = [1], strides = [1]} : vector<16xf32> to vector<1xf32>
        %squeeze3A_217 = vector.extract %slice3A_216[0] : f32 from vector<1xf32>
        %add3A_218 = arith.constant 2 : i32
        %add3A_219 = arith.addi %while3A_197, %add3A_218 : i32
        %get3A_220 = arith.index_cast %add3A_219 : i32 to index
        %get3A_221 = tpu.vector_load %arg18[%get3A_220] {strides = array<i32>} : memref<1408xf32, #tpu.memory_space<vmem>>, vector<16xf32>,
        %slice3A_222 = vector.extract_strided_slice %get3A_221 {offsets = [0], sizes = [1], strides = [1]} : vector<16xf32> to vector<1xf32>
        %squeeze3A_223 = vector.extract %slice3A_222[0] : f32 from vector<1xf32>
        %add3A_224 = arith.constant 3 : i32
        %add3A_225 = arith.addi %while3A_197, %add3A_224 : i32
        %get3A_226 = arith.index_cast %add3A_225 : i32 to index
        %get3A_227 = tpu.vector_load %arg18[%get3A_226] {strides = array<i32>} : memref<1408xf32, #tpu.memory_space<vmem>>, vector<16xf32>,
        %slice3A_228 = vector.extract_strided_slice %get3A_227 {offsets = [0], sizes = [1], strides = [1]} : vector<16xf32> to vector<1xf32>
        %squeeze3A_229 = vector.extract %slice3A_228[0] : f32 from vector<1xf32>
        %add3A_230 = arith.constant 0 : i32
        %add3A_231 = arith.addi %while3A_197, %add3A_230 : i32
        %get3A_232 = arith.index_cast %add3A_231 : i32 to index
        %get3A_233 = tpu.vector_load %arg28[%get3A_232] {strides = array<i32>} : memref<1408xi32, #tpu.memory_space<vmem>>, vector<16xi32>,
        %slice3A_234 = vector.extract_strided_slice %get3A_233 {offsets = [0], sizes = [1], strides = [1]} : vector<16xi32> to vector<1xi32>
        %squeeze3A_235 = vector.extract %slice3A_234[0] : i32 from vector<1xi32>
        %multiple_of3A_236 = tpu.assume_multiple %squeeze3A_235, 16 : i32
        %add3A_237 = arith.constant 1 : i32
        %add3A_238 = arith.addi %while3A_197, %add3A_237 : i32
        %get3A_239 = arith.index_cast %add3A_238 : i32 to index
        %get3A_240 = tpu.vector_load %arg28[%get3A_239] {strides = array<i32>} : memref<1408xi32, #tpu.memory_space<vmem>>, vector<16xi32>,
        %slice3A_241 = vector.extract_strided_slice %get3A_240 {offsets = [0], sizes = [1], strides = [1]} : vector<16xi32> to vector<1xi32>
        %squeeze3A_242 = vector.extract %slice3A_241[0] : i32 from vector<1xi32>
        %multiple_of3A_243 = tpu.assume_multiple %squeeze3A_242, 16 : i32
        %add3A_244 = arith.constant 2 : i32
        %add3A_245 = arith.addi %while3A_197, %add3A_244 : i32
        %get3A_246 = arith.index_cast %add3A_245 : i32 to index
        %get3A_247 = tpu.vector_load %arg28[%get3A_246] {strides = array<i32>} : memref<1408xi32, #tpu.memory_space<vmem>>, vector<16xi32>,
        %slice3A_248 = vector.extract_strided_slice %get3A_247 {offsets = [0], sizes = [1], strides = [1]} : vector<16xi32> to vector<1xi32>
        %squeeze3A_249 = vector.extract %slice3A_248[0] : i32 from vector<1xi32>
        %multiple_of3A_250 = tpu.assume_multiple %squeeze3A_249, 16 : i32
        %add3A_251 = arith.constant 3 : i32
        %add3A_252 = arith.addi %while3A_197, %add3A_251 : i32
        %get3A_253 = arith.index_cast %add3A_252 : i32 to index
        %get3A_254 = tpu.vector_load %arg28[%get3A_253] {strides = array<i32>} : memref<1408xi32, #tpu.memory_space<vmem>>, vector<16xi32>,
        %slice3A_255 = vector.extract_strided_slice %get3A_254 {offsets = [0], sizes = [1], strides = [1]} : vector<16xi32> to vector<1xi32>
        %squeeze3A_256 = vector.extract %slice3A_255[0] : i32 from vector<1xi32>
        %multiple_of3A_257 = tpu.assume_multiple %squeeze3A_256, 16 : i32
        %parallel_loop3A_258 = arith.constant 0 : i32
        %parallel_loop3A_259 = arith.constant 2048 : i32
        %parallel_loop3A_260 = arith.constant 16 : i32
        scf.for %parallel_loop3A_277 = %parallel_loop3A_258 to %parallel_loop3A_259 step %parallel_loop3A_260  : i32 {
          %parallel_loop3A_278 = arith.addi %multiple_of3A_236, %parallel_loop3A_277 : i32
          %parallel_loop3A_279 = arith.index_cast %parallel_loop3A_278 : i32 to index
          %parallel_loop3A_280 = tpu.vector_load %arg16[%parallel_loop3A_279] {strides = array<i32>} : memref<122880xf32, #tpu.memory_space<vmem>>, vector<16xf32>,
          %parallel_loop3A_281 = vector.broadcast %squeeze3A_211 : f32 to vector<16xf32>
          %parallel_loop3A_282 = arith.mulf %parallel_loop3A_281, %parallel_loop3A_280 : vector<16xf32>
          %parallel_loop3A_283 = arith.addi %multiple_of3A_243, %parallel_loop3A_277 : i32
          %parallel_loop3A_284 = arith.index_cast %parallel_loop3A_283 : i32 to index
          %parallel_loop3A_285 = tpu.vector_load %arg16[%parallel_loop3A_284] {strides = array<i32>} : memref<122880xf32, #tpu.memory_space<vmem>>, vector<16xf32>,
          %parallel_loop3A_286 = vector.broadcast %squeeze3A_217 : f32 to vector<16xf32>
          %parallel_loop3A_287 = arith.mulf %parallel_loop3A_286, %parallel_loop3A_285 : vector<16xf32>
          %parallel_loop3A_288 = arith.addf %parallel_loop3A_282, %parallel_loop3A_287 : vector<16xf32>
          %parallel_loop3A_289 = arith.addi %multiple_of3A_250, %parallel_loop3A_277 : i32
          %parallel_loop3A_290 = arith.index_cast %parallel_loop3A_289 : i32 to index
          %parallel_loop3A_291 = tpu.vector_load %arg16[%parallel_loop3A_290] {strides = array<i32>} : memref<122880xf32, #tpu.memory_space<vmem>>, vector<16xf32>,
          %parallel_loop3A_292 = vector.broadcast %squeeze3A_223 : f32 to vector<16xf32>
          %parallel_loop3A_293 = arith.mulf %parallel_loop3A_292, %parallel_loop3A_291 : vector<16xf32>
          %parallel_loop3A_294 = arith.addi %multiple_of3A_257, %parallel_loop3A_277 : i32
          %parallel_loop3A_295 = arith.index_cast %parallel_loop3A_294 : i32 to index
          %parallel_loop3A_296 = tpu.vector_load %arg16[%parallel_loop3A_295] {strides = array<i32>} : memref<122880xf32, #tpu.memory_space<vmem>>, vector<16xf32>,
          %parallel_loop3A_297 = vector.broadcast %squeeze3A_229 : f32 to vector<16xf32>
          %parallel_loop3A_298 = arith.mulf %parallel_loop3A_297, %parallel_loop3A_296 : vector<16xf32>
          %parallel_loop3A_299 = arith.addf %parallel_loop3A_293, %parallel_loop3A_298 : vector<16xf32>
          %parallel_loop3A_300 = arith.addf %parallel_loop3A_288, %parallel_loop3A_299 : vector<16xf32>
          %parallel_loop3A_301 = arith.index_cast %parallel_loop3A_277 : i32 to index
          %parallel_loop3A_302 = tpu.vector_load %arg17[%parallel_loop3A_301] {strides = array<i32>} : memref<2048xf32, #tpu.memory_space<vmem>>, vector<16xf32>,
          tpu.vector_store %arg17[%parallel_loop3A_301], %parallel_loop3A_300 {strides = array<i32>} : memref<2048xf32, #tpu.memory_space<vmem>>, vector<16xf32>,
        } {sc.loop_unroll_factor = 4 : i64, sc.parallel_access}
        %while3A_261 = arith.constant 1 : i32
        %while3A_262 = arith.constant 0 : i32
        %while3A_263 = arith.subi %squeeze3A_205, %while3A_261 : i32
        %while3A_264 = arith.addi %while3A_261, %while3A_263 : i32
        %while3A_265 = arith.constant 1 : i32
        %while3A_266 = arith.divsi %while3A_263, %while3A_265 : i32
        %while3A_267 = arith.muli %while3A_266, %while3A_265 : i32
        %while3A_268 = arith.addi %while3A_261, %while3A_267 : i32
        %while3A_269 = arith.constant 1 : i32
        %while3A_270 = scf.for %while3A_277 = %while3A_261 to %while3A_268 step %while3A_269 iter_args(%while3A_278 = %while3A_262) -> (i32)  : i32 {
          %mul3A_279 = arith.constant 4 : i32
          %mul3A_280 = arith.muli %while3A_277, %mul3A_279 : i32
          %add3A_281 = arith.addi %while3A_197, %mul3A_280 : i32
          %add3A_282 = arith.constant 0 : i32
          %add3A_283 = arith.addi %add3A_281, %add3A_282 : i32
          %get3A_284 = arith.index_cast %add3A_283 : i32 to index
          %get3A_285 = tpu.vector_load %arg18[%get3A_284] {strides = array<i32>} : memref<1408xf32, #tpu.memory_space<vmem>>, vector<16xf32>,
          %slice3A_286 = vector.extract_strided_slice %get3A_285 {offsets = [0], sizes = [1], strides = [1]} : vector<16xf32> to vector<1xf32>
          %squeeze3A_287 = vector.extract %slice3A_286[0] : f32 from vector<1xf32>
          %add3A_288 = arith.constant 1 : i32
          %add3A_289 = arith.addi %add3A_281, %add3A_288 : i32
          %get3A_290 = arith.index_cast %add3A_289 : i32 to index
          %get3A_291 = tpu.vector_load %arg18[%get3A_290] {strides = array<i32>} : memref<1408xf32, #tpu.memory_space<vmem>>, vector<16xf32>,
          %slice3A_292 = vector.extract_strided_slice %get3A_291 {offsets = [0], sizes = [1], strides = [1]} : vector<16xf32> to vector<1xf32>
          %squeeze3A_293 = vector.extract %slice3A_292[0] : f32 from vector<1xf32>
          %add3A_294 = arith.constant 2 : i32
          %add3A_295 = arith.addi %add3A_281, %add3A_294 : i32
          %get3A_296 = arith.index_cast %add3A_295 : i32 to index
          %get3A_297 = tpu.vector_load %arg18[%get3A_296] {strides = array<i32>} : memref<1408xf32, #tpu.memory_space<vmem>>, vector<16xf32>,
          %slice3A_298 = vector.extract_strided_slice %get3A_297 {offsets = [0], sizes = [1], strides = [1]} : vector<16xf32> to vector<1xf32>
          %squeeze3A_299 = vector.extract %slice3A_298[0] : f32 from vector<1xf32>
          %add3A_300 = arith.constant 3 : i32
          %add3A_301 = arith.addi %add3A_281, %add3A_300 : i32
          %get3A_302 = arith.index_cast %add3A_301 : i32 to index
          %get3A_303 = tpu.vector_load %arg18[%get3A_302] {strides = array<i32>} : memref<1408xf32, #tpu.memory_space<vmem>>, vector<16xf32>,
          %slice3A_304 = vector.extract_strided_slice %get3A_303 {offsets = [0], sizes = [1], strides = [1]} : vector<16xf32> to vector<1xf32>
          %squeeze3A_305 = vector.extract %slice3A_304[0] : f32 from vector<1xf32>
          %add3A_306 = arith.constant 0 : i32
          %add3A_307 = arith.addi %add3A_281, %add3A_306 : i32
          %get3A_308 = arith.index_cast %add3A_307 : i32 to index
          %get3A_309 = tpu.vector_load %arg28[%get3A_308] {strides = array<i32>} : memref<1408xi32, #tpu.memory_space<vmem>>, vector<16xi32>,
          %slice3A_310 = vector.extract_strided_slice %get3A_309 {offsets = [0], sizes = [1], strides = [1]} : vector<16xi32> to vector<1xi32>
          %squeeze3A_311 = vector.extract %slice3A_310[0] : i32 from vector<1xi32>
          %multiple_of3A_312 = tpu.assume_multiple %squeeze3A_311, 16 : i32
          %add3A_313 = arith.constant 1 : i32
          %add3A_314 = arith.addi %add3A_281, %add3A_313 : i32
          %get3A_315 = arith.index_cast %add3A_314 : i32 to index
          %get3A_316 = tpu.vector_load %arg28[%get3A_315] {strides = array<i32>} : memref<1408xi32, #tpu.memory_space<vmem>>, vector<16xi32>,
          %slice3A_317 = vector.extract_strided_slice %get3A_316 {offsets = [0], sizes = [1], strides = [1]} : vector<16xi32> to vector<1xi32>
          %squeeze3A_318 = vector.extract %slice3A_317[0] : i32 from vector<1xi32>
          %multiple_of3A_319 = tpu.assume_multiple %squeeze3A_318, 16 : i32
          %add3A_320 = arith.constant 2 : i32
          %add3A_321 = arith.addi %add3A_281, %add3A_320 : i32
          %get3A_322 = arith.index_cast %add3A_321 : i32 to index
          %get3A_323 = tpu.vector_load %arg28[%get3A_322] {strides = array<i32>} : memref<1408xi32, #tpu.memory_space<vmem>>, vector<16xi32>,
          %slice3A_324 = vector.extract_strided_slice %get3A_323 {offsets = [0], sizes = [1], strides = [1]} : vector<16xi32> to vector<1xi32>
          %squeeze3A_325 = vector.extract %slice3A_324[0] : i32 from vector<1xi32>
          %multiple_of3A_326 = tpu.assume_multiple %squeeze3A_325, 16 : i32
          %add3A_327 = arith.constant 3 : i32
          %add3A_328 = arith.addi %add3A_281, %add3A_327 : i32
          %get3A_329 = arith.index_cast %add3A_328 : i32 to index
          %get3A_330 = tpu.vector_load %arg28[%get3A_329] {strides = array<i32>} : memref<1408xi32, #tpu.memory_space<vmem>>, vector<16xi32>,
          %slice3A_331 = vector.extract_strided_slice %get3A_330 {offsets = [0], sizes = [1], strides = [1]} : vector<16xi32> to vector<1xi32>
          %squeeze3A_332 = vector.extract %slice3A_331[0] : i32 from vector<1xi32>
          %multiple_of3A_333 = tpu.assume_multiple %squeeze3A_332, 16 : i32
          %parallel_loop3A_334 = arith.constant 0 : i32
          %parallel_loop3A_335 = arith.constant 2048 : i32
          %parallel_loop3A_336 = arith.constant 16 : i32
          scf.for %parallel_loop3A_338 = %parallel_loop3A_334 to %parallel_loop3A_335 step %parallel_loop3A_336  : i32 {
            %parallel_loop3A_339 = arith.index_cast %parallel_loop3A_338 : i32 to index
            %parallel_loop3A_340 = tpu.vector_load %arg17[%parallel_loop3A_339] {strides = array<i32>} : memref<2048xf32, #tpu.memory_space<vmem>>, vector<16xf32>,
            %parallel_loop3A_341 = arith.addi %multiple_of3A_312, %parallel_loop3A_338 : i32
            %parallel_loop3A_342 = arith.index_cast %parallel_loop3A_341 : i32 to index
            %parallel_loop3A_343 = tpu.vector_load %arg16[%parallel_loop3A_342] {strides = array<i32>} : memref<122880xf32, #tpu.memory_space<vmem>>, vector<16xf32>,
            %parallel_loop3A_344 = vector.broadcast %squeeze3A_287 : f32 to vector<16xf32>
            %parallel_loop3A_345 = arith.mulf %parallel_loop3A_344, %parallel_loop3A_343 : vector<16xf32>
            %parallel_loop3A_346 = arith.addi %multiple_of3A_319, %parallel_loop3A_338 : i32
            %parallel_loop3A_347 = arith.index_cast %parallel_loop3A_346 : i32 to index
            %parallel_loop3A_348 = tpu.vector_load %arg16[%parallel_loop3A_347] {strides = array<i32>} : memref<122880xf32, #tpu.memory_space<vmem>>, vector<16xf32>,
            %parallel_loop3A_349 = vector.broadcast %squeeze3A_293 : f32 to vector<16xf32>
            %parallel_loop3A_350 = arith.mulf %parallel_loop3A_349, %parallel_loop3A_348 : vector<16xf32>
            %parallel_loop3A_351 = arith.addf %parallel_loop3A_345, %parallel_loop3A_350 : vector<16xf32>
            %parallel_loop3A_352 = arith.addi %multiple_of3A_326, %parallel_loop3A_338 : i32
            %parallel_loop3A_353 = arith.index_cast %parallel_loop3A_352 : i32 to index
            %parallel_loop3A_354 = tpu.vector_load %arg16[%parallel_loop3A_353] {strides = array<i32>} : memref<122880xf32, #tpu.memory_space<vmem>>, vector<16xf32>,
            %parallel_loop3A_355 = vector.broadcast %squeeze3A_299 : f32 to vector<16xf32>
            %parallel_loop3A_356 = arith.mulf %parallel_loop3A_355, %parallel_loop3A_354 : vector<16xf32>
            %parallel_loop3A_357 = arith.addi %multiple_of3A_333, %parallel_loop3A_338 : i32
            %parallel_loop3A_358 = arith.index_cast %parallel_loop3A_357 : i32 to index
            %parallel_loop3A_359 = tpu.vector_load %arg16[%parallel_loop3A_358] {strides = array<i32>} : memref<122880xf32, #tpu.memory_space<vmem>>, vector<16xf32>,
            %parallel_loop3A_360 = vector.broadcast %squeeze3A_305 : f32 to vector<16xf32>
            %parallel_loop3A_361 = arith.mulf %parallel_loop3A_360, %parallel_loop3A_359 : vector<16xf32>
            %parallel_loop3A_362 = arith.addf %parallel_loop3A_356, %parallel_loop3A_361 : vector<16xf32>
            %parallel_loop3A_363 = arith.addf %parallel_loop3A_351, %parallel_loop3A_362 : vector<16xf32>
            %parallel_loop3A_364 = arith.addf %parallel_loop3A_340, %parallel_loop3A_363 : vector<16xf32>
            %parallel_loop3A_365 = arith.index_cast %parallel_loop3A_338 : i32 to index
            %parallel_loop3A_366 = tpu.vector_load %arg17[%parallel_loop3A_365] {strides = array<i32>} : memref<2048xf32, #tpu.memory_space<vmem>>, vector<16xf32>,
            tpu.vector_store %arg17[%parallel_loop3A_365], %parallel_loop3A_364 {strides = array<i32>} : memref<2048xf32, #tpu.memory_space<vmem>>, vector<16xf32>,
          } {sc.loop_unroll_factor = 4 : i64, sc.parallel_access}
          %while3A_337 = arith.constant 0 : i32
          scf.yield %while3A_337 : i32
        }
        %while3A_271 = arith.constant 1 : i32
        %while3A_272 = scf.for %while3A_277 = %while3A_268 to %while3A_264 step %while3A_271 iter_args(%while3A_278 = %while3A_270) -> (i32)  : i32 {
          %mul3A_279 = arith.constant 4 : i32
          %mul3A_280 = arith.muli %while3A_277, %mul3A_279 : i32
          %add3A_281 = arith.addi %while3A_197, %mul3A_280 : i32
          %add3A_282 = arith.constant 0 : i32
          %add3A_283 = arith.addi %add3A_281, %add3A_282 : i32
          %get3A_284 = arith.index_cast %add3A_283 : i32 to index
          %get3A_285 = tpu.vector_load %arg18[%get3A_284] {strides = array<i32>} : memref<1408xf32, #tpu.memory_space<vmem>>, vector<16xf32>,
          %slice3A_286 = vector.extract_strided_slice %get3A_285 {offsets = [0], sizes = [1], strides = [1]} : vector<16xf32> to vector<1xf32>
          %squeeze3A_287 = vector.extract %slice3A_286[0] : f32 from vector<1xf32>
          %add3A_288 = arith.constant 1 : i32
          %add3A_289 = arith.addi %add3A_281, %add3A_288 : i32
          %get3A_290 = arith.index_cast %add3A_289 : i32 to index
          %get3A_291 = tpu.vector_load %arg18[%get3A_290] {strides = array<i32>} : memref<1408xf32, #tpu.memory_space<vmem>>, vector<16xf32>,
          %slice3A_292 = vector.extract_strided_slice %get3A_291 {offsets = [0], sizes = [1], strides = [1]} : vector<16xf32> to vector<1xf32>
          %squeeze3A_293 = vector.extract %slice3A_292[0] : f32 from vector<1xf32>
          %add3A_294 = arith.constant 2 : i32
          %add3A_295 = arith.addi %add3A_281, %add3A_294 : i32
          %get3A_296 = arith.index_cast %add3A_295 : i32 to index
          %get3A_297 = tpu.vector_load %arg18[%get3A_296] {strides = array<i32>} : memref<1408xf32, #tpu.memory_space<vmem>>, vector<16xf32>,
          %slice3A_298 = vector.extract_strided_slice %get3A_297 {offsets = [0], sizes = [1], strides = [1]} : vector<16xf32> to vector<1xf32>
          %squeeze3A_299 = vector.extract %slice3A_298[0] : f32 from vector<1xf32>
          %add3A_300 = arith.constant 3 : i32
          %add3A_301 = arith.addi %add3A_281, %add3A_300 : i32
          %get3A_302 = arith.index_cast %add3A_301 : i32 to index
          %get3A_303 = tpu.vector_load %arg18[%get3A_302] {strides = array<i32>} : memref<1408xf32, #tpu.memory_space<vmem>>, vector<16xf32>,
          %slice3A_304 = vector.extract_strided_slice %get3A_303 {offsets = [0], sizes = [1], strides = [1]} : vector<16xf32> to vector<1xf32>
          %squeeze3A_305 = vector.extract %slice3A_304[0] : f32 from vector<1xf32>
          %add3A_306 = arith.constant 0 : i32
          %add3A_307 = arith.addi %add3A_281, %add3A_306 : i32
          %get3A_308 = arith.index_cast %add3A_307 : i32 to index
          %get3A_309 = tpu.vector_load %arg28[%get3A_308] {strides = array<i32>} : memref<1408xi32, #tpu.memory_space<vmem>>, vector<16xi32>,
          %slice3A_310 = vector.extract_strided_slice %get3A_309 {offsets = [0], sizes = [1], strides = [1]} : vector<16xi32> to vector<1xi32>
          %squeeze3A_311 = vector.extract %slice3A_310[0] : i32 from vector<1xi32>
          %multiple_of3A_312 = tpu.assume_multiple %squeeze3A_311, 16 : i32
          %add3A_313 = arith.constant 1 : i32
          %add3A_314 = arith.addi %add3A_281, %add3A_313 : i32
          %get3A_315 = arith.index_cast %add3A_314 : i32 to index
          %get3A_316 = tpu.vector_load %arg28[%get3A_315] {strides = array<i32>} : memref<1408xi32, #tpu.memory_space<vmem>>, vector<16xi32>,
          %slice3A_317 = vector.extract_strided_slice %get3A_316 {offsets = [0], sizes = [1], strides = [1]} : vector<16xi32> to vector<1xi32>
          %squeeze3A_318 = vector.extract %slice3A_317[0] : i32 from vector<1xi32>
          %multiple_of3A_319 = tpu.assume_multiple %squeeze3A_318, 16 : i32
          %add3A_320 = arith.constant 2 : i32
          %add3A_321 = arith.addi %add3A_281, %add3A_320 : i32
          %get3A_322 = arith.index_cast %add3A_321 : i32 to index
          %get3A_323 = tpu.vector_load %arg28[%get3A_322] {strides = array<i32>} : memref<1408xi32, #tpu.memory_space<vmem>>, vector<16xi32>,
          %slice3A_324 = vector.extract_strided_slice %get3A_323 {offsets = [0], sizes = [1], strides = [1]} : vector<16xi32> to vector<1xi32>
          %squeeze3A_325 = vector.extract %slice3A_324[0] : i32 from vector<1xi32>
          %multiple_of3A_326 = tpu.assume_multiple %squeeze3A_325, 16 : i32
          %add3A_327 = arith.constant 3 : i32
          %add3A_328 = arith.addi %add3A_281, %add3A_327 : i32
          %get3A_329 = arith.index_cast %add3A_328 : i32 to index
          %get3A_330 = tpu.vector_load %arg28[%get3A_329] {strides = array<i32>} : memref<1408xi32, #tpu.memory_space<vmem>>, vector<16xi32>,
          %slice3A_331 = vector.extract_strided_slice %get3A_330 {offsets = [0], sizes = [1], strides = [1]} : vector<16xi32> to vector<1xi32>
          %squeeze3A_332 = vector.extract %slice3A_331[0] : i32 from vector<1xi32>
          %multiple_of3A_333 = tpu.assume_multiple %squeeze3A_332, 16 : i32
          %parallel_loop3A_334 = arith.constant 0 : i32
          %parallel_loop3A_335 = arith.constant 2048 : i32
          %parallel_loop3A_336 = arith.constant 16 : i32
          scf.for %parallel_loop3A_338 = %parallel_loop3A_334 to %parallel_loop3A_335 step %parallel_loop3A_336  : i32 {
            %parallel_loop3A_339 = arith.index_cast %parallel_loop3A_338 : i32 to index
            %parallel_loop3A_340 = tpu.vector_load %arg17[%parallel_loop3A_339] {strides = array<i32>} : memref<2048xf32, #tpu.memory_space<vmem>>, vector<16xf32>,
            %parallel_loop3A_341 = arith.addi %multiple_of3A_312, %parallel_loop3A_338 : i32
            %parallel_loop3A_342 = arith.index_cast %parallel_loop3A_341 : i32 to index
            %parallel_loop3A_343 = tpu.vector_load %arg16[%parallel_loop3A_342] {strides = array<i32>} : memref<122880xf32, #tpu.memory_space<vmem>>, vector<16xf32>,
            %parallel_loop3A_344 = vector.broadcast %squeeze3A_287 : f32 to vector<16xf32>
            %parallel_loop3A_345 = arith.mulf %parallel_loop3A_344, %parallel_loop3A_343 : vector<16xf32>
            %parallel_loop3A_346 = arith.addi %multiple_of3A_319, %parallel_loop3A_338 : i32
            %parallel_loop3A_347 = arith.index_cast %parallel_loop3A_346 : i32 to index
            %parallel_loop3A_348 = tpu.vector_load %arg16[%parallel_loop3A_347] {strides = array<i32>} : memref<122880xf32, #tpu.memory_space<vmem>>, vector<16xf32>,
            %parallel_loop3A_349 = vector.broadcast %squeeze3A_293 : f32 to vector<16xf32>
            %parallel_loop3A_350 = arith.mulf %parallel_loop3A_349, %parallel_loop3A_348 : vector<16xf32>
            %parallel_loop3A_351 = arith.addf %parallel_loop3A_345, %parallel_loop3A_350 : vector<16xf32>
            %parallel_loop3A_352 = arith.addi %multiple_of3A_326, %parallel_loop3A_338 : i32
            %parallel_loop3A_353 = arith.index_cast %parallel_loop3A_352 : i32 to index
            %parallel_loop3A_354 = tpu.vector_load %arg16[%parallel_loop3A_353] {strides = array<i32>} : memref<122880xf32, #tpu.memory_space<vmem>>, vector<16xf32>,
            %parallel_loop3A_355 = vector.broadcast %squeeze3A_299 : f32 to vector<16xf32>
            %parallel_loop3A_356 = arith.mulf %parallel_loop3A_355, %parallel_loop3A_354 : vector<16xf32>
            %parallel_loop3A_357 = arith.addi %multiple_of3A_333, %parallel_loop3A_338 : i32
            %parallel_loop3A_358 = arith.index_cast %parallel_loop3A_357 : i32 to index
            %parallel_loop3A_359 = tpu.vector_load %arg16[%parallel_loop3A_358] {strides = array<i32>} : memref<122880xf32, #tpu.memory_space<vmem>>, vector<16xf32>,
            %parallel_loop3A_360 = vector.broadcast %squeeze3A_305 : f32 to vector<16xf32>
            %parallel_loop3A_361 = arith.mulf %parallel_loop3A_360, %parallel_loop3A_359 : vector<16xf32>
            %parallel_loop3A_362 = arith.addf %parallel_loop3A_356, %parallel_loop3A_361 : vector<16xf32>
            %parallel_loop3A_363 = arith.addf %parallel_loop3A_351, %parallel_loop3A_362 : vector<16xf32>
            %parallel_loop3A_364 = arith.addf %parallel_loop3A_340, %parallel_loop3A_363 : vector<16xf32>
            %parallel_loop3A_365 = arith.index_cast %parallel_loop3A_338 : i32 to index
            %parallel_loop3A_366 = tpu.vector_load %arg17[%parallel_loop3A_365] {strides = array<i32>} : memref<2048xf32, #tpu.memory_space<vmem>>, vector<16xf32>,
            tpu.vector_store %arg17[%parallel_loop3A_365], %parallel_loop3A_364 {strides = array<i32>} : memref<2048xf32, #tpu.memory_space<vmem>>, vector<16xf32>,
          } {sc.loop_unroll_factor = 4 : i64, sc.parallel_access}
          %while3A_337 = arith.constant 0 : i32
          scf.yield %while3A_337 : i32
        }
        "tpu.region"() ({
          %run_scoped3A = tpu.sem_alloc : memref<!tpu.dma_semaphore, #tpu.memory_space<semaphore_mem>>
          %dma_start3A_277 = tpu.memref_slice %arg15[%multiple_of3A] : memref<1572864xf32, #tpu.memory_space<hbm>> -> memref<2048xf32, #tpu.memory_space<hbm>>
          %dma_start3A_278 = tpu.memref_slice %arg15[%multiple_of3A] : memref<1572864xf32, #tpu.memory_space<hbm>> -> memref<2048xf32, #tpu.memory_space<hbm>>
          tpu.enqueue_dma source(%arg17 : memref<2048xf32, #tpu.memory_space<vmem>>) target(%dma_start3A_278 : memref<2048xf32, #tpu.memory_space<hbm>>) target_semaphore(%run_scoped3A : memref<!tpu.dma_semaphore, #tpu.memory_space<semaphore_mem>>)
          %dma_wait3A_279 = tpu.memref_slice %arg15[%multiple_of3A] : memref<1572864xf32, #tpu.memory_space<hbm>> -> memref<2048xf32, #tpu.memory_space<hbm>>
          %dma_wait3A_280 = tpu.memref_slice %arg15[%multiple_of3A] : memref<1572864xf32, #tpu.memory_space<hbm>> -> memref<2048xf32, #tpu.memory_space<hbm>>
          tpu.wait_dma2 semaphore(%run_scoped3A : memref<!tpu.dma_semaphore, #tpu.memory_space<semaphore_mem>>) src(%arg17 : memref<2048xf32, #tpu.memory_space<vmem>>) dst(%dma_wait3A_280 : memref<2048xf32, #tpu.memory_space<hbm>>)
          tpu.yield
        }) : () -> ()
        %add3A_273 = arith.constant 1 : i32
        %add3A_274 = arith.addi %while3A_196, %add3A_273 : i32
        %shift_left3A = arith.constant 2 : i32
        %shift_left3A_275 = arith.shli %squeeze3A_205, %shift_left3A : i32
        %add3A_276 = arith.addi %while3A_197, %shift_left3A_275 : i32
        scf.yield %add3A_274, %add3A_276 : i32, i32
      }
      %while3A_192 = arith.constant 1 : i32
      %while3A_193:2 = scf.for %while3A_195 = %while3A_189 to %while3A_185 step %while3A_192 iter_args(%while3A_196 = %while3A_191#0, %while3A_197 = %while3A_191#1) -> (i32, i32)  : i32 {
        %get3A_198 = arith.index_cast %while3A_196 : i32 to index
        %get3A_199 = tpu.vector_load %arg26[%get3A_198] {strides = array<i32>} : memref<64xi32, #tpu.memory_space<vmem>>, vector<16xi32>,
        %slice3A_200 = vector.extract_strided_slice %get3A_199 {offsets = [0], sizes = [1], strides = [1]} : vector<16xi32> to vector<1xi32>
        %squeeze3A_201 = vector.extract %slice3A_200[0] : i32 from vector<1xi32>
        %multiple_of3A = tpu.assume_multiple %squeeze3A_201, 2048 : i32
        %get3A_202 = arith.index_cast %while3A_196 : i32 to index
        %get3A_203 = tpu.vector_load %arg27[%get3A_202] {strides = array<i32>} : memref<64xi32, #tpu.memory_space<vmem>>, vector<16xi32>,
        %slice3A_204 = vector.extract_strided_slice %get3A_203 {offsets = [0], sizes = [1], strides = [1]} : vector<16xi32> to vector<1xi32>
        %squeeze3A_205 = vector.extract %slice3A_204[0] : i32 from vector<1xi32>
        %add3A_206 = arith.constant 0 : i32
        %add3A_207 = arith.addi %while3A_197, %add3A_206 : i32
        %get3A_208 = arith.index_cast %add3A_207 : i32 to index
        %get3A_209 = tpu.vector_load %arg18[%get3A_208] {strides = array<i32>} : memref<1408xf32, #tpu.memory_space<vmem>>, vector<16xf32>,
        %slice3A_210 = vector.extract_strided_slice %get3A_209 {offsets = [0], sizes = [1], strides = [1]} : vector<16xf32> to vector<1xf32>
        %squeeze3A_211 = vector.extract %slice3A_210[0] : f32 from vector<1xf32>
        %add3A_212 = arith.constant 1 : i32
        %add3A_213 = arith.addi %while3A_197, %add3A_212 : i32
        %get3A_214 = arith.index_cast %add3A_213 : i32 to index
        %get3A_215 = tpu.vector_load %arg18[%get3A_214] {strides = array<i32>} : memref<1408xf32, #tpu.memory_space<vmem>>, vector<16xf32>,
        %slice3A_216 = vector.extract_strided_slice %get3A_215 {offsets = [0], sizes = [1], strides = [1]} : vector<16xf32> to vector<1xf32>
        %squeeze3A_217 = vector.extract %slice3A_216[0] : f32 from vector<1xf32>
        %add3A_218 = arith.constant 2 : i32
        %add3A_219 = arith.addi %while3A_197, %add3A_218 : i32
        %get3A_220 = arith.index_cast %add3A_219 : i32 to index
        %get3A_221 = tpu.vector_load %arg18[%get3A_220] {strides = array<i32>} : memref<1408xf32, #tpu.memory_space<vmem>>, vector<16xf32>,
        %slice3A_222 = vector.extract_strided_slice %get3A_221 {offsets = [0], sizes = [1], strides = [1]} : vector<16xf32> to vector<1xf32>
        %squeeze3A_223 = vector.extract %slice3A_222[0] : f32 from vector<1xf32>
        %add3A_224 = arith.constant 3 : i32
        %add3A_225 = arith.addi %while3A_197, %add3A_224 : i32
        %get3A_226 = arith.index_cast %add3A_225 : i32 to index
        %get3A_227 = tpu.vector_load %arg18[%get3A_226] {strides = array<i32>} : memref<1408xf32, #tpu.memory_space<vmem>>, vector<16xf32>,
        %slice3A_228 = vector.extract_strided_slice %get3A_227 {offsets = [0], sizes = [1], strides = [1]} : vector<16xf32> to vector<1xf32>
        %squeeze3A_229 = vector.extract %slice3A_228[0] : f32 from vector<1xf32>
        %add3A_230 = arith.constant 0 : i32
        %add3A_231 = arith.addi %while3A_197, %add3A_230 : i32
        %get3A_232 = arith.index_cast %add3A_231 : i32 to index
        %get3A_233 = tpu.vector_load %arg28[%get3A_232] {strides = array<i32>} : memref<1408xi32, #tpu.memory_space<vmem>>, vector<16xi32>,
        %slice3A_234 = vector.extract_strided_slice %get3A_233 {offsets = [0], sizes = [1], strides = [1]} : vector<16xi32> to vector<1xi32>
        %squeeze3A_235 = vector.extract %slice3A_234[0] : i32 from vector<1xi32>
        %multiple_of3A_236 = tpu.assume_multiple %squeeze3A_235, 16 : i32
        %add3A_237 = arith.constant 1 : i32
        %add3A_238 = arith.addi %while3A_197, %add3A_237 : i32
        %get3A_239 = arith.index_cast %add3A_238 : i32 to index
        %get3A_240 = tpu.vector_load %arg28[%get3A_239] {strides = array<i32>} : memref<1408xi32, #tpu.memory_space<vmem>>, vector<16xi32>,
        %slice3A_241 = vector.extract_strided_slice %get3A_240 {offsets = [0], sizes = [1], strides = [1]} : vector<16xi32> to vector<1xi32>
        %squeeze3A_242 = vector.extract %slice3A_241[0] : i32 from vector<1xi32>
        %multiple_of3A_243 = tpu.assume_multiple %squeeze3A_242, 16 : i32
        %add3A_244 = arith.constant 2 : i32
        %add3A_245 = arith.addi %while3A_197, %add3A_244 : i32
        %get3A_246 = arith.index_cast %add3A_245 : i32 to index
        %get3A_247 = tpu.vector_load %arg28[%get3A_246] {strides = array<i32>} : memref<1408xi32, #tpu.memory_space<vmem>>, vector<16xi32>,
        %slice3A_248 = vector.extract_strided_slice %get3A_247 {offsets = [0], sizes = [1], strides = [1]} : vector<16xi32> to vector<1xi32>
        %squeeze3A_249 = vector.extract %slice3A_248[0] : i32 from vector<1xi32>
        %multiple_of3A_250 = tpu.assume_multiple %squeeze3A_249, 16 : i32
        %add3A_251 = arith.constant 3 : i32
        %add3A_252 = arith.addi %while3A_197, %add3A_251 : i32
        %get3A_253 = arith.index_cast %add3A_252 : i32 to index
        %get3A_254 = tpu.vector_load %arg28[%get3A_253] {strides = array<i32>} : memref<1408xi32, #tpu.memory_space<vmem>>, vector<16xi32>,
        %slice3A_255 = vector.extract_strided_slice %get3A_254 {offsets = [0], sizes = [1], strides = [1]} : vector<16xi32> to vector<1xi32>
        %squeeze3A_256 = vector.extract %slice3A_255[0] : i32 from vector<1xi32>
        %multiple_of3A_257 = tpu.assume_multiple %squeeze3A_256, 16 : i32
        %parallel_loop3A_258 = arith.constant 0 : i32
        %parallel_loop3A_259 = arith.constant 2048 : i32
        %parallel_loop3A_260 = arith.constant 16 : i32
        scf.for %parallel_loop3A_277 = %parallel_loop3A_258 to %parallel_loop3A_259 step %parallel_loop3A_260  : i32 {
          %parallel_loop3A_278 = arith.addi %multiple_of3A_236, %parallel_loop3A_277 : i32
          %parallel_loop3A_279 = arith.index_cast %parallel_loop3A_278 : i32 to index
          %parallel_loop3A_280 = tpu.vector_load %arg16[%parallel_loop3A_279] {strides = array<i32>} : memref<122880xf32, #tpu.memory_space<vmem>>, vector<16xf32>,
          %parallel_loop3A_281 = vector.broadcast %squeeze3A_211 : f32 to vector<16xf32>
          %parallel_loop3A_282 = arith.mulf %parallel_loop3A_281, %parallel_loop3A_280 : vector<16xf32>
          %parallel_loop3A_283 = arith.addi %multiple_of3A_243, %parallel_loop3A_277 : i32
          %parallel_loop3A_284 = arith.index_cast %parallel_loop3A_283 : i32 to index
          %parallel_loop3A_285 = tpu.vector_load %arg16[%parallel_loop3A_284] {strides = array<i32>} : memref<122880xf32, #tpu.memory_space<vmem>>, vector<16xf32>,
          %parallel_loop3A_286 = vector.broadcast %squeeze3A_217 : f32 to vector<16xf32>
          %parallel_loop3A_287 = arith.mulf %parallel_loop3A_286, %parallel_loop3A_285 : vector<16xf32>
          %parallel_loop3A_288 = arith.addf %parallel_loop3A_282, %parallel_loop3A_287 : vector<16xf32>
          %parallel_loop3A_289 = arith.addi %multiple_of3A_250, %parallel_loop3A_277 : i32
          %parallel_loop3A_290 = arith.index_cast %parallel_loop3A_289 : i32 to index
          %parallel_loop3A_291 = tpu.vector_load %arg16[%parallel_loop3A_290] {strides = array<i32>} : memref<122880xf32, #tpu.memory_space<vmem>>, vector<16xf32>,
          %parallel_loop3A_292 = vector.broadcast %squeeze3A_223 : f32 to vector<16xf32>
          %parallel_loop3A_293 = arith.mulf %parallel_loop3A_292, %parallel_loop3A_291 : vector<16xf32>
          %parallel_loop3A_294 = arith.addi %multiple_of3A_257, %parallel_loop3A_277 : i32
          %parallel_loop3A_295 = arith.index_cast %parallel_loop3A_294 : i32 to index
          %parallel_loop3A_296 = tpu.vector_load %arg16[%parallel_loop3A_295] {strides = array<i32>} : memref<122880xf32, #tpu.memory_space<vmem>>, vector<16xf32>,
          %parallel_loop3A_297 = vector.broadcast %squeeze3A_229 : f32 to vector<16xf32>
          %parallel_loop3A_298 = arith.mulf %parallel_loop3A_297, %parallel_loop3A_296 : vector<16xf32>
          %parallel_loop3A_299 = arith.addf %parallel_loop3A_293, %parallel_loop3A_298 : vector<16xf32>
          %parallel_loop3A_300 = arith.addf %parallel_loop3A_288, %parallel_loop3A_299 : vector<16xf32>
          %parallel_loop3A_301 = arith.index_cast %parallel_loop3A_277 : i32 to index
          %parallel_loop3A_302 = tpu.vector_load %arg17[%parallel_loop3A_301] {strides = array<i32>} : memref<2048xf32, #tpu.memory_space<vmem>>, vector<16xf32>,
          tpu.vector_store %arg17[%parallel_loop3A_301], %parallel_loop3A_300 {strides = array<i32>} : memref<2048xf32, #tpu.memory_space<vmem>>, vector<16xf32>,
        } {sc.loop_unroll_factor = 4 : i64, sc.parallel_access}
        %while3A_261 = arith.constant 1 : i32
        %while3A_262 = arith.constant 0 : i32
        %while3A_263 = arith.subi %squeeze3A_205, %while3A_261 : i32
        %while3A_264 = arith.addi %while3A_261, %while3A_263 : i32
        %while3A_265 = arith.constant 1 : i32
        %while3A_266 = arith.divsi %while3A_263, %while3A_265 : i32
        %while3A_267 = arith.muli %while3A_266, %while3A_265 : i32
        %while3A_268 = arith.addi %while3A_261, %while3A_267 : i32
        %while3A_269 = arith.constant 1 : i32
        %while3A_270 = scf.for %while3A_277 = %while3A_261 to %while3A_268 step %while3A_269 iter_args(%while3A_278 = %while3A_262) -> (i32)  : i32 {
          %mul3A_279 = arith.constant 4 : i32
          %mul3A_280 = arith.muli %while3A_277, %mul3A_279 : i32
          %add3A_281 = arith.addi %while3A_197, %mul3A_280 : i32
          %add3A_282 = arith.constant 0 : i32
          %add3A_283 = arith.addi %add3A_281, %add3A_282 : i32
          %get3A_284 = arith.index_cast %add3A_283 : i32 to index
          %get3A_285 = tpu.vector_load %arg18[%get3A_284] {strides = array<i32>} : memref<1408xf32, #tpu.memory_space<vmem>>, vector<16xf32>,
          %slice3A_286 = vector.extract_strided_slice %get3A_285 {offsets = [0], sizes = [1], strides = [1]} : vector<16xf32> to vector<1xf32>
          %squeeze3A_287 = vector.extract %slice3A_286[0] : f32 from vector<1xf32>
          %add3A_288 = arith.constant 1 : i32
          %add3A_289 = arith.addi %add3A_281, %add3A_288 : i32
          %get3A_290 = arith.index_cast %add3A_289 : i32 to index
          %get3A_291 = tpu.vector_load %arg18[%get3A_290] {strides = array<i32>} : memref<1408xf32, #tpu.memory_space<vmem>>, vector<16xf32>,
          %slice3A_292 = vector.extract_strided_slice %get3A_291 {offsets = [0], sizes = [1], strides = [1]} : vector<16xf32> to vector<1xf32>
          %squeeze3A_293 = vector.extract %slice3A_292[0] : f32 from vector<1xf32>
          %add3A_294 = arith.constant 2 : i32
          %add3A_295 = arith.addi %add3A_281, %add3A_294 : i32
          %get3A_296 = arith.index_cast %add3A_295 : i32 to index
          %get3A_297 = tpu.vector_load %arg18[%get3A_296] {strides = array<i32>} : memref<1408xf32, #tpu.memory_space<vmem>>, vector<16xf32>,
          %slice3A_298 = vector.extract_strided_slice %get3A_297 {offsets = [0], sizes = [1], strides = [1]} : vector<16xf32> to vector<1xf32>
          %squeeze3A_299 = vector.extract %slice3A_298[0] : f32 from vector<1xf32>
          %add3A_300 = arith.constant 3 : i32
          %add3A_301 = arith.addi %add3A_281, %add3A_300 : i32
          %get3A_302 = arith.index_cast %add3A_301 : i32 to index
          %get3A_303 = tpu.vector_load %arg18[%get3A_302] {strides = array<i32>} : memref<1408xf32, #tpu.memory_space<vmem>>, vector<16xf32>,
          %slice3A_304 = vector.extract_strided_slice %get3A_303 {offsets = [0], sizes = [1], strides = [1]} : vector<16xf32> to vector<1xf32>
          %squeeze3A_305 = vector.extract %slice3A_304[0] : f32 from vector<1xf32>
          %add3A_306 = arith.constant 0 : i32
          %add3A_307 = arith.addi %add3A_281, %add3A_306 : i32
          %get3A_308 = arith.index_cast %add3A_307 : i32 to index
          %get3A_309 = tpu.vector_load %arg28[%get3A_308] {strides = array<i32>} : memref<1408xi32, #tpu.memory_space<vmem>>, vector<16xi32>,
          %slice3A_310 = vector.extract_strided_slice %get3A_309 {offsets = [0], sizes = [1], strides = [1]} : vector<16xi32> to vector<1xi32>
          %squeeze3A_311 = vector.extract %slice3A_310[0] : i32 from vector<1xi32>
          %multiple_of3A_312 = tpu.assume_multiple %squeeze3A_311, 16 : i32
          %add3A_313 = arith.constant 1 : i32
          %add3A_314 = arith.addi %add3A_281, %add3A_313 : i32
          %get3A_315 = arith.index_cast %add3A_314 : i32 to index
          %get3A_316 = tpu.vector_load %arg28[%get3A_315] {strides = array<i32>} : memref<1408xi32, #tpu.memory_space<vmem>>, vector<16xi32>,
          %slice3A_317 = vector.extract_strided_slice %get3A_316 {offsets = [0], sizes = [1], strides = [1]} : vector<16xi32> to vector<1xi32>
          %squeeze3A_318 = vector.extract %slice3A_317[0] : i32 from vector<1xi32>
          %multiple_of3A_319 = tpu.assume_multiple %squeeze3A_318, 16 : i32
          %add3A_320 = arith.constant 2 : i32
          %add3A_321 = arith.addi %add3A_281, %add3A_320 : i32
          %get3A_322 = arith.index_cast %add3A_321 : i32 to index
          %get3A_323 = tpu.vector_load %arg28[%get3A_322] {strides = array<i32>} : memref<1408xi32, #tpu.memory_space<vmem>>, vector<16xi32>,
          %slice3A_324 = vector.extract_strided_slice %get3A_323 {offsets = [0], sizes = [1], strides = [1]} : vector<16xi32> to vector<1xi32>
          %squeeze3A_325 = vector.extract %slice3A_324[0] : i32 from vector<1xi32>
          %multiple_of3A_326 = tpu.assume_multiple %squeeze3A_325, 16 : i32
          %add3A_327 = arith.constant 3 : i32
          %add3A_328 = arith.addi %add3A_281, %add3A_327 : i32
          %get3A_329 = arith.index_cast %add3A_328 : i32 to index
          %get3A_330 = tpu.vector_load %arg28[%get3A_329] {strides = array<i32>} : memref<1408xi32, #tpu.memory_space<vmem>>, vector<16xi32>,
          %slice3A_331 = vector.extract_strided_slice %get3A_330 {offsets = [0], sizes = [1], strides = [1]} : vector<16xi32> to vector<1xi32>
          %squeeze3A_332 = vector.extract %slice3A_331[0] : i32 from vector<1xi32>
          %multiple_of3A_333 = tpu.assume_multiple %squeeze3A_332, 16 : i32
          %parallel_loop3A_334 = arith.constant 0 : i32
          %parallel_loop3A_335 = arith.constant 2048 : i32
          %parallel_loop3A_336 = arith.constant 16 : i32
          scf.for %parallel_loop3A_338 = %parallel_loop3A_334 to %parallel_loop3A_335 step %parallel_loop3A_336  : i32 {
            %parallel_loop3A_339 = arith.index_cast %parallel_loop3A_338 : i32 to index
            %parallel_loop3A_340 = tpu.vector_load %arg17[%parallel_loop3A_339] {strides = array<i32>} : memref<2048xf32, #tpu.memory_space<vmem>>, vector<16xf32>,
            %parallel_loop3A_341 = arith.addi %multiple_of3A_312, %parallel_loop3A_338 : i32
            %parallel_loop3A_342 = arith.index_cast %parallel_loop3A_341 : i32 to index
            %parallel_loop3A_343 = tpu.vector_load %arg16[%parallel_loop3A_342] {strides = array<i32>} : memref<122880xf32, #tpu.memory_space<vmem>>, vector<16xf32>,
            %parallel_loop3A_344 = vector.broadcast %squeeze3A_287 : f32 to vector<16xf32>
            %parallel_loop3A_345 = arith.mulf %parallel_loop3A_344, %parallel_loop3A_343 : vector<16xf32>
            %parallel_loop3A_346 = arith.addi %multiple_of3A_319, %parallel_loop3A_338 : i32
            %parallel_loop3A_347 = arith.index_cast %parallel_loop3A_346 : i32 to index
            %parallel_loop3A_348 = tpu.vector_load %arg16[%parallel_loop3A_347] {strides = array<i32>} : memref<122880xf32, #tpu.memory_space<vmem>>, vector<16xf32>,
            %parallel_loop3A_349 = vector.broadcast %squeeze3A_293 : f32 to vector<16xf32>
            %parallel_loop3A_350 = arith.mulf %parallel_loop3A_349, %parallel_loop3A_348 : vector<16xf32>
            %parallel_loop3A_351 = arith.addf %parallel_loop3A_345, %parallel_loop3A_350 : vector<16xf32>
            %parallel_loop3A_352 = arith.addi %multiple_of3A_326, %parallel_loop3A_338 : i32
            %parallel_loop3A_353 = arith.index_cast %parallel_loop3A_352 : i32 to index
            %parallel_loop3A_354 = tpu.vector_load %arg16[%parallel_loop3A_353] {strides = array<i32>} : memref<122880xf32, #tpu.memory_space<vmem>>, vector<16xf32>,
            %parallel_loop3A_355 = vector.broadcast %squeeze3A_299 : f32 to vector<16xf32>
            %parallel_loop3A_356 = arith.mulf %parallel_loop3A_355, %parallel_loop3A_354 : vector<16xf32>
            %parallel_loop3A_357 = arith.addi %multiple_of3A_333, %parallel_loop3A_338 : i32
            %parallel_loop3A_358 = arith.index_cast %parallel_loop3A_357 : i32 to index
            %parallel_loop3A_359 = tpu.vector_load %arg16[%parallel_loop3A_358] {strides = array<i32>} : memref<122880xf32, #tpu.memory_space<vmem>>, vector<16xf32>,
            %parallel_loop3A_360 = vector.broadcast %squeeze3A_305 : f32 to vector<16xf32>
            %parallel_loop3A_361 = arith.mulf %parallel_loop3A_360, %parallel_loop3A_359 : vector<16xf32>
            %parallel_loop3A_362 = arith.addf %parallel_loop3A_356, %parallel_loop3A_361 : vector<16xf32>
            %parallel_loop3A_363 = arith.addf %parallel_loop3A_351, %parallel_loop3A_362 : vector<16xf32>
            %parallel_loop3A_364 = arith.addf %parallel_loop3A_340, %parallel_loop3A_363 : vector<16xf32>
            %parallel_loop3A_365 = arith.index_cast %parallel_loop3A_338 : i32 to index
            %parallel_loop3A_366 = tpu.vector_load %arg17[%parallel_loop3A_365] {strides = array<i32>} : memref<2048xf32, #tpu.memory_space<vmem>>, vector<16xf32>,
            tpu.vector_store %arg17[%parallel_loop3A_365], %parallel_loop3A_364 {strides = array<i32>} : memref<2048xf32, #tpu.memory_space<vmem>>, vector<16xf32>,
          } {sc.loop_unroll_factor = 4 : i64, sc.parallel_access}
          %while3A_337 = arith.constant 0 : i32
          scf.yield %while3A_337 : i32
        }
        %while3A_271 = arith.constant 1 : i32
        %while3A_272 = scf.for %while3A_277 = %while3A_268 to %while3A_264 step %while3A_271 iter_args(%while3A_278 = %while3A_270) -> (i32)  : i32 {
          %mul3A_279 = arith.constant 4 : i32
          %mul3A_280 = arith.muli %while3A_277, %mul3A_279 : i32
          %add3A_281 = arith.addi %while3A_197, %mul3A_280 : i32
          %add3A_282 = arith.constant 0 : i32
          %add3A_283 = arith.addi %add3A_281, %add3A_282 : i32
          %get3A_284 = arith.index_cast %add3A_283 : i32 to index
          %get3A_285 = tpu.vector_load %arg18[%get3A_284] {strides = array<i32>} : memref<1408xf32, #tpu.memory_space<vmem>>, vector<16xf32>,
          %slice3A_286 = vector.extract_strided_slice %get3A_285 {offsets = [0], sizes = [1], strides = [1]} : vector<16xf32> to vector<1xf32>
          %squeeze3A_287 = vector.extract %slice3A_286[0] : f32 from vector<1xf32>
          %add3A_288 = arith.constant 1 : i32
          %add3A_289 = arith.addi %add3A_281, %add3A_288 : i32
          %get3A_290 = arith.index_cast %add3A_289 : i32 to index
          %get3A_291 = tpu.vector_load %arg18[%get3A_290] {strides = array<i32>} : memref<1408xf32, #tpu.memory_space<vmem>>, vector<16xf32>,
          %slice3A_292 = vector.extract_strided_slice %get3A_291 {offsets = [0], sizes = [1], strides = [1]} : vector<16xf32> to vector<1xf32>
          %squeeze3A_293 = vector.extract %slice3A_292[0] : f32 from vector<1xf32>
          %add3A_294 = arith.constant 2 : i32
          %add3A_295 = arith.addi %add3A_281, %add3A_294 : i32
          %get3A_296 = arith.index_cast %add3A_295 : i32 to index
          %get3A_297 = tpu.vector_load %arg18[%get3A_296] {strides = array<i32>} : memref<1408xf32, #tpu.memory_space<vmem>>, vector<16xf32>,
          %slice3A_298 = vector.extract_strided_slice %get3A_297 {offsets = [0], sizes = [1], strides = [1]} : vector<16xf32> to vector<1xf32>
          %squeeze3A_299 = vector.extract %slice3A_298[0] : f32 from vector<1xf32>
          %add3A_300 = arith.constant 3 : i32
          %add3A_301 = arith.addi %add3A_281, %add3A_300 : i32
          %get3A_302 = arith.index_cast %add3A_301 : i32 to index
          %get3A_303 = tpu.vector_load %arg18[%get3A_302] {strides = array<i32>} : memref<1408xf32, #tpu.memory_space<vmem>>, vector<16xf32>,
          %slice3A_304 = vector.extract_strided_slice %get3A_303 {offsets = [0], sizes = [1], strides = [1]} : vector<16xf32> to vector<1xf32>
          %squeeze3A_305 = vector.extract %slice3A_304[0] : f32 from vector<1xf32>
          %add3A_306 = arith.constant 0 : i32
          %add3A_307 = arith.addi %add3A_281, %add3A_306 : i32
          %get3A_308 = arith.index_cast %add3A_307 : i32 to index
          %get3A_309 = tpu.vector_load %arg28[%get3A_308] {strides = array<i32>} : memref<1408xi32, #tpu.memory_space<vmem>>, vector<16xi32>,
          %slice3A_310 = vector.extract_strided_slice %get3A_309 {offsets = [0], sizes = [1], strides = [1]} : vector<16xi32> to vector<1xi32>
          %squeeze3A_311 = vector.extract %slice3A_310[0] : i32 from vector<1xi32>
          %multiple_of3A_312 = tpu.assume_multiple %squeeze3A_311, 16 : i32
          %add3A_313 = arith.constant 1 : i32
          %add3A_314 = arith.addi %add3A_281, %add3A_313 : i32
          %get3A_315 = arith.index_cast %add3A_314 : i32 to index
          %get3A_316 = tpu.vector_load %arg28[%get3A_315] {strides = array<i32>} : memref<1408xi32, #tpu.memory_space<vmem>>, vector<16xi32>,
          %slice3A_317 = vector.extract_strided_slice %get3A_316 {offsets = [0], sizes = [1], strides = [1]} : vector<16xi32> to vector<1xi32>
          %squeeze3A_318 = vector.extract %slice3A_317[0] : i32 from vector<1xi32>
          %multiple_of3A_319 = tpu.assume_multiple %squeeze3A_318, 16 : i32
          %add3A_320 = arith.constant 2 : i32
          %add3A_321 = arith.addi %add3A_281, %add3A_320 : i32
          %get3A_322 = arith.index_cast %add3A_321 : i32 to index
          %get3A_323 = tpu.vector_load %arg28[%get3A_322] {strides = array<i32>} : memref<1408xi32, #tpu.memory_space<vmem>>, vector<16xi32>,
          %slice3A_324 = vector.extract_strided_slice %get3A_323 {offsets = [0], sizes = [1], strides = [1]} : vector<16xi32> to vector<1xi32>
          %squeeze3A_325 = vector.extract %slice3A_324[0] : i32 from vector<1xi32>
          %multiple_of3A_326 = tpu.assume_multiple %squeeze3A_325, 16 : i32
          %add3A_327 = arith.constant 3 : i32
          %add3A_328 = arith.addi %add3A_281, %add3A_327 : i32
          %get3A_329 = arith.index_cast %add3A_328 : i32 to index
          %get3A_330 = tpu.vector_load %arg28[%get3A_329] {strides = array<i32>} : memref<1408xi32, #tpu.memory_space<vmem>>, vector<16xi32>,
          %slice3A_331 = vector.extract_strided_slice %get3A_330 {offsets = [0], sizes = [1], strides = [1]} : vector<16xi32> to vector<1xi32>
          %squeeze3A_332 = vector.extract %slice3A_331[0] : i32 from vector<1xi32>
          %multiple_of3A_333 = tpu.assume_multiple %squeeze3A_332, 16 : i32
          %parallel_loop3A_334 = arith.constant 0 : i32
          %parallel_loop3A_335 = arith.constant 2048 : i32
          %parallel_loop3A_336 = arith.constant 16 : i32
          scf.for %parallel_loop3A_338 = %parallel_loop3A_334 to %parallel_loop3A_335 step %parallel_loop3A_336  : i32 {
            %parallel_loop3A_339 = arith.index_cast %parallel_loop3A_338 : i32 to index
            %parallel_loop3A_340 = tpu.vector_load %arg17[%parallel_loop3A_339] {strides = array<i32>} : memref<2048xf32, #tpu.memory_space<vmem>>, vector<16xf32>,
            %parallel_loop3A_341 = arith.addi %multiple_of3A_312, %parallel_loop3A_338 : i32
            %parallel_loop3A_342 = arith.index_cast %parallel_loop3A_341 : i32 to index
            %parallel_loop3A_343 = tpu.vector_load %arg16[%parallel_loop3A_342] {strides = array<i32>} : memref<122880xf32, #tpu.memory_space<vmem>>, vector<16xf32>,
            %parallel_loop3A_344 = vector.broadcast %squeeze3A_287 : f32 to vector<16xf32>
            %parallel_loop3A_345 = arith.mulf %parallel_loop3A_344, %parallel_loop3A_343 : vector<16xf32>
            %parallel_loop3A_346 = arith.addi %multiple_of3A_319, %parallel_loop3A_338 : i32
            %parallel_loop3A_347 = arith.index_cast %parallel_loop3A_346 : i32 to index
            %parallel_loop3A_348 = tpu.vector_load %arg16[%parallel_loop3A_347] {strides = array<i32>} : memref<122880xf32, #tpu.memory_space<vmem>>, vector<16xf32>,
            %parallel_loop3A_349 = vector.broadcast %squeeze3A_293 : f32 to vector<16xf32>
            %parallel_loop3A_350 = arith.mulf %parallel_loop3A_349, %parallel_loop3A_348 : vector<16xf32>
            %parallel_loop3A_351 = arith.addf %parallel_loop3A_345, %parallel_loop3A_350 : vector<16xf32>
            %parallel_loop3A_352 = arith.addi %multiple_of3A_326, %parallel_loop3A_338 : i32
            %parallel_loop3A_353 = arith.index_cast %parallel_loop3A_352 : i32 to index
            %parallel_loop3A_354 = tpu.vector_load %arg16[%parallel_loop3A_353] {strides = array<i32>} : memref<122880xf32, #tpu.memory_space<vmem>>, vector<16xf32>,
            %parallel_loop3A_355 = vector.broadcast %squeeze3A_299 : f32 to vector<16xf32>
            %parallel_loop3A_356 = arith.mulf %parallel_loop3A_355, %parallel_loop3A_354 : vector<16xf32>
            %parallel_loop3A_357 = arith.addi %multiple_of3A_333, %parallel_loop3A_338 : i32
            %parallel_loop3A_358 = arith.index_cast %parallel_loop3A_357 : i32 to index
            %parallel_loop3A_359 = tpu.vector_load %arg16[%parallel_loop3A_358] {strides = array<i32>} : memref<122880xf32, #tpu.memory_space<vmem>>, vector<16xf32>,
            %parallel_loop3A_360 = vector.broadcast %squeeze3A_305 : f32 to vector<16xf32>
            %parallel_loop3A_361 = arith.mulf %parallel_loop3A_360, %parallel_loop3A_359 : vector<16xf32>
            %parallel_loop3A_362 = arith.addf %parallel_loop3A_356, %parallel_loop3A_361 : vector<16xf32>
            %parallel_loop3A_363 = arith.addf %parallel_loop3A_351, %parallel_loop3A_362 : vector<16xf32>
            %parallel_loop3A_364 = arith.addf %parallel_loop3A_340, %parallel_loop3A_363 : vector<16xf32>
            %parallel_loop3A_365 = arith.index_cast %parallel_loop3A_338 : i32 to index
            %parallel_loop3A_366 = tpu.vector_load %arg17[%parallel_loop3A_365] {strides = array<i32>} : memref<2048xf32, #tpu.memory_space<vmem>>, vector<16xf32>,
            tpu.vector_store %arg17[%parallel_loop3A_365], %parallel_loop3A_364 {strides = array<i32>} : memref<2048xf32, #tpu.memory_space<vmem>>, vector<16xf32>,
          } {sc.loop_unroll_factor = 4 : i64, sc.parallel_access}
          %while3A_337 = arith.constant 0 : i32
          scf.yield %while3A_337 : i32
        }
        "tpu.region"() ({
          %run_scoped3A = tpu.sem_alloc : memref<!tpu.dma_semaphore, #tpu.memory_space<semaphore_mem>>
          %dma_start3A_277 = tpu.memref_slice %arg15[%multiple_of3A] : memref<1572864xf32, #tpu.memory_space<hbm>> -> memref<2048xf32, #tpu.memory_space<hbm>>
          %dma_start3A_278 = tpu.memref_slice %arg15[%multiple_of3A] : memref<1572864xf32, #tpu.memory_space<hbm>> -> memref<2048xf32, #tpu.memory_space<hbm>>
          tpu.enqueue_dma source(%arg17 : memref<2048xf32, #tpu.memory_space<vmem>>) target(%dma_start3A_278 : memref<2048xf32, #tpu.memory_space<hbm>>) target_semaphore(%run_scoped3A : memref<!tpu.dma_semaphore, #tpu.memory_space<semaphore_mem>>)
          %dma_wait3A_279 = tpu.memref_slice %arg15[%multiple_of3A] : memref<1572864xf32, #tpu.memory_space<hbm>> -> memref<2048xf32, #tpu.memory_space<hbm>>
          %dma_wait3A_280 = tpu.memref_slice %arg15[%multiple_of3A] : memref<1572864xf32, #tpu.memory_space<hbm>> -> memref<2048xf32, #tpu.memory_space<hbm>>
          tpu.wait_dma2 semaphore(%run_scoped3A : memref<!tpu.dma_semaphore, #tpu.memory_space<semaphore_mem>>) src(%arg17 : memref<2048xf32, #tpu.memory_space<vmem>>) dst(%dma_wait3A_280 : memref<2048xf32, #tpu.memory_space<hbm>>)
          tpu.yield
        }) : () -> ()
        %add3A_273 = arith.constant 1 : i32
        %add3A_274 = arith.addi %while3A_196, %add3A_273 : i32
        %shift_left3A = arith.constant 2 : i32
        %shift_left3A_275 = arith.shli %squeeze3A_205, %shift_left3A : i32
        %add3A_276 = arith.addi %while3A_197, %shift_left3A_275 : i32
        scf.yield %add3A_274, %add3A_276 : i32, i32
      }
      %add3A_194 = arith.addi %while3A_150, %squeeze3A_154 : i32
      scf.yield %while3A_193#0, %while3A_193#1, %add3A_194 : i32, i32, i32
    }
    %while3A_145 = arith.constant 1 : i32
    %while3A_146:3 = scf.for %while3A_147 = %while3A_142 to %while3A_138 step %while3A_145 iter_args(%while3A_148 = %while3A_144#0, %while3A_149 = %while3A_144#1, %while3A_150 = %while3A_144#2) -> (i32, i32, i32)  : i32 {
      %get3A_151 = arith.index_cast %while3A_147 : i32 to index
      %get3A_152 = tpu.vector_load %arg22[%get3A_151] {strides = array<i32>} : memref<32xi32, #tpu.memory_space<vmem>>, vector<16xi32>,
      %slice3A_153 = vector.extract_strided_slice %get3A_152 {offsets = [0], sizes = [1], strides = [1]} : vector<16xi32> to vector<1xi32>
      %squeeze3A_154 = vector.extract %slice3A_153[0] : i32 from vector<1xi32>
      %while3A_155 = arith.constant 0 : i32
      %while3A_156 = arith.constant 0 : i32
      %while3A_157 = arith.subi %squeeze3A_154, %while3A_155 : i32
      %while3A_158 = arith.addi %while3A_155, %while3A_157 : i32
      %while3A_159 = arith.constant 1 : i32
      %while3A_160 = arith.divsi %while3A_157, %while3A_159 : i32
      %while3A_161 = arith.muli %while3A_160, %while3A_159 : i32
      %while3A_162 = arith.addi %while3A_155, %while3A_161 : i32
      %while3A_163 = arith.constant 1 : i32
      %while3A_164 = scf.for %while3A_195 = %while3A_155 to %while3A_162 step %while3A_163 iter_args(%while3A_196 = %while3A_156) -> (i32)  : i32 {
        %add3A_197 = arith.addi %while3A_150, %while3A_195 : i32
        %get3A_198 = arith.index_cast %add3A_197 : i32 to index
        %get3A_199 = tpu.vector_load %arg24[%get3A_198] {strides = array<i32>} : memref<80xi32, #tpu.memory_space<vmem>>, vector<16xi32>,
        %slice3A_200 = vector.extract_strided_slice %get3A_199 {offsets = [0], sizes = [1], strides = [1]} : vector<16xi32> to vector<1xi32>
        %squeeze3A_201 = vector.extract %slice3A_200[0] : i32 from vector<1xi32>
        %multiple_of3A = tpu.assume_multiple %squeeze3A_201, 10240 : i32
        %add3A_202 = arith.addi %while3A_150, %while3A_195 : i32
        %get3A_203 = arith.index_cast %add3A_202 : i32 to index
        %get3A_204 = tpu.vector_load %arg25[%get3A_203] {strides = array<i32>} : memref<80xi32, #tpu.memory_space<vmem>>, vector<16xi32>,
        %slice3A_205 = vector.extract_strided_slice %get3A_204 {offsets = [0], sizes = [1], strides = [1]} : vector<16xi32> to vector<1xi32>
        %squeeze3A_206 = vector.extract %slice3A_205[0] : i32 from vector<1xi32>
        %multiple_of3A_207 = tpu.assume_multiple %squeeze3A_206, 10240 : i32
        %dma_start3A_208 = tpu.memref_slice %arg16[%multiple_of3A] : memref<122880xf32, #tpu.memory_space<vmem>> -> memref<10240xf32, #tpu.memory_space<vmem>>
        %dma_start3A_209 = tpu.memref_slice %arg2[%multiple_of3A_207] : memref<2621440xf32, #tpu.memory_space<hbm>> -> memref<10240xf32, #tpu.memory_space<hbm>>
        %dma_start3A_210 = tpu.memref_slice %arg16[%multiple_of3A] : memref<122880xf32, #tpu.memory_space<vmem>> -> memref<10240xf32, #tpu.memory_space<vmem>>
        %dma_start3A_211 = tpu.memref_slice %arg2[%multiple_of3A_207] : memref<2621440xf32, #tpu.memory_space<hbm>> -> memref<10240xf32, #tpu.memory_space<hbm>>
        tpu.enqueue_dma source(%dma_start3A_211 : memref<10240xf32, #tpu.memory_space<hbm>>) target(%dma_start3A_210 : memref<10240xf32, #tpu.memory_space<vmem>>) target_semaphore(%arg29 : memref<!tpu.dma_semaphore, #tpu.memory_space<semaphore_mem>>)
        %while3A_212 = arith.constant 0 : i32
        scf.yield %while3A_212 : i32
      }
      %while3A_165 = arith.constant 1 : i32
      %while3A_166 = scf.for %while3A_195 = %while3A_162 to %while3A_158 step %while3A_165 iter_args(%while3A_196 = %while3A_164) -> (i32)  : i32 {
        %add3A_197 = arith.addi %while3A_150, %while3A_195 : i32
        %get3A_198 = arith.index_cast %add3A_197 : i32 to index
        %get3A_199 = tpu.vector_load %arg24[%get3A_198] {strides = array<i32>} : memref<80xi32, #tpu.memory_space<vmem>>, vector<16xi32>,
        %slice3A_200 = vector.extract_strided_slice %get3A_199 {offsets = [0], sizes = [1], strides = [1]} : vector<16xi32> to vector<1xi32>
        %squeeze3A_201 = vector.extract %slice3A_200[0] : i32 from vector<1xi32>
        %multiple_of3A = tpu.assume_multiple %squeeze3A_201, 10240 : i32
        %add3A_202 = arith.addi %while3A_150, %while3A_195 : i32
        %get3A_203 = arith.index_cast %add3A_202 : i32 to index
        %get3A_204 = tpu.vector_load %arg25[%get3A_203] {strides = array<i32>} : memref<80xi32, #tpu.memory_space<vmem>>, vector<16xi32>,
        %slice3A_205 = vector.extract_strided_slice %get3A_204 {offsets = [0], sizes = [1], strides = [1]} : vector<16xi32> to vector<1xi32>
        %squeeze3A_206 = vector.extract %slice3A_205[0] : i32 from vector<1xi32>
        %multiple_of3A_207 = tpu.assume_multiple %squeeze3A_206, 10240 : i32
        %dma_start3A_208 = tpu.memref_slice %arg16[%multiple_of3A] : memref<122880xf32, #tpu.memory_space<vmem>> -> memref<10240xf32, #tpu.memory_space<vmem>>
        %dma_start3A_209 = tpu.memref_slice %arg2[%multiple_of3A_207] : memref<2621440xf32, #tpu.memory_space<hbm>> -> memref<10240xf32, #tpu.memory_space<hbm>>
        %dma_start3A_210 = tpu.memref_slice %arg16[%multiple_of3A] : memref<122880xf32, #tpu.memory_space<vmem>> -> memref<10240xf32, #tpu.memory_space<vmem>>
        %dma_start3A_211 = tpu.memref_slice %arg2[%multiple_of3A_207] : memref<2621440xf32, #tpu.memory_space<hbm>> -> memref<10240xf32, #tpu.memory_space<hbm>>
        tpu.enqueue_dma source(%dma_start3A_211 : memref<10240xf32, #tpu.memory_space<hbm>>) target(%dma_start3A_210 : memref<10240xf32, #tpu.memory_space<vmem>>) target_semaphore(%arg29 : memref<!tpu.dma_semaphore, #tpu.memory_space<semaphore_mem>>)
        %while3A_212 = arith.constant 0 : i32
        scf.yield %while3A_212 : i32
      }
      %while3A_167 = arith.constant 0 : i32
      %while3A_168 = arith.constant 0 : i32
      %while3A_169 = arith.subi %squeeze3A_154, %while3A_167 : i32
      %while3A_170 = arith.addi %while3A_167, %while3A_169 : i32
      %while3A_171 = arith.constant 1 : i32
      %while3A_172 = arith.divsi %while3A_169, %while3A_171 : i32
      %while3A_173 = arith.muli %while3A_172, %while3A_171 : i32
      %while3A_174 = arith.addi %while3A_167, %while3A_173 : i32
      %while3A_175 = arith.constant 1 : i32
      %while3A_176 = scf.for %while3A_195 = %while3A_167 to %while3A_174 step %while3A_175 iter_args(%while3A_196 = %while3A_168) -> (i32)  : i32 {
        %dma_wait3A_197 = arith.constant 0 : i32
        %dma_wait3A_198 = tpu.memref_slice %arg16[%dma_wait3A_197] : memref<122880xf32, #tpu.memory_space<vmem>> -> memref<10240xf32, #tpu.memory_space<vmem>>
        %dma_wait3A_199 = arith.constant 0 : i32
        %dma_wait3A_200 = tpu.memref_slice %arg2[%dma_wait3A_199] : memref<2621440xf32, #tpu.memory_space<hbm>> -> memref<10240xf32, #tpu.memory_space<hbm>>
        %dma_wait3A_201 = arith.constant 0 : i32
        %dma_wait3A_202 = tpu.memref_slice %arg16[%dma_wait3A_201] : memref<122880xf32, #tpu.memory_space<vmem>> -> memref<10240xf32, #tpu.memory_space<vmem>>
        %dma_wait3A_203 = arith.constant 0 : i32
        %dma_wait3A_204 = tpu.memref_slice %arg2[%dma_wait3A_203] : memref<2621440xf32, #tpu.memory_space<hbm>> -> memref<10240xf32, #tpu.memory_space<hbm>>
        tpu.wait_dma2 semaphore(%arg29 : memref<!tpu.dma_semaphore, #tpu.memory_space<semaphore_mem>>) src(%dma_wait3A_204 : memref<10240xf32, #tpu.memory_space<hbm>>) dst(%dma_wait3A_202 : memref<10240xf32, #tpu.memory_space<vmem>>)
        %while3A_205 = arith.constant 0 : i32
        scf.yield %while3A_205 : i32
      }
      %while3A_177 = arith.constant 1 : i32
      %while3A_178 = scf.for %while3A_195 = %while3A_174 to %while3A_170 step %while3A_177 iter_args(%while3A_196 = %while3A_176) -> (i32)  : i32 {
        %dma_wait3A_197 = arith.constant 0 : i32
        %dma_wait3A_198 = tpu.memref_slice %arg16[%dma_wait3A_197] : memref<122880xf32, #tpu.memory_space<vmem>> -> memref<10240xf32, #tpu.memory_space<vmem>>
        %dma_wait3A_199 = arith.constant 0 : i32
        %dma_wait3A_200 = tpu.memref_slice %arg2[%dma_wait3A_199] : memref<2621440xf32, #tpu.memory_space<hbm>> -> memref<10240xf32, #tpu.memory_space<hbm>>
        %dma_wait3A_201 = arith.constant 0 : i32
        %dma_wait3A_202 = tpu.memref_slice %arg16[%dma_wait3A_201] : memref<122880xf32, #tpu.memory_space<vmem>> -> memref<10240xf32, #tpu.memory_space<vmem>>
        %dma_wait3A_203 = arith.constant 0 : i32
        %dma_wait3A_204 = tpu.memref_slice %arg2[%dma_wait3A_203] : memref<2621440xf32, #tpu.memory_space<hbm>> -> memref<10240xf32, #tpu.memory_space<hbm>>
        tpu.wait_dma2 semaphore(%arg29 : memref<!tpu.dma_semaphore, #tpu.memory_space<semaphore_mem>>) src(%dma_wait3A_204 : memref<10240xf32, #tpu.memory_space<hbm>>) dst(%dma_wait3A_202 : memref<10240xf32, #tpu.memory_space<vmem>>)
        %while3A_205 = arith.constant 0 : i32
        scf.yield %while3A_205 : i32
      }
      %get3A_179 = arith.index_cast %while3A_147 : i32 to index
      %get3A_180 = tpu.vector_load %arg23[%get3A_179] {strides = array<i32>} : memref<32xi32, #tpu.memory_space<vmem>>, vector<16xi32>,
      %slice3A_181 = vector.extract_strided_slice %get3A_180 {offsets = [0], sizes = [1], strides = [1]} : vector<16xi32> to vector<1xi32>
      %squeeze3A_182 = vector.extract %slice3A_181[0] : i32 from vector<1xi32>
      %while3A_183 = arith.constant 0 : i32
      %while3A_184 = arith.subi %squeeze3A_182, %while3A_183 : i32
      %while3A_185 = arith.addi %while3A_183, %while3A_184 : i32
      %while3A_186 = arith.constant 1 : i32
      %while3A_187 = arith.divsi %while3A_184, %while3A_186 : i32
      %while3A_188 = arith.muli %while3A_187, %while3A_186 : i32
      %while3A_189 = arith.addi %while3A_183, %while3A_188 : i32
      %while3A_190 = arith.constant 1 : i32
      %while3A_191:2 = scf.for %while3A_195 = %while3A_183 to %while3A_189 step %while3A_190 iter_args(%while3A_196 = %while3A_148, %while3A_197 = %while3A_149) -> (i32, i32)  : i32 {
        %get3A_198 = arith.index_cast %while3A_196 : i32 to index
        %get3A_199 = tpu.vector_load %arg26[%get3A_198] {strides = array<i32>} : memref<64xi32, #tpu.memory_space<vmem>>, vector<16xi32>,
        %slice3A_200 = vector.extract_strided_slice %get3A_199 {offsets = [0], sizes = [1], strides = [1]} : vector<16xi32> to vector<1xi32>
        %squeeze3A_201 = vector.extract %slice3A_200[0] : i32 from vector<1xi32>
        %multiple_of3A = tpu.assume_multiple %squeeze3A_201, 2048 : i32
        %get3A_202 = arith.index_cast %while3A_196 : i32 to index
        %get3A_203 = tpu.vector_load %arg27[%get3A_202] {strides = array<i32>} : memref<64xi32, #tpu.memory_space<vmem>>, vector<16xi32>,
        %slice3A_204 = vector.extract_strided_slice %get3A_203 {offsets = [0], sizes = [1], strides = [1]} : vector<16xi32> to vector<1xi32>
        %squeeze3A_205 = vector.extract %slice3A_204[0] : i32 from vector<1xi32>
        %add3A_206 = arith.constant 0 : i32
        %add3A_207 = arith.addi %while3A_197, %add3A_206 : i32
        %get3A_208 = arith.index_cast %add3A_207 : i32 to index
        %get3A_209 = tpu.vector_load %arg18[%get3A_208] {strides = array<i32>} : memref<1408xf32, #tpu.memory_space<vmem>>, vector<16xf32>,
        %slice3A_210 = vector.extract_strided_slice %get3A_209 {offsets = [0], sizes = [1], strides = [1]} : vector<16xf32> to vector<1xf32>
        %squeeze3A_211 = vector.extract %slice3A_210[0] : f32 from vector<1xf32>
        %add3A_212 = arith.constant 1 : i32
        %add3A_213 = arith.addi %while3A_197, %add3A_212 : i32
        %get3A_214 = arith.index_cast %add3A_213 : i32 to index
        %get3A_215 = tpu.vector_load %arg18[%get3A_214] {strides = array<i32>} : memref<1408xf32, #tpu.memory_space<vmem>>, vector<16xf32>,
        %slice3A_216 = vector.extract_strided_slice %get3A_215 {offsets = [0], sizes = [1], strides = [1]} : vector<16xf32> to vector<1xf32>
        %squeeze3A_217 = vector.extract %slice3A_216[0] : f32 from vector<1xf32>
        %add3A_218 = arith.constant 2 : i32
        %add3A_219 = arith.addi %while3A_197, %add3A_218 : i32
        %get3A_220 = arith.index_cast %add3A_219 : i32 to index
        %get3A_221 = tpu.vector_load %arg18[%get3A_220] {strides = array<i32>} : memref<1408xf32, #tpu.memory_space<vmem>>, vector<16xf32>,
        %slice3A_222 = vector.extract_strided_slice %get3A_221 {offsets = [0], sizes = [1], strides = [1]} : vector<16xf32> to vector<1xf32>
        %squeeze3A_223 = vector.extract %slice3A_222[0] : f32 from vector<1xf32>
        %add3A_224 = arith.constant 3 : i32
        %add3A_225 = arith.addi %while3A_197, %add3A_224 : i32
        %get3A_226 = arith.index_cast %add3A_225 : i32 to index
        %get3A_227 = tpu.vector_load %arg18[%get3A_226] {strides = array<i32>} : memref<1408xf32, #tpu.memory_space<vmem>>, vector<16xf32>,
        %slice3A_228 = vector.extract_strided_slice %get3A_227 {offsets = [0], sizes = [1], strides = [1]} : vector<16xf32> to vector<1xf32>
        %squeeze3A_229 = vector.extract %slice3A_228[0] : f32 from vector<1xf32>
        %add3A_230 = arith.constant 0 : i32
        %add3A_231 = arith.addi %while3A_197, %add3A_230 : i32
        %get3A_232 = arith.index_cast %add3A_231 : i32 to index
        %get3A_233 = tpu.vector_load %arg28[%get3A_232] {strides = array<i32>} : memref<1408xi32, #tpu.memory_space<vmem>>, vector<16xi32>,
        %slice3A_234 = vector.extract_strided_slice %get3A_233 {offsets = [0], sizes = [1], strides = [1]} : vector<16xi32> to vector<1xi32>
        %squeeze3A_235 = vector.extract %slice3A_234[0] : i32 from vector<1xi32>
        %multiple_of3A_236 = tpu.assume_multiple %squeeze3A_235, 16 : i32
        %add3A_237 = arith.constant 1 : i32
        %add3A_238 = arith.addi %while3A_197, %add3A_237 : i32
        %get3A_239 = arith.index_cast %add3A_238 : i32 to index
        %get3A_240 = tpu.vector_load %arg28[%get3A_239] {strides = array<i32>} : memref<1408xi32, #tpu.memory_space<vmem>>, vector<16xi32>,
        %slice3A_241 = vector.extract_strided_slice %get3A_240 {offsets = [0], sizes = [1], strides = [1]} : vector<16xi32> to vector<1xi32>
        %squeeze3A_242 = vector.extract %slice3A_241[0] : i32 from vector<1xi32>
        %multiple_of3A_243 = tpu.assume_multiple %squeeze3A_242, 16 : i32
        %add3A_244 = arith.constant 2 : i32
        %add3A_245 = arith.addi %while3A_197, %add3A_244 : i32
        %get3A_246 = arith.index_cast %add3A_245 : i32 to index
        %get3A_247 = tpu.vector_load %arg28[%get3A_246] {strides = array<i32>} : memref<1408xi32, #tpu.memory_space<vmem>>, vector<16xi32>,
        %slice3A_248 = vector.extract_strided_slice %get3A_247 {offsets = [0], sizes = [1], strides = [1]} : vector<16xi32> to vector<1xi32>
        %squeeze3A_249 = vector.extract %slice3A_248[0] : i32 from vector<1xi32>
        %multiple_of3A_250 = tpu.assume_multiple %squeeze3A_249, 16 : i32
        %add3A_251 = arith.constant 3 : i32
        %add3A_252 = arith.addi %while3A_197, %add3A_251 : i32
        %get3A_253 = arith.index_cast %add3A_252 : i32 to index
        %get3A_254 = tpu.vector_load %arg28[%get3A_253] {strides = array<i32>} : memref<1408xi32, #tpu.memory_space<vmem>>, vector<16xi32>,
        %slice3A_255 = vector.extract_strided_slice %get3A_254 {offsets = [0], sizes = [1], strides = [1]} : vector<16xi32> to vector<1xi32>
        %squeeze3A_256 = vector.extract %slice3A_255[0] : i32 from vector<1xi32>
        %multiple_of3A_257 = tpu.assume_multiple %squeeze3A_256, 16 : i32
        %parallel_loop3A_258 = arith.constant 0 : i32
        %parallel_loop3A_259 = arith.constant 2048 : i32
        %parallel_loop3A_260 = arith.constant 16 : i32
        scf.for %parallel_loop3A_277 = %parallel_loop3A_258 to %parallel_loop3A_259 step %parallel_loop3A_260  : i32 {
          %parallel_loop3A_278 = arith.addi %multiple_of3A_236, %parallel_loop3A_277 : i32
          %parallel_loop3A_279 = arith.index_cast %parallel_loop3A_278 : i32 to index
          %parallel_loop3A_280 = tpu.vector_load %arg16[%parallel_loop3A_279] {strides = array<i32>} : memref<122880xf32, #tpu.memory_space<vmem>>, vector<16xf32>,
          %parallel_loop3A_281 = vector.broadcast %squeeze3A_211 : f32 to vector<16xf32>
          %parallel_loop3A_282 = arith.mulf %parallel_loop3A_281, %parallel_loop3A_280 : vector<16xf32>
          %parallel_loop3A_283 = arith.addi %multiple_of3A_243, %parallel_loop3A_277 : i32
          %parallel_loop3A_284 = arith.index_cast %parallel_loop3A_283 : i32 to index
          %parallel_loop3A_285 = tpu.vector_load %arg16[%parallel_loop3A_284] {strides = array<i32>} : memref<122880xf32, #tpu.memory_space<vmem>>, vector<16xf32>,
          %parallel_loop3A_286 = vector.broadcast %squeeze3A_217 : f32 to vector<16xf32>
          %parallel_loop3A_287 = arith.mulf %parallel_loop3A_286, %parallel_loop3A_285 : vector<16xf32>
          %parallel_loop3A_288 = arith.addf %parallel_loop3A_282, %parallel_loop3A_287 : vector<16xf32>
          %parallel_loop3A_289 = arith.addi %multiple_of3A_250, %parallel_loop3A_277 : i32
          %parallel_loop3A_290 = arith.index_cast %parallel_loop3A_289 : i32 to index
          %parallel_loop3A_291 = tpu.vector_load %arg16[%parallel_loop3A_290] {strides = array<i32>} : memref<122880xf32, #tpu.memory_space<vmem>>, vector<16xf32>,
          %parallel_loop3A_292 = vector.broadcast %squeeze3A_223 : f32 to vector<16xf32>
          %parallel_loop3A_293 = arith.mulf %parallel_loop3A_292, %parallel_loop3A_291 : vector<16xf32>
          %parallel_loop3A_294 = arith.addi %multiple_of3A_257, %parallel_loop3A_277 : i32
          %parallel_loop3A_295 = arith.index_cast %parallel_loop3A_294 : i32 to index
          %parallel_loop3A_296 = tpu.vector_load %arg16[%parallel_loop3A_295] {strides = array<i32>} : memref<122880xf32, #tpu.memory_space<vmem>>, vector<16xf32>,
          %parallel_loop3A_297 = vector.broadcast %squeeze3A_229 : f32 to vector<16xf32>
          %parallel_loop3A_298 = arith.mulf %parallel_loop3A_297, %parallel_loop3A_296 : vector<16xf32>
          %parallel_loop3A_299 = arith.addf %parallel_loop3A_293, %parallel_loop3A_298 : vector<16xf32>
          %parallel_loop3A_300 = arith.addf %parallel_loop3A_288, %parallel_loop3A_299 : vector<16xf32>
          %parallel_loop3A_301 = arith.index_cast %parallel_loop3A_277 : i32 to index
          %parallel_loop3A_302 = tpu.vector_load %arg17[%parallel_loop3A_301] {strides = array<i32>} : memref<2048xf32, #tpu.memory_space<vmem>>, vector<16xf32>,
          tpu.vector_store %arg17[%parallel_loop3A_301], %parallel_loop3A_300 {strides = array<i32>} : memref<2048xf32, #tpu.memory_space<vmem>>, vector<16xf32>,
        } {sc.loop_unroll_factor = 4 : i64, sc.parallel_access}
        %while3A_261 = arith.constant 1 : i32
        %while3A_262 = arith.constant 0 : i32
        %while3A_263 = arith.subi %squeeze3A_205, %while3A_261 : i32
        %while3A_264 = arith.addi %while3A_261, %while3A_263 : i32
        %while3A_265 = arith.constant 1 : i32
        %while3A_266 = arith.divsi %while3A_263, %while3A_265 : i32
        %while3A_267 = arith.muli %while3A_266, %while3A_265 : i32
        %while3A_268 = arith.addi %while3A_261, %while3A_267 : i32
        %while3A_269 = arith.constant 1 : i32
        %while3A_270 = scf.for %while3A_277 = %while3A_261 to %while3A_268 step %while3A_269 iter_args(%while3A_278 = %while3A_262) -> (i32)  : i32 {
          %mul3A_279 = arith.constant 4 : i32
          %mul3A_280 = arith.muli %while3A_277, %mul3A_279 : i32
          %add3A_281 = arith.addi %while3A_197, %mul3A_280 : i32
          %add3A_282 = arith.constant 0 : i32
          %add3A_283 = arith.addi %add3A_281, %add3A_282 : i32
          %get3A_284 = arith.index_cast %add3A_283 : i32 to index
          %get3A_285 = tpu.vector_load %arg18[%get3A_284] {strides = array<i32>} : memref<1408xf32, #tpu.memory_space<vmem>>, vector<16xf32>,
          %slice3A_286 = vector.extract_strided_slice %get3A_285 {offsets = [0], sizes = [1], strides = [1]} : vector<16xf32> to vector<1xf32>
          %squeeze3A_287 = vector.extract %slice3A_286[0] : f32 from vector<1xf32>
          %add3A_288 = arith.constant 1 : i32
          %add3A_289 = arith.addi %add3A_281, %add3A_288 : i32
          %get3A_290 = arith.index_cast %add3A_289 : i32 to index
          %get3A_291 = tpu.vector_load %arg18[%get3A_290] {strides = array<i32>} : memref<1408xf32, #tpu.memory_space<vmem>>, vector<16xf32>,
          %slice3A_292 = vector.extract_strided_slice %get3A_291 {offsets = [0], sizes = [1], strides = [1]} : vector<16xf32> to vector<1xf32>
          %squeeze3A_293 = vector.extract %slice3A_292[0] : f32 from vector<1xf32>
          %add3A_294 = arith.constant 2 : i32
          %add3A_295 = arith.addi %add3A_281, %add3A_294 : i32
          %get3A_296 = arith.index_cast %add3A_295 : i32 to index
          %get3A_297 = tpu.vector_load %arg18[%get3A_296] {strides = array<i32>} : memref<1408xf32, #tpu.memory_space<vmem>>, vector<16xf32>,
          %slice3A_298 = vector.extract_strided_slice %get3A_297 {offsets = [0], sizes = [1], strides = [1]} : vector<16xf32> to vector<1xf32>
          %squeeze3A_299 = vector.extract %slice3A_298[0] : f32 from vector<1xf32>
          %add3A_300 = arith.constant 3 : i32
          %add3A_301 = arith.addi %add3A_281, %add3A_300 : i32
          %get3A_302 = arith.index_cast %add3A_301 : i32 to index
          %get3A_303 = tpu.vector_load %arg18[%get3A_302] {strides = array<i32>} : memref<1408xf32, #tpu.memory_space<vmem>>, vector<16xf32>,
          %slice3A_304 = vector.extract_strided_slice %get3A_303 {offsets = [0], sizes = [1], strides = [1]} : vector<16xf32> to vector<1xf32>
          %squeeze3A_305 = vector.extract %slice3A_304[0] : f32 from vector<1xf32>
          %add3A_306 = arith.constant 0 : i32
          %add3A_307 = arith.addi %add3A_281, %add3A_306 : i32
          %get3A_308 = arith.index_cast %add3A_307 : i32 to index
          %get3A_309 = tpu.vector_load %arg28[%get3A_308] {strides = array<i32>} : memref<1408xi32, #tpu.memory_space<vmem>>, vector<16xi32>,
          %slice3A_310 = vector.extract_strided_slice %get3A_309 {offsets = [0], sizes = [1], strides = [1]} : vector<16xi32> to vector<1xi32>
          %squeeze3A_311 = vector.extract %slice3A_310[0] : i32 from vector<1xi32>
          %multiple_of3A_312 = tpu.assume_multiple %squeeze3A_311, 16 : i32
          %add3A_313 = arith.constant 1 : i32
          %add3A_314 = arith.addi %add3A_281, %add3A_313 : i32
          %get3A_315 = arith.index_cast %add3A_314 : i32 to index
          %get3A_316 = tpu.vector_load %arg28[%get3A_315] {strides = array<i32>} : memref<1408xi32, #tpu.memory_space<vmem>>, vector<16xi32>,
          %slice3A_317 = vector.extract_strided_slice %get3A_316 {offsets = [0], sizes = [1], strides = [1]} : vector<16xi32> to vector<1xi32>
          %squeeze3A_318 = vector.extract %slice3A_317[0] : i32 from vector<1xi32>
          %multiple_of3A_319 = tpu.assume_multiple %squeeze3A_318, 16 : i32
          %add3A_320 = arith.constant 2 : i32
          %add3A_321 = arith.addi %add3A_281, %add3A_320 : i32
          %get3A_322 = arith.index_cast %add3A_321 : i32 to index
          %get3A_323 = tpu.vector_load %arg28[%get3A_322] {strides = array<i32>} : memref<1408xi32, #tpu.memory_space<vmem>>, vector<16xi32>,
          %slice3A_324 = vector.extract_strided_slice %get3A_323 {offsets = [0], sizes = [1], strides = [1]} : vector<16xi32> to vector<1xi32>
          %squeeze3A_325 = vector.extract %slice3A_324[0] : i32 from vector<1xi32>
          %multiple_of3A_326 = tpu.assume_multiple %squeeze3A_325, 16 : i32
          %add3A_327 = arith.constant 3 : i32
          %add3A_328 = arith.addi %add3A_281, %add3A_327 : i32
          %get3A_329 = arith.index_cast %add3A_328 : i32 to index
          %get3A_330 = tpu.vector_load %arg28[%get3A_329] {strides = array<i32>} : memref<1408xi32, #tpu.memory_space<vmem>>, vector<16xi32>,
          %slice3A_331 = vector.extract_strided_slice %get3A_330 {offsets = [0], sizes = [1], strides = [1]} : vector<16xi32> to vector<1xi32>
          %squeeze3A_332 = vector.extract %slice3A_331[0] : i32 from vector<1xi32>
          %multiple_of3A_333 = tpu.assume_multiple %squeeze3A_332, 16 : i32
          %parallel_loop3A_334 = arith.constant 0 : i32
          %parallel_loop3A_335 = arith.constant 2048 : i32
          %parallel_loop3A_336 = arith.constant 16 : i32
          scf.for %parallel_loop3A_338 = %parallel_loop3A_334 to %parallel_loop3A_335 step %parallel_loop3A_336  : i32 {
            %parallel_loop3A_339 = arith.index_cast %parallel_loop3A_338 : i32 to index
            %parallel_loop3A_340 = tpu.vector_load %arg17[%parallel_loop3A_339] {strides = array<i32>} : memref<2048xf32, #tpu.memory_space<vmem>>, vector<16xf32>,
            %parallel_loop3A_341 = arith.addi %multiple_of3A_312, %parallel_loop3A_338 : i32
            %parallel_loop3A_342 = arith.index_cast %parallel_loop3A_341 : i32 to index
            %parallel_loop3A_343 = tpu.vector_load %arg16[%parallel_loop3A_342] {strides = array<i32>} : memref<122880xf32, #tpu.memory_space<vmem>>, vector<16xf32>,
            %parallel_loop3A_344 = vector.broadcast %squeeze3A_287 : f32 to vector<16xf32>
            %parallel_loop3A_345 = arith.mulf %parallel_loop3A_344, %parallel_loop3A_343 : vector<16xf32>
            %parallel_loop3A_346 = arith.addi %multiple_of3A_319, %parallel_loop3A_338 : i32
            %parallel_loop3A_347 = arith.index_cast %parallel_loop3A_346 : i32 to index
            %parallel_loop3A_348 = tpu.vector_load %arg16[%parallel_loop3A_347] {strides = array<i32>} : memref<122880xf32, #tpu.memory_space<vmem>>, vector<16xf32>,
            %parallel_loop3A_349 = vector.broadcast %squeeze3A_293 : f32 to vector<16xf32>
            %parallel_loop3A_350 = arith.mulf %parallel_loop3A_349, %parallel_loop3A_348 : vector<16xf32>
            %parallel_loop3A_351 = arith.addf %parallel_loop3A_345, %parallel_loop3A_350 : vector<16xf32>
            %parallel_loop3A_352 = arith.addi %multiple_of3A_326, %parallel_loop3A_338 : i32
            %parallel_loop3A_353 = arith.index_cast %parallel_loop3A_352 : i32 to index
            %parallel_loop3A_354 = tpu.vector_load %arg16[%parallel_loop3A_353] {strides = array<i32>} : memref<122880xf32, #tpu.memory_space<vmem>>, vector<16xf32>,
            %parallel_loop3A_355 = vector.broadcast %squeeze3A_299 : f32 to vector<16xf32>
            %parallel_loop3A_356 = arith.mulf %parallel_loop3A_355, %parallel_loop3A_354 : vector<16xf32>
            %parallel_loop3A_357 = arith.addi %multiple_of3A_333, %parallel_loop3A_338 : i32
            %parallel_loop3A_358 = arith.index_cast %parallel_loop3A_357 : i32 to index
            %parallel_loop3A_359 = tpu.vector_load %arg16[%parallel_loop3A_358] {strides = array<i32>} : memref<122880xf32, #tpu.memory_space<vmem>>, vector<16xf32>,
            %parallel_loop3A_360 = vector.broadcast %squeeze3A_305 : f32 to vector<16xf32>
            %parallel_loop3A_361 = arith.mulf %parallel_loop3A_360, %parallel_loop3A_359 : vector<16xf32>
            %parallel_loop3A_362 = arith.addf %parallel_loop3A_356, %parallel_loop3A_361 : vector<16xf32>
            %parallel_loop3A_363 = arith.addf %parallel_loop3A_351, %parallel_loop3A_362 : vector<16xf32>
            %parallel_loop3A_364 = arith.addf %parallel_loop3A_340, %parallel_loop3A_363 : vector<16xf32>
            %parallel_loop3A_365 = arith.index_cast %parallel_loop3A_338 : i32 to index
            %parallel_loop3A_366 = tpu.vector_load %arg17[%parallel_loop3A_365] {strides = array<i32>} : memref<2048xf32, #tpu.memory_space<vmem>>, vector<16xf32>,
            tpu.vector_store %arg17[%parallel_loop3A_365], %parallel_loop3A_364 {strides = array<i32>} : memref<2048xf32, #tpu.memory_space<vmem>>, vector<16xf32>,
          } {sc.loop_unroll_factor = 4 : i64, sc.parallel_access}
          %while3A_337 = arith.constant 0 : i32
          scf.yield %while3A_337 : i32
        }
        %while3A_271 = arith.constant 1 : i32
        %while3A_272 = scf.for %while3A_277 = %while3A_268 to %while3A_264 step %while3A_271 iter_args(%while3A_278 = %while3A_270) -> (i32)  : i32 {
          %mul3A_279 = arith.constant 4 : i32
          %mul3A_280 = arith.muli %while3A_277, %mul3A_279 : i32
          %add3A_281 = arith.addi %while3A_197, %mul3A_280 : i32
          %add3A_282 = arith.constant 0 : i32
          %add3A_283 = arith.addi %add3A_281, %add3A_282 : i32
          %get3A_284 = arith.index_cast %add3A_283 : i32 to index
          %get3A_285 = tpu.vector_load %arg18[%get3A_284] {strides = array<i32>} : memref<1408xf32, #tpu.memory_space<vmem>>, vector<16xf32>,
          %slice3A_286 = vector.extract_strided_slice %get3A_285 {offsets = [0], sizes = [1], strides = [1]} : vector<16xf32> to vector<1xf32>
          %squeeze3A_287 = vector.extract %slice3A_286[0] : f32 from vector<1xf32>
          %add3A_288 = arith.constant 1 : i32
          %add3A_289 = arith.addi %add3A_281, %add3A_288 : i32
          %get3A_290 = arith.index_cast %add3A_289 : i32 to index
          %get3A_291 = tpu.vector_load %arg18[%get3A_290] {strides = array<i32>} : memref<1408xf32, #tpu.memory_space<vmem>>, vector<16xf32>,
          %slice3A_292 = vector.extract_strided_slice %get3A_291 {offsets = [0], sizes = [1], strides = [1]} : vector<16xf32> to vector<1xf32>
          %squeeze3A_293 = vector.extract %slice3A_292[0] : f32 from vector<1xf32>
          %add3A_294 = arith.constant 2 : i32
          %add3A_295 = arith.addi %add3A_281, %add3A_294 : i32
          %get3A_296 = arith.index_cast %add3A_295 : i32 to index
          %get3A_297 = tpu.vector_load %arg18[%get3A_296] {strides = array<i32>} : memref<1408xf32, #tpu.memory_space<vmem>>, vector<16xf32>,
          %slice3A_298 = vector.extract_strided_slice %get3A_297 {offsets = [0], sizes = [1], strides = [1]} : vector<16xf32> to vector<1xf32>
          %squeeze3A_299 = vector.extract %slice3A_298[0] : f32 from vector<1xf32>
          %add3A_300 = arith.constant 3 : i32
          %add3A_301 = arith.addi %add3A_281, %add3A_300 : i32
          %get3A_302 = arith.index_cast %add3A_301 : i32 to index
          %get3A_303 = tpu.vector_load %arg18[%get3A_302] {strides = array<i32>} : memref<1408xf32, #tpu.memory_space<vmem>>, vector<16xf32>,
          %slice3A_304 = vector.extract_strided_slice %get3A_303 {offsets = [0], sizes = [1], strides = [1]} : vector<16xf32> to vector<1xf32>
          %squeeze3A_305 = vector.extract %slice3A_304[0] : f32 from vector<1xf32>
          %add3A_306 = arith.constant 0 : i32
          %add3A_307 = arith.addi %add3A_281, %add3A_306 : i32
          %get3A_308 = arith.index_cast %add3A_307 : i32 to index
          %get3A_309 = tpu.vector_load %arg28[%get3A_308] {strides = array<i32>} : memref<1408xi32, #tpu.memory_space<vmem>>, vector<16xi32>,
          %slice3A_310 = vector.extract_strided_slice %get3A_309 {offsets = [0], sizes = [1], strides = [1]} : vector<16xi32> to vector<1xi32>
          %squeeze3A_311 = vector.extract %slice3A_310[0] : i32 from vector<1xi32>
          %multiple_of3A_312 = tpu.assume_multiple %squeeze3A_311, 16 : i32
          %add3A_313 = arith.constant 1 : i32
          %add3A_314 = arith.addi %add3A_281, %add3A_313 : i32
          %get3A_315 = arith.index_cast %add3A_314 : i32 to index
          %get3A_316 = tpu.vector_load %arg28[%get3A_315] {strides = array<i32>} : memref<1408xi32, #tpu.memory_space<vmem>>, vector<16xi32>,
          %slice3A_317 = vector.extract_strided_slice %get3A_316 {offsets = [0], sizes = [1], strides = [1]} : vector<16xi32> to vector<1xi32>
          %squeeze3A_318 = vector.extract %slice3A_317[0] : i32 from vector<1xi32>
          %multiple_of3A_319 = tpu.assume_multiple %squeeze3A_318, 16 : i32
          %add3A_320 = arith.constant 2 : i32
          %add3A_321 = arith.addi %add3A_281, %add3A_320 : i32
          %get3A_322 = arith.index_cast %add3A_321 : i32 to index
          %get3A_323 = tpu.vector_load %arg28[%get3A_322] {strides = array<i32>} : memref<1408xi32, #tpu.memory_space<vmem>>, vector<16xi32>,
          %slice3A_324 = vector.extract_strided_slice %get3A_323 {offsets = [0], sizes = [1], strides = [1]} : vector<16xi32> to vector<1xi32>
          %squeeze3A_325 = vector.extract %slice3A_324[0] : i32 from vector<1xi32>
          %multiple_of3A_326 = tpu.assume_multiple %squeeze3A_325, 16 : i32
          %add3A_327 = arith.constant 3 : i32
          %add3A_328 = arith.addi %add3A_281, %add3A_327 : i32
          %get3A_329 = arith.index_cast %add3A_328 : i32 to index
          %get3A_330 = tpu.vector_load %arg28[%get3A_329] {strides = array<i32>} : memref<1408xi32, #tpu.memory_space<vmem>>, vector<16xi32>,
          %slice3A_331 = vector.extract_strided_slice %get3A_330 {offsets = [0], sizes = [1], strides = [1]} : vector<16xi32> to vector<1xi32>
          %squeeze3A_332 = vector.extract %slice3A_331[0] : i32 from vector<1xi32>
          %multiple_of3A_333 = tpu.assume_multiple %squeeze3A_332, 16 : i32
          %parallel_loop3A_334 = arith.constant 0 : i32
          %parallel_loop3A_335 = arith.constant 2048 : i32
          %parallel_loop3A_336 = arith.constant 16 : i32
          scf.for %parallel_loop3A_338 = %parallel_loop3A_334 to %parallel_loop3A_335 step %parallel_loop3A_336  : i32 {
            %parallel_loop3A_339 = arith.index_cast %parallel_loop3A_338 : i32 to index
            %parallel_loop3A_340 = tpu.vector_load %arg17[%parallel_loop3A_339] {strides = array<i32>} : memref<2048xf32, #tpu.memory_space<vmem>>, vector<16xf32>,
            %parallel_loop3A_341 = arith.addi %multiple_of3A_312, %parallel_loop3A_338 : i32
            %parallel_loop3A_342 = arith.index_cast %parallel_loop3A_341 : i32 to index
            %parallel_loop3A_343 = tpu.vector_load %arg16[%parallel_loop3A_342] {strides = array<i32>} : memref<122880xf32, #tpu.memory_space<vmem>>, vector<16xf32>,
            %parallel_loop3A_344 = vector.broadcast %squeeze3A_287 : f32 to vector<16xf32>
            %parallel_loop3A_345 = arith.mulf %parallel_loop3A_344, %parallel_loop3A_343 : vector<16xf32>
            %parallel_loop3A_346 = arith.addi %multiple_of3A_319, %parallel_loop3A_338 : i32
            %parallel_loop3A_347 = arith.index_cast %parallel_loop3A_346 : i32 to index
            %parallel_loop3A_348 = tpu.vector_load %arg16[%parallel_loop3A_347] {strides = array<i32>} : memref<122880xf32, #tpu.memory_space<vmem>>, vector<16xf32>,
            %parallel_loop3A_349 = vector.broadcast %squeeze3A_293 : f32 to vector<16xf32>
            %parallel_loop3A_350 = arith.mulf %parallel_loop3A_349, %parallel_loop3A_348 : vector<16xf32>
            %parallel_loop3A_351 = arith.addf %parallel_loop3A_345, %parallel_loop3A_350 : vector<16xf32>
            %parallel_loop3A_352 = arith.addi %multiple_of3A_326, %parallel_loop3A_338 : i32
            %parallel_loop3A_353 = arith.index_cast %parallel_loop3A_352 : i32 to index
            %parallel_loop3A_354 = tpu.vector_load %arg16[%parallel_loop3A_353] {strides = array<i32>} : memref<122880xf32, #tpu.memory_space<vmem>>, vector<16xf32>,
            %parallel_loop3A_355 = vector.broadcast %squeeze3A_299 : f32 to vector<16xf32>
            %parallel_loop3A_356 = arith.mulf %parallel_loop3A_355, %parallel_loop3A_354 : vector<16xf32>
            %parallel_loop3A_357 = arith.addi %multiple_of3A_333, %parallel_loop3A_338 : i32
            %parallel_loop3A_358 = arith.index_cast %parallel_loop3A_357 : i32 to index
            %parallel_loop3A_359 = tpu.vector_load %arg16[%parallel_loop3A_358] {strides = array<i32>} : memref<122880xf32, #tpu.memory_space<vmem>>, vector<16xf32>,
            %parallel_loop3A_360 = vector.broadcast %squeeze3A_305 : f32 to vector<16xf32>
            %parallel_loop3A_361 = arith.mulf %parallel_loop3A_360, %parallel_loop3A_359 : vector<16xf32>
            %parallel_loop3A_362 = arith.addf %parallel_loop3A_356, %parallel_loop3A_361 : vector<16xf32>
            %parallel_loop3A_363 = arith.addf %parallel_loop3A_351, %parallel_loop3A_362 : vector<16xf32>
            %parallel_loop3A_364 = arith.addf %parallel_loop3A_340, %parallel_loop3A_363 : vector<16xf32>
            %parallel_loop3A_365 = arith.index_cast %parallel_loop3A_338 : i32 to index
            %parallel_loop3A_366 = tpu.vector_load %arg17[%parallel_loop3A_365] {strides = array<i32>} : memref<2048xf32, #tpu.memory_space<vmem>>, vector<16xf32>,
            tpu.vector_store %arg17[%parallel_loop3A_365], %parallel_loop3A_364 {strides = array<i32>} : memref<2048xf32, #tpu.memory_space<vmem>>, vector<16xf32>,
          } {sc.loop_unroll_factor = 4 : i64, sc.parallel_access}
          %while3A_337 = arith.constant 0 : i32
          scf.yield %while3A_337 : i32
        }
        "tpu.region"() ({
          %run_scoped3A = tpu.sem_alloc : memref<!tpu.dma_semaphore, #tpu.memory_space<semaphore_mem>>
          %dma_start3A_277 = tpu.memref_slice %arg15[%multiple_of3A] : memref<1572864xf32, #tpu.memory_space<hbm>> -> memref<2048xf32, #tpu.memory_space<hbm>>
          %dma_start3A_278 = tpu.memref_slice %arg15[%multiple_of3A] : memref<1572864xf32, #tpu.memory_space<hbm>> -> memref<2048xf32, #tpu.memory_space<hbm>>
          tpu.enqueue_dma source(%arg17 : memref<2048xf32, #tpu.memory_space<vmem>>) target(%dma_start3A_278 : memref<2048xf32, #tpu.memory_space<hbm>>) target_semaphore(%run_scoped3A : memref<!tpu.dma_semaphore, #tpu.memory_space<semaphore_mem>>)
          %dma_wait3A_279 = tpu.memref_slice %arg15[%multiple_of3A] : memref<1572864xf32, #tpu.memory_space<hbm>> -> memref<2048xf32, #tpu.memory_space<hbm>>
          %dma_wait3A_280 = tpu.memref_slice %arg15[%multiple_of3A] : memref<1572864xf32, #tpu.memory_space<hbm>> -> memref<2048xf32, #tpu.memory_space<hbm>>
          tpu.wait_dma2 semaphore(%run_scoped3A : memref<!tpu.dma_semaphore, #tpu.memory_space<semaphore_mem>>) src(%arg17 : memref<2048xf32, #tpu.memory_space<vmem>>) dst(%dma_wait3A_280 : memref<2048xf32, #tpu.memory_space<hbm>>)
          tpu.yield
        }) : () -> ()
        %add3A_273 = arith.constant 1 : i32
        %add3A_274 = arith.addi %while3A_196, %add3A_273 : i32
        %shift_left3A = arith.constant 2 : i32
        %shift_left3A_275 = arith.shli %squeeze3A_205, %shift_left3A : i32
        %add3A_276 = arith.addi %while3A_197, %shift_left3A_275 : i32
        scf.yield %add3A_274, %add3A_276 : i32, i32
      }
      %while3A_192 = arith.constant 1 : i32
      %while3A_193:2 = scf.for %while3A_195 = %while3A_189 to %while3A_185 step %while3A_192 iter_args(%while3A_196 = %while3A_191#0, %while3A_197 = %while3A_191#1) -> (i32, i32)  : i32 {
        %get3A_198 = arith.index_cast %while3A_196 : i32 to index
        %get3A_199 = tpu.vector_load %arg26[%get3A_198] {strides = array<i32>} : memref<64xi32, #tpu.memory_space<vmem>>, vector<16xi32>,
        %slice3A_200 = vector.extract_strided_slice %get3A_199 {offsets = [0], sizes = [1], strides = [1]} : vector<16xi32> to vector<1xi32>
        %squeeze3A_201 = vector.extract %slice3A_200[0] : i32 from vector<1xi32>
        %multiple_of3A = tpu.assume_multiple %squeeze3A_201, 2048 : i32
        %get3A_202 = arith.index_cast %while3A_196 : i32 to index
        %get3A_203 = tpu.vector_load %arg27[%get3A_202] {strides = array<i32>} : memref<64xi32, #tpu.memory_space<vmem>>, vector<16xi32>,
        %slice3A_204 = vector.extract_strided_slice %get3A_203 {offsets = [0], sizes = [1], strides = [1]} : vector<16xi32> to vector<1xi32>
        %squeeze3A_205 = vector.extract %slice3A_204[0] : i32 from vector<1xi32>
        %add3A_206 = arith.constant 0 : i32
        %add3A_207 = arith.addi %while3A_197, %add3A_206 : i32
        %get3A_208 = arith.index_cast %add3A_207 : i32 to index
        %get3A_209 = tpu.vector_load %arg18[%get3A_208] {strides = array<i32>} : memref<1408xf32, #tpu.memory_space<vmem>>, vector<16xf32>,
        %slice3A_210 = vector.extract_strided_slice %get3A_209 {offsets = [0], sizes = [1], strides = [1]} : vector<16xf32> to vector<1xf32>
        %squeeze3A_211 = vector.extract %slice3A_210[0] : f32 from vector<1xf32>
        %add3A_212 = arith.constant 1 : i32
        %add3A_213 = arith.addi %while3A_197, %add3A_212 : i32
        %get3A_214 = arith.index_cast %add3A_213 : i32 to index
        %get3A_215 = tpu.vector_load %arg18[%get3A_214] {strides = array<i32>} : memref<1408xf32, #tpu.memory_space<vmem>>, vector<16xf32>,
        %slice3A_216 = vector.extract_strided_slice %get3A_215 {offsets = [0], sizes = [1], strides = [1]} : vector<16xf32> to vector<1xf32>
        %squeeze3A_217 = vector.extract %slice3A_216[0] : f32 from vector<1xf32>
        %add3A_218 = arith.constant 2 : i32
        %add3A_219 = arith.addi %while3A_197, %add3A_218 : i32
        %get3A_220 = arith.index_cast %add3A_219 : i32 to index
        %get3A_221 = tpu.vector_load %arg18[%get3A_220] {strides = array<i32>} : memref<1408xf32, #tpu.memory_space<vmem>>, vector<16xf32>,
        %slice3A_222 = vector.extract_strided_slice %get3A_221 {offsets = [0], sizes = [1], strides = [1]} : vector<16xf32> to vector<1xf32>
        %squeeze3A_223 = vector.extract %slice3A_222[0] : f32 from vector<1xf32>
        %add3A_224 = arith.constant 3 : i32
        %add3A_225 = arith.addi %while3A_197, %add3A_224 : i32
        %get3A_226 = arith.index_cast %add3A_225 : i32 to index
        %get3A_227 = tpu.vector_load %arg18[%get3A_226] {strides = array<i32>} : memref<1408xf32, #tpu.memory_space<vmem>>, vector<16xf32>,
        %slice3A_228 = vector.extract_strided_slice %get3A_227 {offsets = [0], sizes = [1], strides = [1]} : vector<16xf32> to vector<1xf32>
        %squeeze3A_229 = vector.extract %slice3A_228[0] : f32 from vector<1xf32>
        %add3A_230 = arith.constant 0 : i32
        %add3A_231 = arith.addi %while3A_197, %add3A_230 : i32
        %get3A_232 = arith.index_cast %add3A_231 : i32 to index
        %get3A_233 = tpu.vector_load %arg28[%get3A_232] {strides = array<i32>} : memref<1408xi32, #tpu.memory_space<vmem>>, vector<16xi32>,
        %slice3A_234 = vector.extract_strided_slice %get3A_233 {offsets = [0], sizes = [1], strides = [1]} : vector<16xi32> to vector<1xi32>
        %squeeze3A_235 = vector.extract %slice3A_234[0] : i32 from vector<1xi32>
        %multiple_of3A_236 = tpu.assume_multiple %squeeze3A_235, 16 : i32
        %add3A_237 = arith.constant 1 : i32
        %add3A_238 = arith.addi %while3A_197, %add3A_237 : i32
        %get3A_239 = arith.index_cast %add3A_238 : i32 to index
        %get3A_240 = tpu.vector_load %arg28[%get3A_239] {strides = array<i32>} : memref<1408xi32, #tpu.memory_space<vmem>>, vector<16xi32>,
        %slice3A_241 = vector.extract_strided_slice %get3A_240 {offsets = [0], sizes = [1], strides = [1]} : vector<16xi32> to vector<1xi32>
        %squeeze3A_242 = vector.extract %slice3A_241[0] : i32 from vector<1xi32>
        %multiple_of3A_243 = tpu.assume_multiple %squeeze3A_242, 16 : i32
        %add3A_244 = arith.constant 2 : i32
        %add3A_245 = arith.addi %while3A_197, %add3A_244 : i32
        %get3A_246 = arith.index_cast %add3A_245 : i32 to index
        %get3A_247 = tpu.vector_load %arg28[%get3A_246] {strides = array<i32>} : memref<1408xi32, #tpu.memory_space<vmem>>, vector<16xi32>,
        %slice3A_248 = vector.extract_strided_slice %get3A_247 {offsets = [0], sizes = [1], strides = [1]} : vector<16xi32> to vector<1xi32>
        %squeeze3A_249 = vector.extract %slice3A_248[0] : i32 from vector<1xi32>
        %multiple_of3A_250 = tpu.assume_multiple %squeeze3A_249, 16 : i32
        %add3A_251 = arith.constant 3 : i32
        %add3A_252 = arith.addi %while3A_197, %add3A_251 : i32
        %get3A_253 = arith.index_cast %add3A_252 : i32 to index
        %get3A_254 = tpu.vector_load %arg28[%get3A_253] {strides = array<i32>} : memref<1408xi32, #tpu.memory_space<vmem>>, vector<16xi32>,
        %slice3A_255 = vector.extract_strided_slice %get3A_254 {offsets = [0], sizes = [1], strides = [1]} : vector<16xi32> to vector<1xi32>
        %squeeze3A_256 = vector.extract %slice3A_255[0] : i32 from vector<1xi32>
        %multiple_of3A_257 = tpu.assume_multiple %squeeze3A_256, 16 : i32
        %parallel_loop3A_258 = arith.constant 0 : i32
        %parallel_loop3A_259 = arith.constant 2048 : i32
        %parallel_loop3A_260 = arith.constant 16 : i32
        scf.for %parallel_loop3A_277 = %parallel_loop3A_258 to %parallel_loop3A_259 step %parallel_loop3A_260  : i32 {
          %parallel_loop3A_278 = arith.addi %multiple_of3A_236, %parallel_loop3A_277 : i32
          %parallel_loop3A_279 = arith.index_cast %parallel_loop3A_278 : i32 to index
          %parallel_loop3A_280 = tpu.vector_load %arg16[%parallel_loop3A_279] {strides = array<i32>} : memref<122880xf32, #tpu.memory_space<vmem>>, vector<16xf32>,
          %parallel_loop3A_281 = vector.broadcast %squeeze3A_211 : f32 to vector<16xf32>
          %parallel_loop3A_282 = arith.mulf %parallel_loop3A_281, %parallel_loop3A_280 : vector<16xf32>
          %parallel_loop3A_283 = arith.addi %multiple_of3A_243, %parallel_loop3A_277 : i32
          %parallel_loop3A_284 = arith.index_cast %parallel_loop3A_283 : i32 to index
          %parallel_loop3A_285 = tpu.vector_load %arg16[%parallel_loop3A_284] {strides = array<i32>} : memref<122880xf32, #tpu.memory_space<vmem>>, vector<16xf32>,
          %parallel_loop3A_286 = vector.broadcast %squeeze3A_217 : f32 to vector<16xf32>
          %parallel_loop3A_287 = arith.mulf %parallel_loop3A_286, %parallel_loop3A_285 : vector<16xf32>
          %parallel_loop3A_288 = arith.addf %parallel_loop3A_282, %parallel_loop3A_287 : vector<16xf32>
          %parallel_loop3A_289 = arith.addi %multiple_of3A_250, %parallel_loop3A_277 : i32
          %parallel_loop3A_290 = arith.index_cast %parallel_loop3A_289 : i32 to index
          %parallel_loop3A_291 = tpu.vector_load %arg16[%parallel_loop3A_290] {strides = array<i32>} : memref<122880xf32, #tpu.memory_space<vmem>>, vector<16xf32>,
          %parallel_loop3A_292 = vector.broadcast %squeeze3A_223 : f32 to vector<16xf32>
          %parallel_loop3A_293 = arith.mulf %parallel_loop3A_292, %parallel_loop3A_291 : vector<16xf32>
          %parallel_loop3A_294 = arith.addi %multiple_of3A_257, %parallel_loop3A_277 : i32
          %parallel_loop3A_295 = arith.index_cast %parallel_loop3A_294 : i32 to index
          %parallel_loop3A_296 = tpu.vector_load %arg16[%parallel_loop3A_295] {strides = array<i32>} : memref<122880xf32, #tpu.memory_space<vmem>>, vector<16xf32>,
          %parallel_loop3A_297 = vector.broadcast %squeeze3A_229 : f32 to vector<16xf32>
          %parallel_loop3A_298 = arith.mulf %parallel_loop3A_297, %parallel_loop3A_296 : vector<16xf32>
          %parallel_loop3A_299 = arith.addf %parallel_loop3A_293, %parallel_loop3A_298 : vector<16xf32>
          %parallel_loop3A_300 = arith.addf %parallel_loop3A_288, %parallel_loop3A_299 : vector<16xf32>
          %parallel_loop3A_301 = arith.index_cast %parallel_loop3A_277 : i32 to index
          %parallel_loop3A_302 = tpu.vector_load %arg17[%parallel_loop3A_301] {strides = array<i32>} : memref<2048xf32, #tpu.memory_space<vmem>>, vector<16xf32>,
          tpu.vector_store %arg17[%parallel_loop3A_301], %parallel_loop3A_300 {strides = array<i32>} : memref<2048xf32, #tpu.memory_space<vmem>>, vector<16xf32>,
        } {sc.loop_unroll_factor = 4 : i64, sc.parallel_access}
        %while3A_261 = arith.constant 1 : i32
        %while3A_262 = arith.constant 0 : i32
        %while3A_263 = arith.subi %squeeze3A_205, %while3A_261 : i32
        %while3A_264 = arith.addi %while3A_261, %while3A_263 : i32
        %while3A_265 = arith.constant 1 : i32
        %while3A_266 = arith.divsi %while3A_263, %while3A_265 : i32
        %while3A_267 = arith.muli %while3A_266, %while3A_265 : i32
        %while3A_268 = arith.addi %while3A_261, %while3A_267 : i32
        %while3A_269 = arith.constant 1 : i32
        %while3A_270 = scf.for %while3A_277 = %while3A_261 to %while3A_268 step %while3A_269 iter_args(%while3A_278 = %while3A_262) -> (i32)  : i32 {
          %mul3A_279 = arith.constant 4 : i32
          %mul3A_280 = arith.muli %while3A_277, %mul3A_279 : i32
          %add3A_281 = arith.addi %while3A_197, %mul3A_280 : i32
          %add3A_282 = arith.constant 0 : i32
          %add3A_283 = arith.addi %add3A_281, %add3A_282 : i32
          %get3A_284 = arith.index_cast %add3A_283 : i32 to index
          %get3A_285 = tpu.vector_load %arg18[%get3A_284] {strides = array<i32>} : memref<1408xf32, #tpu.memory_space<vmem>>, vector<16xf32>,
          %slice3A_286 = vector.extract_strided_slice %get3A_285 {offsets = [0], sizes = [1], strides = [1]} : vector<16xf32> to vector<1xf32>
          %squeeze3A_287 = vector.extract %slice3A_286[0] : f32 from vector<1xf32>
          %add3A_288 = arith.constant 1 : i32
          %add3A_289 = arith.addi %add3A_281, %add3A_288 : i32
          %get3A_290 = arith.index_cast %add3A_289 : i32 to index
          %get3A_291 = tpu.vector_load %arg18[%get3A_290] {strides = array<i32>} : memref<1408xf32, #tpu.memory_space<vmem>>, vector<16xf32>,
          %slice3A_292 = vector.extract_strided_slice %get3A_291 {offsets = [0], sizes = [1], strides = [1]} : vector<16xf32> to vector<1xf32>
          %squeeze3A_293 = vector.extract %slice3A_292[0] : f32 from vector<1xf32>
          %add3A_294 = arith.constant 2 : i32
          %add3A_295 = arith.addi %add3A_281, %add3A_294 : i32
          %get3A_296 = arith.index_cast %add3A_295 : i32 to index
          %get3A_297 = tpu.vector_load %arg18[%get3A_296] {strides = array<i32>} : memref<1408xf32, #tpu.memory_space<vmem>>, vector<16xf32>,
          %slice3A_298 = vector.extract_strided_slice %get3A_297 {offsets = [0], sizes = [1], strides = [1]} : vector<16xf32> to vector<1xf32>
          %squeeze3A_299 = vector.extract %slice3A_298[0] : f32 from vector<1xf32>
          %add3A_300 = arith.constant 3 : i32
          %add3A_301 = arith.addi %add3A_281, %add3A_300 : i32
          %get3A_302 = arith.index_cast %add3A_301 : i32 to index
          %get3A_303 = tpu.vector_load %arg18[%get3A_302] {strides = array<i32>} : memref<1408xf32, #tpu.memory_space<vmem>>, vector<16xf32>,
          %slice3A_304 = vector.extract_strided_slice %get3A_303 {offsets = [0], sizes = [1], strides = [1]} : vector<16xf32> to vector<1xf32>
          %squeeze3A_305 = vector.extract %slice3A_304[0] : f32 from vector<1xf32>
          %add3A_306 = arith.constant 0 : i32
          %add3A_307 = arith.addi %add3A_281, %add3A_306 : i32
          %get3A_308 = arith.index_cast %add3A_307 : i32 to index
          %get3A_309 = tpu.vector_load %arg28[%get3A_308] {strides = array<i32>} : memref<1408xi32, #tpu.memory_space<vmem>>, vector<16xi32>,
          %slice3A_310 = vector.extract_strided_slice %get3A_309 {offsets = [0], sizes = [1], strides = [1]} : vector<16xi32> to vector<1xi32>
          %squeeze3A_311 = vector.extract %slice3A_310[0] : i32 from vector<1xi32>
          %multiple_of3A_312 = tpu.assume_multiple %squeeze3A_311, 16 : i32
          %add3A_313 = arith.constant 1 : i32
          %add3A_314 = arith.addi %add3A_281, %add3A_313 : i32
          %get3A_315 = arith.index_cast %add3A_314 : i32 to index
          %get3A_316 = tpu.vector_load %arg28[%get3A_315] {strides = array<i32>} : memref<1408xi32, #tpu.memory_space<vmem>>, vector<16xi32>,
          %slice3A_317 = vector.extract_strided_slice %get3A_316 {offsets = [0], sizes = [1], strides = [1]} : vector<16xi32> to vector<1xi32>
          %squeeze3A_318 = vector.extract %slice3A_317[0] : i32 from vector<1xi32>
          %multiple_of3A_319 = tpu.assume_multiple %squeeze3A_318, 16 : i32
          %add3A_320 = arith.constant 2 : i32
          %add3A_321 = arith.addi %add3A_281, %add3A_320 : i32
          %get3A_322 = arith.index_cast %add3A_321 : i32 to index
          %get3A_323 = tpu.vector_load %arg28[%get3A_322] {strides = array<i32>} : memref<1408xi32, #tpu.memory_space<vmem>>, vector<16xi32>,
          %slice3A_324 = vector.extract_strided_slice %get3A_323 {offsets = [0], sizes = [1], strides = [1]} : vector<16xi32> to vector<1xi32>
          %squeeze3A_325 = vector.extract %slice3A_324[0] : i32 from vector<1xi32>
          %multiple_of3A_326 = tpu.assume_multiple %squeeze3A_325, 16 : i32
          %add3A_327 = arith.constant 3 : i32
          %add3A_328 = arith.addi %add3A_281, %add3A_327 : i32
          %get3A_329 = arith.index_cast %add3A_328 : i32 to index
          %get3A_330 = tpu.vector_load %arg28[%get3A_329] {strides = array<i32>} : memref<1408xi32, #tpu.memory_space<vmem>>, vector<16xi32>,
          %slice3A_331 = vector.extract_strided_slice %get3A_330 {offsets = [0], sizes = [1], strides = [1]} : vector<16xi32> to vector<1xi32>
          %squeeze3A_332 = vector.extract %slice3A_331[0] : i32 from vector<1xi32>
          %multiple_of3A_333 = tpu.assume_multiple %squeeze3A_332, 16 : i32
          %parallel_loop3A_334 = arith.constant 0 : i32
          %parallel_loop3A_335 = arith.constant 2048 : i32
          %parallel_loop3A_336 = arith.constant 16 : i32
          scf.for %parallel_loop3A_338 = %parallel_loop3A_334 to %parallel_loop3A_335 step %parallel_loop3A_336  : i32 {
            %parallel_loop3A_339 = arith.index_cast %parallel_loop3A_338 : i32 to index
            %parallel_loop3A_340 = tpu.vector_load %arg17[%parallel_loop3A_339] {strides = array<i32>} : memref<2048xf32, #tpu.memory_space<vmem>>, vector<16xf32>,
            %parallel_loop3A_341 = arith.addi %multiple_of3A_312, %parallel_loop3A_338 : i32
            %parallel_loop3A_342 = arith.index_cast %parallel_loop3A_341 : i32 to index
            %parallel_loop3A_343 = tpu.vector_load %arg16[%parallel_loop3A_342] {strides = array<i32>} : memref<122880xf32, #tpu.memory_space<vmem>>, vector<16xf32>,
            %parallel_loop3A_344 = vector.broadcast %squeeze3A_287 : f32 to vector<16xf32>
            %parallel_loop3A_345 = arith.mulf %parallel_loop3A_344, %parallel_loop3A_343 : vector<16xf32>
            %parallel_loop3A_346 = arith.addi %multiple_of3A_319, %parallel_loop3A_338 : i32
            %parallel_loop3A_347 = arith.index_cast %parallel_loop3A_346 : i32 to index
            %parallel_loop3A_348 = tpu.vector_load %arg16[%parallel_loop3A_347] {strides = array<i32>} : memref<122880xf32, #tpu.memory_space<vmem>>, vector<16xf32>,
            %parallel_loop3A_349 = vector.broadcast %squeeze3A_293 : f32 to vector<16xf32>
            %parallel_loop3A_350 = arith.mulf %parallel_loop3A_349, %parallel_loop3A_348 : vector<16xf32>
            %parallel_loop3A_351 = arith.addf %parallel_loop3A_345, %parallel_loop3A_350 : vector<16xf32>
            %parallel_loop3A_352 = arith.addi %multiple_of3A_326, %parallel_loop3A_338 : i32
            %parallel_loop3A_353 = arith.index_cast %parallel_loop3A_352 : i32 to index
            %parallel_loop3A_354 = tpu.vector_load %arg16[%parallel_loop3A_353] {strides = array<i32>} : memref<122880xf32, #tpu.memory_space<vmem>>, vector<16xf32>,
            %parallel_loop3A_355 = vector.broadcast %squeeze3A_299 : f32 to vector<16xf32>
            %parallel_loop3A_356 = arith.mulf %parallel_loop3A_355, %parallel_loop3A_354 : vector<16xf32>
            %parallel_loop3A_357 = arith.addi %multiple_of3A_333, %parallel_loop3A_338 : i32
            %parallel_loop3A_358 = arith.index_cast %parallel_loop3A_357 : i32 to index
            %parallel_loop3A_359 = tpu.vector_load %arg16[%parallel_loop3A_358] {strides = array<i32>} : memref<122880xf32, #tpu.memory_space<vmem>>, vector<16xf32>,
            %parallel_loop3A_360 = vector.broadcast %squeeze3A_305 : f32 to vector<16xf32>
            %parallel_loop3A_361 = arith.mulf %parallel_loop3A_360, %parallel_loop3A_359 : vector<16xf32>
            %parallel_loop3A_362 = arith.addf %parallel_loop3A_356, %parallel_loop3A_361 : vector<16xf32>
            %parallel_loop3A_363 = arith.addf %parallel_loop3A_351, %parallel_loop3A_362 : vector<16xf32>
            %parallel_loop3A_364 = arith.addf %parallel_loop3A_340, %parallel_loop3A_363 : vector<16xf32>
            %parallel_loop3A_365 = arith.index_cast %parallel_loop3A_338 : i32 to index
            %parallel_loop3A_366 = tpu.vector_load %arg17[%parallel_loop3A_365] {strides = array<i32>} : memref<2048xf32, #tpu.memory_space<vmem>>, vector<16xf32>,
            tpu.vector_store %arg17[%parallel_loop3A_365], %parallel_loop3A_364 {strides = array<i32>} : memref<2048xf32, #tpu.memory_space<vmem>>, vector<16xf32>,
          } {sc.loop_unroll_factor = 4 : i64, sc.parallel_access}
          %while3A_337 = arith.constant 0 : i32
          scf.yield %while3A_337 : i32
        }
        %while3A_271 = arith.constant 1 : i32
        %while3A_272 = scf.for %while3A_277 = %while3A_268 to %while3A_264 step %while3A_271 iter_args(%while3A_278 = %while3A_270) -> (i32)  : i32 {
          %mul3A_279 = arith.constant 4 : i32
          %mul3A_280 = arith.muli %while3A_277, %mul3A_279 : i32
          %add3A_281 = arith.addi %while3A_197, %mul3A_280 : i32
          %add3A_282 = arith.constant 0 : i32
          %add3A_283 = arith.addi %add3A_281, %add3A_282 : i32
          %get3A_284 = arith.index_cast %add3A_283 : i32 to index
          %get3A_285 = tpu.vector_load %arg18[%get3A_284] {strides = array<i32>} : memref<1408xf32, #tpu.memory_space<vmem>>, vector<16xf32>,
          %slice3A_286 = vector.extract_strided_slice %get3A_285 {offsets = [0], sizes = [1], strides = [1]} : vector<16xf32> to vector<1xf32>
          %squeeze3A_287 = vector.extract %slice3A_286[0] : f32 from vector<1xf32>
          %add3A_288 = arith.constant 1 : i32
          %add3A_289 = arith.addi %add3A_281, %add3A_288 : i32
          %get3A_290 = arith.index_cast %add3A_289 : i32 to index
          %get3A_291 = tpu.vector_load %arg18[%get3A_290] {strides = array<i32>} : memref<1408xf32, #tpu.memory_space<vmem>>, vector<16xf32>,
          %slice3A_292 = vector.extract_strided_slice %get3A_291 {offsets = [0], sizes = [1], strides = [1]} : vector<16xf32> to vector<1xf32>
          %squeeze3A_293 = vector.extract %slice3A_292[0] : f32 from vector<1xf32>
          %add3A_294 = arith.constant 2 : i32
          %add3A_295 = arith.addi %add3A_281, %add3A_294 : i32
          %get3A_296 = arith.index_cast %add3A_295 : i32 to index
          %get3A_297 = tpu.vector_load %arg18[%get3A_296] {strides = array<i32>} : memref<1408xf32, #tpu.memory_space<vmem>>, vector<16xf32>,
          %slice3A_298 = vector.extract_strided_slice %get3A_297 {offsets = [0], sizes = [1], strides = [1]} : vector<16xf32> to vector<1xf32>
          %squeeze3A_299 = vector.extract %slice3A_298[0] : f32 from vector<1xf32>
          %add3A_300 = arith.constant 3 : i32
          %add3A_301 = arith.addi %add3A_281, %add3A_300 : i32
          %get3A_302 = arith.index_cast %add3A_301 : i32 to index
          %get3A_303 = tpu.vector_load %arg18[%get3A_302] {strides = array<i32>} : memref<1408xf32, #tpu.memory_space<vmem>>, vector<16xf32>,
          %slice3A_304 = vector.extract_strided_slice %get3A_303 {offsets = [0], sizes = [1], strides = [1]} : vector<16xf32> to vector<1xf32>
          %squeeze3A_305 = vector.extract %slice3A_304[0] : f32 from vector<1xf32>
          %add3A_306 = arith.constant 0 : i32
          %add3A_307 = arith.addi %add3A_281, %add3A_306 : i32
          %get3A_308 = arith.index_cast %add3A_307 : i32 to index
          %get3A_309 = tpu.vector_load %arg28[%get3A_308] {strides = array<i32>} : memref<1408xi32, #tpu.memory_space<vmem>>, vector<16xi32>,
          %slice3A_310 = vector.extract_strided_slice %get3A_309 {offsets = [0], sizes = [1], strides = [1]} : vector<16xi32> to vector<1xi32>
          %squeeze3A_311 = vector.extract %slice3A_310[0] : i32 from vector<1xi32>
          %multiple_of3A_312 = tpu.assume_multiple %squeeze3A_311, 16 : i32
          %add3A_313 = arith.constant 1 : i32
          %add3A_314 = arith.addi %add3A_281, %add3A_313 : i32
          %get3A_315 = arith.index_cast %add3A_314 : i32 to index
          %get3A_316 = tpu.vector_load %arg28[%get3A_315] {strides = array<i32>} : memref<1408xi32, #tpu.memory_space<vmem>>, vector<16xi32>,
          %slice3A_317 = vector.extract_strided_slice %get3A_316 {offsets = [0], sizes = [1], strides = [1]} : vector<16xi32> to vector<1xi32>
          %squeeze3A_318 = vector.extract %slice3A_317[0] : i32 from vector<1xi32>
          %multiple_of3A_319 = tpu.assume_multiple %squeeze3A_318, 16 : i32
          %add3A_320 = arith.constant 2 : i32
          %add3A_321 = arith.addi %add3A_281, %add3A_320 : i32
          %get3A_322 = arith.index_cast %add3A_321 : i32 to index
          %get3A_323 = tpu.vector_load %arg28[%get3A_322] {strides = array<i32>} : memref<1408xi32, #tpu.memory_space<vmem>>, vector<16xi32>,
          %slice3A_324 = vector.extract_strided_slice %get3A_323 {offsets = [0], sizes = [1], strides = [1]} : vector<16xi32> to vector<1xi32>
          %squeeze3A_325 = vector.extract %slice3A_324[0] : i32 from vector<1xi32>
          %multiple_of3A_326 = tpu.assume_multiple %squeeze3A_325, 16 : i32
          %add3A_327 = arith.constant 3 : i32
          %add3A_328 = arith.addi %add3A_281, %add3A_327 : i32
          %get3A_329 = arith.index_cast %add3A_328 : i32 to index
          %get3A_330 = tpu.vector_load %arg28[%get3A_329] {strides = array<i32>} : memref<1408xi32, #tpu.memory_space<vmem>>, vector<16xi32>,
          %slice3A_331 = vector.extract_strided_slice %get3A_330 {offsets = [0], sizes = [1], strides = [1]} : vector<16xi32> to vector<1xi32>
          %squeeze3A_332 = vector.extract %slice3A_331[0] : i32 from vector<1xi32>
          %multiple_of3A_333 = tpu.assume_multiple %squeeze3A_332, 16 : i32
          %parallel_loop3A_334 = arith.constant 0 : i32
          %parallel_loop3A_335 = arith.constant 2048 : i32
          %parallel_loop3A_336 = arith.constant 16 : i32
          scf.for %parallel_loop3A_338 = %parallel_loop3A_334 to %parallel_loop3A_335 step %parallel_loop3A_336  : i32 {
            %parallel_loop3A_339 = arith.index_cast %parallel_loop3A_338 : i32 to index
            %parallel_loop3A_340 = tpu.vector_load %arg17[%parallel_loop3A_339] {strides = array<i32>} : memref<2048xf32, #tpu.memory_space<vmem>>, vector<16xf32>,
            %parallel_loop3A_341 = arith.addi %multiple_of3A_312, %parallel_loop3A_338 : i32
            %parallel_loop3A_342 = arith.index_cast %parallel_loop3A_341 : i32 to index
            %parallel_loop3A_343 = tpu.vector_load %arg16[%parallel_loop3A_342] {strides = array<i32>} : memref<122880xf32, #tpu.memory_space<vmem>>, vector<16xf32>,
            %parallel_loop3A_344 = vector.broadcast %squeeze3A_287 : f32 to vector<16xf32>
            %parallel_loop3A_345 = arith.mulf %parallel_loop3A_344, %parallel_loop3A_343 : vector<16xf32>
            %parallel_loop3A_346 = arith.addi %multiple_of3A_319, %parallel_loop3A_338 : i32
            %parallel_loop3A_347 = arith.index_cast %parallel_loop3A_346 : i32 to index
            %parallel_loop3A_348 = tpu.vector_load %arg16[%parallel_loop3A_347] {strides = array<i32>} : memref<122880xf32, #tpu.memory_space<vmem>>, vector<16xf32>,
            %parallel_loop3A_349 = vector.broadcast %squeeze3A_293 : f32 to vector<16xf32>
            %parallel_loop3A_350 = arith.mulf %parallel_loop3A_349, %parallel_loop3A_348 : vector<16xf32>
            %parallel_loop3A_351 = arith.addf %parallel_loop3A_345, %parallel_loop3A_350 : vector<16xf32>
            %parallel_loop3A_352 = arith.addi %multiple_of3A_326, %parallel_loop3A_338 : i32
            %parallel_loop3A_353 = arith.index_cast %parallel_loop3A_352 : i32 to index
            %parallel_loop3A_354 = tpu.vector_load %arg16[%parallel_loop3A_353] {strides = array<i32>} : memref<122880xf32, #tpu.memory_space<vmem>>, vector<16xf32>,
            %parallel_loop3A_355 = vector.broadcast %squeeze3A_299 : f32 to vector<16xf32>
            %parallel_loop3A_356 = arith.mulf %parallel_loop3A_355, %parallel_loop3A_354 : vector<16xf32>
            %parallel_loop3A_357 = arith.addi %multiple_of3A_333, %parallel_loop3A_338 : i32
            %parallel_loop3A_358 = arith.index_cast %parallel_loop3A_357 : i32 to index
            %parallel_loop3A_359 = tpu.vector_load %arg16[%parallel_loop3A_358] {strides = array<i32>} : memref<122880xf32, #tpu.memory_space<vmem>>, vector<16xf32>,
            %parallel_loop3A_360 = vector.broadcast %squeeze3A_305 : f32 to vector<16xf32>
            %parallel_loop3A_361 = arith.mulf %parallel_loop3A_360, %parallel_loop3A_359 : vector<16xf32>
            %parallel_loop3A_362 = arith.addf %parallel_loop3A_356, %parallel_loop3A_361 : vector<16xf32>
            %parallel_loop3A_363 = arith.addf %parallel_loop3A_351, %parallel_loop3A_362 : vector<16xf32>
            %parallel_loop3A_364 = arith.addf %parallel_loop3A_340, %parallel_loop3A_363 : vector<16xf32>
            %parallel_loop3A_365 = arith.index_cast %parallel_loop3A_338 : i32 to index
            %parallel_loop3A_366 = tpu.vector_load %arg17[%parallel_loop3A_365] {strides = array<i32>} : memref<2048xf32, #tpu.memory_space<vmem>>, vector<16xf32>,
            tpu.vector_store %arg17[%parallel_loop3A_365], %parallel_loop3A_364 {strides = array<i32>} : memref<2048xf32, #tpu.memory_space<vmem>>, vector<16xf32>,
          } {sc.loop_unroll_factor = 4 : i64, sc.parallel_access}
          %while3A_337 = arith.constant 0 : i32
          scf.yield %while3A_337 : i32
        }
        "tpu.region"() ({
          %run_scoped3A = tpu.sem_alloc : memref<!tpu.dma_semaphore, #tpu.memory_space<semaphore_mem>>
          %dma_start3A_277 = tpu.memref_slice %arg15[%multiple_of3A] : memref<1572864xf32, #tpu.memory_space<hbm>> -> memref<2048xf32, #tpu.memory_space<hbm>>
          %dma_start3A_278 = tpu.memref_slice %arg15[%multiple_of3A] : memref<1572864xf32, #tpu.memory_space<hbm>> -> memref<2048xf32, #tpu.memory_space<hbm>>
          tpu.enqueue_dma source(%arg17 : memref<2048xf32, #tpu.memory_space<vmem>>) target(%dma_start3A_278 : memref<2048xf32, #tpu.memory_space<hbm>>) target_semaphore(%run_scoped3A : memref<!tpu.dma_semaphore, #tpu.memory_space<semaphore_mem>>)
          %dma_wait3A_279 = tpu.memref_slice %arg15[%multiple_of3A] : memref<1572864xf32, #tpu.memory_space<hbm>> -> memref<2048xf32, #tpu.memory_space<hbm>>
          %dma_wait3A_280 = tpu.memref_slice %arg15[%multiple_of3A] : memref<1572864xf32, #tpu.memory_space<hbm>> -> memref<2048xf32, #tpu.memory_space<hbm>>
          tpu.wait_dma2 semaphore(%run_scoped3A : memref<!tpu.dma_semaphore, #tpu.memory_space<semaphore_mem>>) src(%arg17 : memref<2048xf32, #tpu.memory_space<vmem>>) dst(%dma_wait3A_280 : memref<2048xf32, #tpu.memory_space<hbm>>)
          tpu.yield
        }) : () -> ()
        %add3A_273 = arith.constant 1 : i32
        %add3A_274 = arith.addi %while3A_196, %add3A_273 : i32
        %shift_left3A = arith.constant 2 : i32
        %shift_left3A_275 = arith.shli %squeeze3A_205, %shift_left3A : i32
        %add3A_276 = arith.addi %while3A_197, %shift_left3A_275 : i32
        scf.yield %add3A_274, %add3A_276 : i32, i32
      }
      %add3A_194 = arith.addi %while3A_150, %squeeze3A_154 : i32
      scf.yield %while3A_193#0, %while3A_193#1, %add3A_194 : i32, i32, i32
    }
    return
  }
}

</mosaic_0001>

<sc_bundles>
// kernel: kernel.3.cloned.1.call-start
scs
__scs_entry_jumppad:
0x0: {  	(pc) =	sbr.rel $0x88, $3  }
0x1: {  	(tag) =	ssettag $0x0;
	lr =	simm.s32 $0x1  }
0x2: {  	[smem:$0x3F9E] =	sst lr;
	_ =	strace $0xD0000000  }
0x3: {  	_ = 	snop  }
0x4: {  	_ = 	snop  }
0x5: {  	_ = 	snop  }
0x6: {  	_ = 	snop  }
0x7: {  	_ = 	snop  }
__scs_overlays_trampoline_lowered:
0x8: {  	[smem:$0x3FAD] =	sst s0  }
0x9: {  	[smem:$0x3FAE] =	sst s1  }
0xa: {  	[smem:$0x3FAF] =	sst s2  }
0xb: {  	[smem:$0x3FB0] =	sst s3  }
0xc: {  	[smem:$0x3FB1] =	sst s4  }
0xd: {  	[smem:$0x3FB2] =	sst s5  }
0xe: {  	[smem:$0x3FB3] =	sst s6  }
0xf: {  	[smem:$0x3FB4] =	sst s7  }
0x10: {  	[smem:$0x3FB5] =	sst s8  }
0x11: {  	[smem:$0x3FB6] =	sst s9;
	s0 =	simm.s32 @!p0 $0x0  }
0x12: {  	s1 =	sld [smem:$0x3F9C];
	s0 =	simm.s32 @p0 $0x1  }
0x13: {  	[smem:$0x3FB7] =	sst s0;
	s0 =	simm.s32 @!p1 $0x0  }
0x14: {  	s2 =	sld [smem:$0x3F9B];
	s0 =	simm.s32 @p1 $0x1  }
0x15: {  	[smem:$0x3FB8] =	sst s0;
	s0 =	simm.s32 @!p2 $0x0  }
0x16: {  	s3 =	sld [smem:$0x3FDB];
	s0 =	simm.s32 @p2 $0x1  }
0x17: {  	s4 =	simm.s32 $0x1BF5;
	[smem:$0x3FBA] =	sst s0  }
0x18: {  	s0 =	sld [smem:$0x3F9D];
	_ =	swait.ge [sflag:s4], $0x0  }
0x19: {  	s7 =	sld [smem:$0x3F9E]  }
0x1a: {  	s8 =	sadd.s32 $0xFFFFE003, lr  }
0x1b: {  	s9 =	sadd.s32 $0xFFFFFEF7, lr;
	s5 =	simm.s32 $0xFFFFFFFF;
	p2 =	slt.u32 s8, $0xFFFFF086  }
0x1c: {  	p1 =	slt.u32 s9, $0xF7A;
	s5 =	simm.s32 @!p2 $0x0  }
0x1d: {  	s5 =	simm.s32 @p1 $0x1;
	p0 =	seq.s32 s7, s2  }
0x1e: {  	s7 =	smul.u32 @!p0 $0xF7A, s2;
	p2 =	seq.s32 @!p0 s5, $0x0  }
0x1f: {  	s9 =	smul.u32 $0xF7A, s1;
	s8 =	simm.s32 @!p0 $0x1BF5;
	p2 =	por !p2, p0  }
0x20: {  	[sflag:s8] =	ssyncset.s32 @!p0 $0xFFFFF086;
	s6 =	sadd.s32 @!p0 s3, s7;
	s7 =	simm.s32 @!p0 $0x108  }
0x21: {  	s3 =	sadd.s32 s3, s9;
	s6 =	sadd.s32 @!p0 $0x88, s6;
	s7 =	simm.s32 @p2 $0x1082  }
0x22: {  	[simem:s7], [sflag:s8] =	dma.local @!p0 [hbm:s6], $0xF7A  }
0x23: {  	s9 =	sor.u32 $0xD0000000, s2;
	s6 =	simm.s32 $0x108;
	_ =	swait.ge @!p0 [sflag:s8], $0x0  }
0x24: {  	s3 =	sadd.s32 $0x88, s3;
	s6 =	simm.s32 @!p1 $0x1082;
	[sflag:s4] =	ssyncset.s32 $0xFFFFF086  }
0x25: {  	[simem:s6], [sflag:s4] =	dma.local [hbm:s3], $0xF7A  }
0x26: {  	[smem:$0x3F9E] =	sst s1;
	(tag) =	ssettag s2;
	_ =	strace s9  }
0x27: {  	s1 =	sld [smem:$0x3FAE]  }
0x28: {  	s2 =	sld [smem:$0x3FAF]  }
0x29: {  	s4 =	sld [smem:$0x3FB1]  }
0x2a: {  	p0 =	seq.s32 s5, $0x0;
	s5 =	sld [smem:$0x3FB2]  }
0x2b: {  	s6 =	sld [smem:$0x3FB3]  }
0x2c: {  	s7 =	sld [smem:$0x3FB4]  }
0x2d: {  	s3 =	simm.s32 $0x108;
	s8 =	sld [smem:$0x3FB5]  }
0x2e: {  	s3 =	simm.s32 @!p0 $0x1082;
	s9 =	sld [smem:$0x3FB6]  }
0x2f: {  	lr =	sadd.s32 s0, s3;
	s0 =	sld [smem:$0x3FAD]  }
0x30: {  	s3 =	sld [smem:$0x3FB0]  }
0x31: {  	[smem:$0x3FB9] =	sst s10  }
0x32: {  	s10 =	sld [smem:$0x3FB7];
	_ =	sdelay $0x3  }
0x33: {  	p0 =	seq.s32 s10, $0x1;
	s10 =	sld [smem:$0x3FB9];
	_ =	sdelay $0x3  }
0x34: {  	[smem:$0x3FB9] =	sst s10  }
0x35: {  	s10 =	sld [smem:$0x3FB8];
	_ =	sdelay $0x3  }
0x36: {  	p1 =	seq.s32 s10, $0x1;
	s10 =	sld [smem:$0x3FB9];
	_ =	sdelay $0x3  }
0x37: {  	[smem:$0x3FB9] =	sst s10  }
0x38: {  	s10 =	sld [smem:$0x3FBA]  }
0x39: {  	_ = 	snop;
	(pc) =	sbr.ind lr, $3  }
0x3a: {  	_ = 	snop  }
0x3b: {  	_ = 	snop  }
0x3c: {  	p2 =	seq.s32 s10, $0x1;
	s10 =	sld [smem:$0x3FB9]  }
0x3d: {  	_ =	shalt  }
0x3e: {  	_ =	shalt  }
0x3f: {  	_ =	shalt  }
0x40: {  	_ =	shalt  }
0x41: {  	_ =	shalt  }
0x42: {  	_ =	shalt  }
0x43: {  	_ =	shalt  }
0x44: {  	_ =	shalt  }
0x45: {  	_ =	shalt  }
0x46: {  	_ =	shalt  }
0x47: {  	_ =	shalt  }
0x48: {  	_ =	shalt  }
0x49: {  	_ =	shalt  }
0x4a: {  	_ =	shalt  }
0x4b: {  	_ =	shalt  }
0x4c: {  	_ =	shalt  }
0x4d: {  	_ =	shalt  }
0x4e: {  	_ =	shalt  }
0x4f: {  	_ =	shalt  }
0x50: {  	_ =	shalt  }
0x51: {  	_ =	shalt  }
0x52: {  	_ =	shalt  }
0x53: {  	_ =	shalt  }
0x54: {  	_ =	shalt  }
0x55: {  	_ =	shalt  }
0x56: {  	_ =	shalt  }
0x57: {  	_ =	shalt  }
0x58: {  	_ =	shalt  }
0x59: {  	_ =	shalt  }
0x5a: {  	_ =	shalt  }
0x5b: {  	_ =	shalt  }
0x5c: {  	_ =	shalt  }
0x5d: {  	_ =	shalt  }
0x5e: {  	_ =	shalt  }
0x5f: {  	_ =	shalt  }
0x60: {  	_ =	shalt  }
0x61: {  	_ =	shalt  }
0x62: {  	_ =	shalt  }
0x63: {  	_ =	shalt  }
0x64: {  	_ =	shalt  }
0x65: {  	_ =	shalt  }
0x66: {  	_ =	shalt  }
0x67: {  	_ =	shalt  }
0x68: {  	_ =	shalt  }
0x69: {  	_ =	shalt  }
0x6a: {  	_ =	shalt  }
0x6b: {  	_ =	shalt  }
0x6c: {  	_ =	shalt  }
0x6d: {  	_ =	shalt  }
0x6e: {  	_ =	shalt  }
0x6f: {  	_ =	shalt  }
0x70: {  	_ =	shalt  }
0x71: {  	_ =	shalt  }
0x72: {  	_ =	shalt  }
0x73: {  	_ =	shalt  }
0x74: {  	_ =	shalt  }
0x75: {  	_ =	shalt  }
0x76: {  	_ =	shalt  }
0x77: {  	_ =	shalt  }
0x78: {  	_ =	shalt  }
0x79: {  	_ =	shalt  }
0x7a: {  	_ =	shalt  }
0x7b: {  	_ =	shalt  }
0x7c: {  	_ =	shalt  }
0x7d: {  	_ =	shalt  }
0x7e: {  	_ =	shalt  }
0x7f: {  	_ =	shalt  }
0x80: {  	_ =	shalt  }
0x81: {  	_ =	shalt  }
0x82: {  	_ =	shalt  }
0x83: {  	_ =	shalt  }
0x84: {  	_ =	shalt  }
0x85: {  	_ =	shalt  }
0x86: {  	_ =	shalt  }
0x87: {  	_ =	shalt  }
.Lfunc_end0:
.L_simem_size_0:
called_computation_lowered:
.L_overlay_start_0:
0x88: {  	s2 =	sld [smem:$0x3FD9]  }
0x89: {  	s3 =	sld [smem:$0x3FFE];
	_ =	sdelay $0x1  }
0x8a: {  	s1 =	srdreg.scid  }
0x8b: {  	s0 =	sand.u32 $0x1, s1  }
0x8c: {  	s17 =	sshll.u32 s0, $0xA;
	s2 =	sadd.s32 s3, s2  }
0x8d: {  	s2 =	sadd.s32 s2, s17  }
0x8e: {  	[smem:$0x3FC5] =	sst s2  }
0x8f: {  	_ = 	snop  }
0x90: {  	s2 =	sld [smem:$0x3FC7]  }
0x91: {  	s18 =	sld [smem:$0x3FD0];
	(tm) =	ssettm $0x1  }
0x92: {  	s4 =	sld [smem:$0x3FFB];
	_ =	sdelay $0x3  }
0x93: {  	_ =	strace s4  }
0x94: {  	s4 =	sld [smem:$0x3FFC];
	_ =	sdelay $0x3  }
0x95: {  	_ =	strace s4  }
0x96: {  	s4 =	sld [smem:$0x3FFD];
	_ =	sdelay $0x3  }
0x97: {  	_ =	strace s4  }
0x98: {  	_ =	strace $0x8FFFFFFF  }
0x99: {  	s19 =	sld [smem:$0x3FDB];
	_ =	sdelay $0x1  }
0x9a: {  	s5 =	simm.s32 $_scs_section_size  }
0x9b: {  	s6 =	simm.s32 $_size__tile_overlayer_lowered;
	s7 =	simm.s32 $_tile_overlayer_lowered  }
0x9c: {  	s22 =	simm.s32 $0x1BFF;
	s21 =	sshll.u32 s7, $0x1;
	s4 =	sadd.s32 s5, s19  }
0x9d: {  	s8 =	simm.s32 $0x0;
	s20 =	sshll.u32 s6, $0x1;
	s6 =	sadd.s32 s21, s4  }
0x9e: {  	[timem:s8], [sflag:s22] =	dma.local [hbm:s6], s20  }
0x9f: {  	_ =	swait.ge [sflag:s22], s20  }
0xa0: {  	s5 =	ssub.s32 $0x0, s20;
	[sflag:s22] =	ssyncset.done $0x0  }
0xa1: {  	[sflag:s22] =	ssyncadd.s32 s5;
	_ =	sdelay $0x1  }
0xa2: {  	s23 =	simm.s32 $0x1B8B  }
0xa3: {  	_ =	swait.ge [sflag:s23], $0x1  }
0xa4: {  	[sflag:s23] =	ssyncset.done $0x0  }
0xa5: {  	s25 =	simm.s32 $0x1B8E;
	s24 =	sld [smem:$0x3FFE];
	[sflag:s23] =	ssyncadd.s32 $0xFFFFFFFF  }
0xa6: {  	s26 =	simm.s32 $execute0_lowered;
	[smem:$0x3FD2] =	sst s25  }
0xa7: {  	s6 =	sshll.u32 s26, $0x1;
	_ =	strace $0x80000046;
	[dreg:$0x1] =	wrdreg $0xFFFFFFFF  }
0xa8: {  	s28 =	simm.s32 $_size_execute0_lowered;
	s4 =	sadd.s32 s4, s6;
	[dreg:$0x0] =	wrdreg $0x0  }
0xa9: {  	s6 =	sshll.u32 s28, $0x1;
	[dreg:$0x2] =	wrdreg s4  }
0xaa: {  	[dreg:$0x3] =	wrdreg s6  }
0xab: {  	[dreg:$0x4] =	wrdreg $0xC0  }
0xac: {  	_ =	task [dreg:s8], $0x5FFFF  }
0xad: {  	[dreg:$0x1] =	wrdreg $0xFFFFFFFF  }
0xae: {  	[dreg:$0x0] =	wrdreg $0x60  }
0xaf: {  	[dreg:$0x2] =	wrdreg s24  }
0xb0: {  	[dreg:$0x3] =	wrdreg s2  }
0xb1: {  	[dreg:$0x4] =	wrdreg s18  }
0xb2: {  	[dreg:$0x5] =	wrdreg $0x9  }
0xb3: {  	_ =	task.clear_ibuf [dreg:s8], $0x6FFFF;
	_ =	strace $0x90000046  }
0xb4: {  	s29 =	simm.s32 $0x9;
	_ =	strace $0x80000048  }
0xb5: {  	_ =	swait.ge [sflag:s29], $0x1  }
0xb6: {  	[sflag:s29] =	ssyncadd.s32 $0xFFFFFFFF  }
0xb7: {  	_ =	strace $0x90000048  }
0xb8: {  	_ =	sfence  }
0xb9: {  	s30 =	sld [smem:$0x0];
	_ =	sdelay $0x2  }
0xba: {  	s31 =	sshll.u32 s1, $0xD;
	s1 =	sshrl.u32 s1, $0x2  }
0xbb: {  	s3 =	sand.u32 $0x4000, s31;
	s1 =	sadd.s32 s1, s30  }
0xbc: {  	s0 =	sor.u32 s3, s0;
	s1 =	sshll.u32 s1, $0x11  }
0xbd: {  	s0 =	sor.u32 s1, s0  }
0xbe: {  	s0 =	sadd.s32 $0x8F2B, s0  }
0xbf: {  	[sflag:s0] =	ssyncadd.remote.s32 $0x1  }
0xc0: {  	_ =	sfence.sel $0xFFFF  }
0xc1: {  	[dreg:$0x0] =	wrdreg $0xFFFFFFFF;
	(pc) =	sbr.abs _section_cstart, $3  }
0xc2: {  	[dreg:$0x1] =	wrdreg $0xFFFFFFFF  }
0xc3: {  	_ =	task.clear_ibuf [dreg:s8], $0x2FFFF;
	_ =	strace $0x9FFFFFFF  }
0xc4: {  	(tm) =	ssettm $0x7FFFFFFF  }
0xc5: {  	_ =	shalt  }
tec
execute0_lowered:
.L_overlay_start_1:
0x0: {  	(tag) =	ssettag $0x1  }
0x1: {  	s0 =	rddreg [dreg:$0x0]  }
0x2: {  	s1 =	srdreg.scid;
	s9 =	stileid.u32  }
0x3: {  	s3 =	rddreg [dreg:$0x2];
	s1 =	sand.u32 $0x1, s1;
	s2 =	sshll.u32 s9, $0x8  }
0x4: {  	s5 =	sshrl.u32 s9, $0x2;
	s6 =	sshll.u32 s1, $0x7;
	s2 =	sand.u32 $0x300, s2  }
0x5: {  	s4 =	simm.s32 $0x0;
	s18 =	sshll.u32 s5, $0xA;
	s2 =	sor.u32 s6, s2  }
0x6: {  	s28 =	simm.s32 $0x80;
	s29 =	simm.s32 $0x400;
	s6 =	sor.u32 s18, s2  }
0x7: {  	s31 =	simm.s32 $0x1ED80;
	[smem:$0x7FF] =	sst s4;
	s8 =	sshrl.u32 s6, $0x3  }
0x8: {  	s17 =	sadd.s32 $0x3FEA, s9;
	_ =	strace $0x80000047;
	s19 =	sadd.s32 s8, s0  }
0x9: {  	s7 =	smul.u32 $0x2C00, s5;
	s5 =	sadd.s32 $0x1800, s0;
	s8 =	sadd.s32 $0x113A00, s19  }
0xa: {  	s1 =	ssub.s32 $0x2, s1;
	s20 =	sadd.s32 $0x113800, s19;
	[dreg:$0x4] =	wrdreg s8  }
0xb: {  	s25 =	sshrl.u32 s1, $0x1;
	s21 =	sadd.s32 $0x113600, s19;
	[dreg:$0x5] =	wrdreg s20  }
0xc: {  	s2 =	sor.u32 s7, s2;
	s22 =	sadd.s32 $0x113400, s19;
	[dreg:$0x6] =	wrdreg s21  }
0xd: {  	s6 =	sadd.s32 $0x51800, s0;
	s23 =	sadd.s32 $0x113200, s19;
	[dreg:$0x7] =	wrdreg s22  }
0xe: {  	s2 =	sshrl.u32 s2, $0x3;
	s24 =	sadd.s32 $0x113000, s19;
	[dreg:$0x8] =	wrdreg s23  }
0xf: {  	s0 =	sadd.s32 s2, s0;
	s7 =	sadd.s32 $0x112E00, s19;
	[dreg:$0x9] =	wrdreg s24  }
.Ltmp0:
0x10: {  	s26 =	sadd.s32 $0x111800, s0;
	[dreg:$0xa] =	wrdreg s7;
	(pc) =	sbr.rel .LBB2_1-.Ltmp0, $4  }
0x11: {  	s1 =	ssub.s32 s1, s25;
	s30 =	sadd.s32 $0x115200, s0;
	[dreg:$0xb] =	wrdreg s26  }
0x12: {  	s18 =	smax.u32 s1, $0x1;
	s0 =	sadd.s32 $0x113C00, s0;
	[dreg:$0xc] =	wrdreg s30  }
0x13: {  	s2 =	simm.s32 $0x1;
	[dreg:$0xd] =	wrdreg s0;
	s20 =	simm.s32 $0x2  }
0x14: {  	s0 =	simm.s32 $0x1F300;
	s22 =	simm.s32 $0x1E000;
	s23 =	simm.s32 $0x0  }
.LBB2_21:
0x15: {  	s23 =	sadd.s32 $0x1, s23  }
0x16: {  	p0 =	sne.s32 s23, s18  }
.Ltmp1:
0x17: {  	_ = 	snop;
	(pc) =	sbr.rel @!p0 .LBB2_22-.Ltmp1, $1  }
0x18: {  	_ =	sdelay $0x3  }
.LBB2_1:
0x19: {  	s1 =	rddreg [dreg:$0x4];
	s7 =	simm.s32 $0x1F380  }
0x1a: {  	[tilespmem:s7], [sflag:$0x2] =	stream.linear.gather [hbm4b:s1+s4], $0x80, $0x38;
	[tilespmem:$0x1FC80] =	vst v63  }
0x1b: {  	_ =	swait.ge [sflag:s20], $0x80  }
0x1c: {  	[sflag:s20] =	ssyncset.done $0x0  }
0x1d: {  	s14 =	simm.s32 $0x1F400;
	s13 =	rddreg [dreg:$0x5];
	[sflag:s20] =	ssyncadd.s32 $0xFFFFFF80  }
0x1e: {  	[tilespmem:s14], [sflag:$0x2] =	stream.linear.gather [hbm4b:s13+s4], $0x80, $0x38;
	[tilespmem:$0x1FC80] =	vst v63  }
0x1f: {  	_ =	swait.ge [sflag:s20], $0x80  }
0x20: {  	[sflag:s20] =	ssyncset.done $0x0  }
0x21: {  	s16 =	simm.s32 $0x1F480;
	s15 =	rddreg [dreg:$0x6];
	[sflag:s20] =	ssyncadd.s32 $0xFFFFFF80  }
0x22: {  	[tilespmem:s16], [sflag:$0x2] =	stream.linear.gather [hbm4b:s15+s4], $0x80, $0x38;
	[tilespmem:$0x1FC80] =	vst v63  }
0x23: {  	_ =	swait.ge [sflag:s20], $0x80  }
0x24: {  	[sflag:s20] =	ssyncset.done $0x0  }
0x25: {  	s21 =	simm.s32 $0x1F500;
	s19 =	rddreg [dreg:$0x7];
	[sflag:s20] =	ssyncadd.s32 $0xFFFFFF80  }
0x26: {  	[tilespmem:s21], [sflag:$0x2] =	stream.linear.gather [hbm4b:s19+s4], $0x80, $0x38;
	[tilespmem:$0x1FC80] =	vst v63  }
0x27: {  	_ =	swait.ge [sflag:s20], $0x80  }
0x28: {  	[sflag:s20] =	ssyncset.done $0x0  }
0x29: {  	s25 =	simm.s32 $0x1F580;
	s24 =	rddreg [dreg:$0x8];
	[sflag:s20] =	ssyncadd.s32 $0xFFFFFF80  }
0x2a: {  	[tilespmem:s25], [sflag:$0x2] =	stream.linear.gather [hbm4b:s24+s4], $0x80, $0x38;
	[tilespmem:$0x1FC80] =	vst v63  }
0x2b: {  	_ =	swait.ge [sflag:s20], $0x80  }
0x2c: {  	[sflag:s20] =	ssyncset.done $0x0  }
0x2d: {  	s30 =	simm.s32 $0x1F600;
	s26 =	rddreg [dreg:$0x9];
	[sflag:s20] =	ssyncadd.s32 $0xFFFFFF80  }
0x2e: {  	[tilespmem:s30], [sflag:$0x2] =	stream.linear.gather [hbm4b:s26+s4], $0x80, $0x38;
	[tilespmem:$0x1FC80] =	vst v63  }
0x2f: {  	_ =	swait.ge [sflag:s20], $0x80  }
0x30: {  	[sflag:s20] =	ssyncset.done $0x0  }
0x31: {  	s9 =	simm.s32 $0x1F680;
	s8 =	rddreg [dreg:$0xa];
	[sflag:s20] =	ssyncadd.s32 $0xFFFFFF80  }
0x32: {  	[tilespmem:s9], [sflag:$0x2] =	stream.linear.gather [hbm4b:s8+s4], $0x80, $0x38;
	[tilespmem:$0x1FC80] =	vst v63  }
0x33: {  	_ =	swait.ge [sflag:s20], $0x80  }
0x34: {  	[sflag:s20] =	ssyncset.done $0x0  }
0x35: {  	s11 =	simm.s32 $0x1F700;
	s10 =	rddreg [dreg:$0xb];
	[sflag:s20] =	ssyncadd.s32 $0xFFFFFF80  }
0x36: {  	[tilespmem:s11], [sflag:$0x2] =	stream.strided.gather [hbm4b:s10+s28], $0x580, s29, s28, $0x38;
	[tilespmem:$0x1FC80] =	vst v63  }
0x37: {  	_ =	swait.ge [sflag:s20], $0x580  }
0x38: {  	[sflag:s20] =	ssyncset.done $0x0  }
0x39: {  	s12 =	rddreg [dreg:$0xc];
	[sflag:s20] =	ssyncadd.s32 $0xFFFFFA80  }
0x3a: {  	[tilespmem:s31], [sflag:$0x2] =	stream.strided.gather [hbm4b:s12+s28], $0x580, s29, s28, $0x38;
	[tilespmem:$0x1FC80] =	vst v63  }
0x3b: {  	_ =	swait.ge [sflag:s20], $0x580  }
0x3c: {  	[sflag:s20] =	ssyncset.done $0x0  }
0x3d: {  	[sflag:s20] =	ssyncadd.s32 $0xFFFFFA80  }
0x3e: {  	s13 =	rddreg [dreg:$0x1]  }
0x3f: {  	[tilespmem:s0], [sflag:$0x2] =	stream.linear.gather [hbm4b:s13+s4], $0x80, $0x38;
	[tilespmem:$0x1FC80] =	vst v63  }
0x40: {  	_ =	swait.ge [sflag:s20], $0x80  }
0x41: {  	[sflag:s20] =	ssyncset.done $0x0  }
0x42: {  	s14 =	simm.s32 $0x1E800;
	[sflag:s20] =	ssyncadd.s32 $0xFFFFFF80  }
0x43: {  	[tilespmem:s14], [sflag:$0x1] =	stream.indirect.gather [hbm4b:s6+s28], $0x1, s31, s28, $0xb8;
	[tilespmem:$0x1FC80] =	vst v63  }
0x44: {  	_ =	swait.ge [sflag:s2], $0x80  }
0x45: {  	[sflag:s2] =	ssyncset.done $0x0  }
0x46: {  	s15 =	simm.s32 $0x1EE00;
	s16 =	simm.s32 $0x1E880;
	[sflag:s2] =	ssyncadd.s32 $0xFFFFFF80  }
0x47: {  	[tilespmem:s16], [sflag:$0x1] =	stream.indirect.gather [hbm4b:s6+s28], $0x1, s15, s28, $0xb8;
	[tilespmem:$0x1FC80] =	vst v63  }
0x48: {  	_ =	swait.ge [sflag:s2], $0x80  }
0x49: {  	[sflag:s2] =	ssyncset.done $0x0  }
0x4a: {  	s19 =	simm.s32 $0x1EE80;
	s21 =	simm.s32 $0x1E900;
	[sflag:s2] =	ssyncadd.s32 $0xFFFFFF80  }
0x4b: {  	[tilespmem:s21], [sflag:$0x1] =	stream.indirect.gather [hbm4b:s6+s28], $0x1, s19, s28, $0xb8;
	[tilespmem:$0x1FC80] =	vst v63  }
0x4c: {  	_ =	swait.ge [sflag:s2], $0x80  }
0x4d: {  	[sflag:s2] =	ssyncset.done $0x0  }
0x4e: {  	s24 =	simm.s32 $0x1EF00;
	s25 =	simm.s32 $0x1E980;
	[sflag:s2] =	ssyncadd.s32 $0xFFFFFF80  }
0x4f: {  	[tilespmem:s25], [sflag:$0x1] =	stream.indirect.gather [hbm4b:s6+s28], $0x1, s24, s28, $0xb8;
	[tilespmem:$0x1FC80] =	vst v63  }
0x50: {  	_ =	swait.ge [sflag:s2], $0x80  }
0x51: {  	[sflag:s2] =	ssyncset.done $0x0  }
0x52: {  	s26 =	simm.s32 $0x1EF80;
	s30 =	simm.s32 $0x1EA00;
	[sflag:s2] =	ssyncadd.s32 $0xFFFFFF80  }
0x53: {  	[tilespmem:s30], [sflag:$0x1] =	stream.indirect.gather [hbm4b:s6+s28], $0x1, s26, s28, $0xb8;
	[tilespmem:$0x1FC80] =	vst v63  }
0x54: {  	_ =	swait.ge [sflag:s2], $0x80  }
0x55: {  	[sflag:s2] =	ssyncset.done $0x0  }
0x56: {  	s8 =	simm.s32 $0x1F000;
	s9 =	simm.s32 $0x1EA80;
	[sflag:s2] =	ssyncadd.s32 $0xFFFFFF80  }
0x57: {  	[tilespmem:s9], [sflag:$0x1] =	stream.indirect.gather [hbm4b:s6+s28], $0x1, s8, s28, $0xb8;
	[tilespmem:$0x1FC80] =	vst v63  }
0x58: {  	_ =	swait.ge [sflag:s2], $0x80  }
0x59: {  	[sflag:s2] =	ssyncset.done $0x0  }
0x5a: {  	s10 =	simm.s32 $0x1F080;
	s11 =	simm.s32 $0x1EB00;
	[sflag:s2] =	ssyncadd.s32 $0xFFFFFF80  }
0x5b: {  	[tilespmem:s11], [sflag:$0x1] =	stream.indirect.gather [hbm4b:s6+s28], $0x1, s10, s28, $0xb8;
	[tilespmem:$0x1FC80] =	vst v63  }
0x5c: {  	_ =	swait.ge [sflag:s2], $0x80  }
0x5d: {  	[sflag:s2] =	ssyncset.done $0x0  }
0x5e: {  	s12 =	simm.s32 $0x1F100;
	s13 =	simm.s32 $0x1EB80;
	[sflag:s2] =	ssyncadd.s32 $0xFFFFFF80  }
0x5f: {  	[tilespmem:s13], [sflag:$0x1] =	stream.indirect.gather [hbm4b:s6+s28], $0x1, s12, s28, $0xb8;
	[tilespmem:$0x1FC80] =	vst v63  }
0x60: {  	_ =	swait.ge [sflag:s2], $0x80  }
0x61: {  	[sflag:s2] =	ssyncset.done $0x0  }
0x62: {  	s14 =	simm.s32 $0x1F180;
	s15 =	simm.s32 $0x1EC00;
	[sflag:s2] =	ssyncadd.s32 $0xFFFFFF80  }
0x63: {  	[tilespmem:s15], [sflag:$0x1] =	stream.indirect.gather [hbm4b:s6+s28], $0x1, s14, s28, $0xb8;
	[tilespmem:$0x1FC80] =	vst v63  }
0x64: {  	_ =	swait.ge [sflag:s2], $0x80  }
0x65: {  	[sflag:s2] =	ssyncset.done $0x0  }
0x66: {  	s16 =	simm.s32 $0x1F200;
	s19 =	simm.s32 $0x1EC80;
	[sflag:s2] =	ssyncadd.s32 $0xFFFFFF80  }
0x67: {  	[tilespmem:s19], [sflag:$0x1] =	stream.indirect.gather [hbm4b:s6+s28], $0x1, s16, s28, $0xb8;
	[tilespmem:$0x1FC80] =	vst v63  }
0x68: {  	_ =	swait.ge [sflag:s2], $0x80  }
0x69: {  	[sflag:s2] =	ssyncset.done $0x0  }
0x6a: {  	s21 =	simm.s32 $0x1F280;
	s24 =	simm.s32 $0x1ED00;
	[sflag:s2] =	ssyncadd.s32 $0xFFFFFF80  }
0x6b: {  	[tilespmem:s24], [sflag:$0x1] =	stream.indirect.gather [hbm4b:s6+s28], $0x1, s21, s28, $0xb8;
	[tilespmem:$0x1FC80] =	vst v63  }
0x6c: {  	_ =	swait.ge [sflag:s2], $0x80  }
0x6d: {  	[sflag:s2] =	ssyncset.done $0x0  }
0x6e: {  	s25 =	rddreg [dreg:$0xd];
	[sflag:s2] =	ssyncadd.s32 $0xFFFFFF80  }
0x6f: {  	[tilespmem:s31], [sflag:$0x2] =	stream.strided.gather [hbm4b:s25+s28], $0x580, s29, s28, $0x38;
	[tilespmem:$0x1FC80] =	vst v63  }
0x70: {  	_ =	swait.ge [sflag:s20], $0x580  }
0x71: {  	[sflag:s20] =	ssyncset.done $0x0  }
0x72: {  	s26 =	simm.s32 $0x1ED90;
	[sflag:s20] =	ssyncadd.s32 $0xFFFFFA80  }
0x73: {  	v0 =	vld [tilespmem:s26+$0x0]  }
0x74: {  	v1 =	vld [tilespmem:s26+$0xFFFFFFF0];
	_ =	sdelay $0x2  }
0x75: {  	s1 =	simm.s32 $0x1E810  }
0x76: {  	s30 =	simm.s32 $0x1EDB0;
	v2 =	vld [tilespmem:s1+$0x0]  }
0x77: {  	v3 =	vld [tilespmem:s30+$0x0]  }
0x78: {  	v5 =	vld [tilespmem:s1+$0xFFFFFFF0]  }
0x79: {  	v0 =	vld.idx.msk [tilespmem:v0+s0+$0x0], $0xffff  }
0x7a: {  	v4 =	vld.idx.msk [tilespmem:v1+s0+$0x0], $0xffff  }
0x7b: {  	v1 =	vld [tilespmem:s30+$0xFFFFFFF0];
	_ =	sdelay $0x2  }
0x7c: {  	s7 =	simm.s32 $0x1E830;
	v2 =	vmul.f32 v2, v0  }
0x7d: {  	v0 =	vld [tilespmem:s7+$0x0]  }
0x7e: {  	s8 =	simm.s32 $0x20;
	s9 =	simm.s32 $0x1EDD0;
	[tilespmem:s1+$0x0] =	vst v2;
	v2 =	vld.idx.msk [tilespmem:v3+s0+$0x0], $0xffff;
	v3 =	vmul.f32 v5, v4  }
.LBB2_2:
0x7f: {  	v4 =	vld [tilespmem:s9+$0x0];
	s8 =	sadd.s32 $0x20, s8  }
0x80: {  	v5 =	vld [tilespmem:s9+$0xFFFFFFF0];
	p0 =	slt.u32 s8, $0x560;
	[tilespmem:s1+$0xFFFFFFF0] =	vst v3;
	s1 =	smov.u32 s7  }
0x81: {  	v3 =	vld.idx.msk [tilespmem:v1+s0+$0x0], $0xffff  }
0x82: {  	v6 =	vld [tilespmem:s7+$0xFFFFFFF0]  }
.Ltmp2:
0x83: {  	(pc) =	sbr.rel @p0 .LBB2_2-.Ltmp2, $4  }
0x84: {  	v2 =	vmul.f32 v0, v2  }
0x85: {  	s7 =	sadd.s32 $0x20, s7;
	v1 =	vmov v5  }
0x86: {  	v0 =	vld [tilespmem:s7+$0x0];
	[tilespmem:s1+$0x0] =	vst v2  }
0x87: {  	s9 =	sadd.s32 $0x20, s9;
	v2 =	vld.idx.msk [tilespmem:v4+s0+$0x0], $0xffff;
	v3 =	vmul.f32 v6, v3  }
0x88: {  	_ =	sdelay $0x3  }
0x89: {  	v1 =	vld.idx.msk [tilespmem:v1+s0+$0x0], $0xffff  }
0x8a: {  	v4 =	vld [tilespmem:s7+$0xFFFFFFF0];
	_ =	sdelay $0x3  }
0x8b: {  	v0 =	vmul.f32 v0, v2  }
0x8c: {  	[tilespmem:s1+$0xFFFFFFF0] =	vst v3;
	v1 =	vmul.f32 v4, v1  }
0x8d: {  	[tilespmem:s7+$0x0] =	vst v0  }
0x8e: {  	[tilespmem:s7+$0xFFFFFFF0] =	vst v1  }
0x8f: {  	v0 =	vld [tilespmem:$0x1F380];
	_ =	sdelay $0x4  }
0x90: {  	(v2sf) =	vpush v0, $0x0;
	_ =	sdelay $0xe  }
0x91: {  	s24 =	spop (v2sf)  }
0x92: {  	p0 =	slt.s32 s24, $0x1  }
.Ltmp3:
0x93: {  	_ = 	snop;
	(pc) =	sbr.rel @!p0 .LBB2_4-.Ltmp3, $4  }
.Ltmp4:
0x94: {  	_ = 	snop;
	(pc) =	sbr.rel @p0 .LBB2_21-.Ltmp4, $4  }
0x95: {  	_ = 	snop  }
0x96: {  	s26 =	simm.s32 $0x0  }
0x97: {  	s25 =	simm.s32 $0x0;
	s30 =	simm.s32 $0x0;
	s1 =	simm.s32 $0x0  }
0x98: {  	_ = 	snop  }
.LBB2_19:
0x99: {  	s26 =	smov.u32 s21  }
.LBB2_20:
0x9a: {  	s1 =	sadd.s32 $0x1, s1  }
0x9b: {  	p0 =	sne.s32 s1, s24  }
.Ltmp5:
0x9c: {  	_ = 	snop;
	(pc) =	sbr.rel @!p0 .LBB2_21-.Ltmp5, $2  }
0x9d: {  	_ =	sdelay $0x2  }
0x9e: {  	s25 =	sadd.s32 s25, s19  }
.LBB2_4:
0x9f: {  	v0 =	vld [tilespmem:s1+$0x1F400];
	_ =	sdelay $0x4  }
0xa0: {  	(v2sf) =	vpush v0, $0x0;
	_ =	sdelay $0xe  }
0xa1: {  	s19 =	spop (v2sf)  }
0xa2: {  	p0 =	slt.s32 s19, $0x1  }
.Ltmp6:
0xa3: {  	_ = 	snop;
	(pc) =	sbr.rel @p0 .LBB2_10-.Ltmp6, $1  }
0xa4: {  	_ =	sdelay $0x3  }
0xa5: {  	s7 =	sshll.u32 s25, $0x2  }
0xa6: {  	s7 =	sshra.s32 s7, $0x2  }
0xa7: {  	s9 =	sadd.s32 $0x1F580, s7  }
0xa8: {  	v0 =	vld [tilespmem:s9+$0x0];
	_ =	sdelay $0x4  }
0xa9: {  	(v2sf) =	vpush v0, $0x0;
	_ =	sdelay $0x5  }
0xaa: {  	s8 =	sadd.s32 $0x1F500, s7  }
0xab: {  	v63 =	vld [tilespmem:s8+$0x0];
	_ =	sdelay $0x4  }
0xac: {  	(v2sf) =	vpush v63, $0x0;
	_ =	sdelay $0x2  }
0xad: {  	s7 =	sld [smem:$0x7FF];
	s10 =	spop (v2sf)  }
0xae: {  	s11 =	sand.u32 $0x7, s10  }
0xaf: {  	p0 =	seq.s32 s11, $0x0  }
0xb0: {  	p1 =	sne.s32 @!p0 s7, $0x1  }
0xb1: {  	p0 =	por !p1, p0  }
0xb2: {  	s7 =	sor.u32 @!p0 $0x100000, s17  }
0xb3: {  	[smem:s7], [sflag:$0x0] =	smem.add.s32 @!p0 $0x89;
	s7 =	sadd.s32 $0xFFFFFFFF, s19  }
0xb4: {  	s11 =	simm.s32 @!p0 $0x0;
	p1 =	sne.s32 s7, $0x0  }
.Ltmp7:
0xb5: {  	s12 =	simm.s32 @!p0 $0x1;
	_ =	swait.done @!p0 [sflag:s11];
	(pc) =	sbr.rel @!p1 .LBB2_7-.Ltmp7, $4  }
0xb6: {  	[smem:$0x7FF] =	sst @!p0 s12  }
0xb7: {  	_ =	sint @!p0 $0x2  }
0xb8: {  	s8 =	sadd.s32 $0x1, s8;
	s10 =	sshrl.u32 s10, $0x3;
	_ =	swait.notdone @!p0 [sflag:s11]  }
0xb9: {  	s9 =	sadd.s32 $0x1, s9;
	s10 =	sadd.s32 s5, s10;
	s11 =	spop (v2sf)  }
.LBB2_6:
0xba: {  	[tilespmem:s11], [sflag:$0x1] =	stream.linear.gather [hbm4b:s10+s4], $0x2800, $0x38;
	[tilespmem:$0x1FC80] =	vst v63  }
0xbb: {  	s7 =	sadd.s32 $0xFFFFFFFF, s7;
	v0 =	vld [tilespmem:s9+$0x0]  }
0xbc: {  	p0 =	sne.s32 s7, $0x0;
	_ =	sdelay $0x3  }
0xbd: {  	(v2sf) =	vpush v0, $0x0;
	_ =	sdelay $0x4  }
0xbe: {  	v0 =	vld [tilespmem:s8+$0x0];
	_ =	sdelay $0x4  }
0xbf: {  	(v2sf) =	vpush v0, $0x0;
	_ =	sdelay $0x4  }
0xc0: {  	s10 =	sld [smem:$0x7FF];
	s11 =	spop (v2sf)  }
0xc1: {  	s12 =	sand.u32 $0x7, s11;
	s11 =	sshrl.u32 s11, $0x3  }
0xc2: {  	p1 =	seq.s32 s12, $0x0  }
0xc3: {  	p2 =	sne.s32 @!p1 s10, $0x1  }
0xc4: {  	p1 =	por !p2, p1  }
0xc5: {  	s10 =	sor.u32 @!p1 $0x100000, s17  }
0xc6: {  	[smem:s10], [sflag:$0x0] =	smem.add.s32 @!p1 $0x89;
	s10 =	simm.s32 @!p1 $0x0  }
.Ltmp8:
0xc7: {  	s12 =	simm.s32 @!p1 $0x1;
	_ =	swait.done @!p1 [sflag:s10];
	(pc) =	sbr.rel @p0 .LBB2_6-.Ltmp8, $4  }
0xc8: {  	[smem:$0x7FF] =	sst @!p1 s12  }
0xc9: {  	s9 =	sadd.s32 $0x1, s9;
	s8 =	sadd.s32 $0x1, s8;
	_ =	sint @!p1 $0x2  }
0xca: {  	_ =	swait.notdone @!p1 [sflag:s10]  }
0xcb: {  	s10 =	sadd.s32 s5, s11;
	s11 =	spop (v2sf)  }
.LBB2_7:
0xcc: {  	p0 =	sne.s32 s19, $0x1  }
.Ltmp9:
0xcd: {  	_ = 	snop;
	(pc) =	sbr.rel @!p0 .LBB2_9-.Ltmp9, $4  }
0xce: {  	_ = 	snop  }
0xcf: {  	[tilespmem:s11], [sflag:$0x1] =	stream.linear.gather [hbm4b:s10+s4], $0x2800, $0x38;
	[tilespmem:$0x1FC80] =	vst v63  }
0xd0: {  	_ =	swait.ge [sflag:s2], $0x2800  }
0xd1: {  	s7 =	sadd.s32 $0xFFFFFFFF, s19;
	[sflag:s2] =	ssyncset.done $0x0  }
.LBB2_8:
0xd2: {  	p0 =	sne.s32 s7, $0x1;
	s7 =	sadd.s32 $0xFFFFFFFF, s7;
	[sflag:s2] =	ssyncadd.s32 $0xFFFFD800  }
.Ltmp10:
0xd3: {  	(pc) =	sbr.rel @p0 .LBB2_8-.Ltmp10, $3  }
0xd4: {  	_ =	sdelay $0x1  }
0xd5: {  	_ =	swait.ge [sflag:s2], $0x2800  }
0xd6: {  	[sflag:s2] =	ssyncset.done $0x0  }
.LBB2_9:
0xd7: {  	[sflag:s2] =	ssyncadd.s32 $0xFFFFD800  }
.LBB2_10:
0xd8: {  	v0 =	vld [tilespmem:s1+$0x1F480];
	_ =	sdelay $0x4  }
0xd9: {  	(v2sf) =	vpush v0, $0x0;
	_ =	sdelay $0xe  }
0xda: {  	s7 =	spop (v2sf)  }
0xdb: {  	p0 =	slt.s32 s7, $0x1  }
.Ltmp11:
0xdc: {  	_ = 	snop;
	(pc) =	sbr.rel @p0 .LBB2_20-.Ltmp11, $1  }
0xdd: {  	_ =	sdelay $0x3  }
.Ltmp12:
0xde: {  	(pc) =	sbr.rel .LBB2_12-.Ltmp12, $2  }
0xdf: {  	_ =	sdelay $0x2  }
0xe0: {  	s21 =	sadd.s32 s26, s7  }
.LBB2_18:
0xe1: {  	s26 =	sadd.s32 $0x1, s26  }
0xe2: {  	s7 =	sshrl.u32 s7, $0x3;
	p0 =	sne.s32 s26, s21  }
.Ltmp13:
0xe3: {  	s7 =	sadd.s32 s3, s7;
	(pc) =	sbr.rel @!p0 .LBB2_19-.Ltmp13, $4  }
0xe4: {  	[hbm4b:s7+s4] =	stream.linear.scatter [tilespmem:s22], [sflag:$0x2], $0x800, $0x38;
	[tilespmem:$0x1FC80] =	vst v63  }
0xe5: {  	_ =	swait.ge [sflag:s20], $0x800  }
0xe6: {  	s16 =	sshll.u32 s8, $0x2;
	[sflag:s20] =	ssyncset.done $0x0  }
0xe7: {  	s30 =	sadd.s32 s30, s16;
	[sflag:s20] =	ssyncadd.s32 $0xFFFFF800  }
.LBB2_12:
0xe8: {  	v0 =	vld [tilespmem:s26+$0x1F600]  }
0xe9: {  	v1 =	vld [tilespmem:s30+$0x1F700]  }
0xea: {  	v2 =	vld [tilespmem:s30+$0x1F701]  }
0xeb: {  	v3 =	vld [tilespmem:s30+$0x1F702];
	_ =	sdelay $0x1  }
0xec: {  	v4 =	vld [tilespmem:s30+$0x1F703];
	(v2sf) =	vpush v0, $0x0  }
0xed: {  	(v2sf) =	vpush v1, $0x0  }
0xee: {  	(v2sf) =	vpush v2, $0x0  }
0xef: {  	(v2sf) =	vpush v3, $0x0;
	_ =	sdelay $0x1  }
0xf0: {  	(v2sf) =	vpush v4, $0x0;
	_ =	sdelay $0x9  }
0xf1: {  	v0 =	vld [tilespmem:s26+$0x1F680];
	s7 =	spop (v2sf)  }
0xf2: {  	v1 =	vld.msk [tilespmem:s30+$0x1E800 ss:$0x0], $0xffff;
	s8 =	spop (v2sf)  }
0xf3: {  	v2 =	vld.msk [tilespmem:s30+$0x1E801 ss:$0x0], $0xffff;
	s10 =	spop (v2sf);
	s8 =	sshll.u32 s8, $0x2  }
0xf4: {  	v3 =	vld.msk [tilespmem:s30+$0x1E802 ss:$0x0], $0xffff;
	s11 =	spop (v2sf);
	s8 =	sshra.s32 s8, $0x2  }
0xf5: {  	v4 =	vld.msk [tilespmem:s30+$0x1E803 ss:$0x0], $0xffff;
	s12 =	sshll.u32 s10, $0x2;
	s11 =	sshll.u32 s11, $0x2;
	s13 =	sadd.s32 $0x20, s8  }
0xf6: {  	s9 =	spop (v2sf);
	s16 =	sshra.s32 s12, $0x2;
	s11 =	sshra.s32 s11, $0x2;
	v5 =	vld [tilespmem:s13+$0x10]  }
0xf7: {  	s9 =	sshll.u32 s9, $0x2;
	v12 =	vld [tilespmem:s13+$0xFFFFFFF0];
	s10 =	sadd.s32 $0x20, s11;
	s11 =	sadd.s32 $0x20, s16  }
0xf8: {  	s9 =	sshra.s32 s9, $0x2;
	v6 =	vld [tilespmem:s11+$0x10]  }
0xf9: {  	s9 =	sadd.s32 $0x20, s9;
	v7 =	vld [tilespmem:s10+$0x10]  }
0xfa: {  	v8 =	vld [tilespmem:s9+$0x10]  }
0xfb: {  	v9 =	vld [tilespmem:s11+$0xFFFFFFE0]  }
0xfc: {  	v10 =	vld [tilespmem:s10+$0xFFFFFFE0]  }
0xfd: {  	v13 =	vld [tilespmem:s11+$0xFFFFFFF0]  }
0xfe: {  	v11 =	vld [tilespmem:s9+$0xFFFFFFE0];
	v5 =	vmul.f32 v5, v1;
	v6 =	vmul.f32 v6, v2  }
0xff: {  	v14 =	vld [tilespmem:s10+$0xFFFFFFF0];
	v7 =	vmul.f32 v7, v3;
	v8 =	vmul.f32 v8, v4  }
0x100: {  	v15 =	vld [tilespmem:s9+$0xFFFFFFF0]  }
0x101: {  	v5 =	vadd.f32 v6, v5;
	v6 =	vadd.f32 v8, v7;
	v7 =	vld [tilespmem:s13+$0x0]  }
0x102: {  	v12 =	vmul.f32 v12, v1;
	v16 =	vmul.f32 v10, v3;
	v8 =	vld [tilespmem:s11+$0x0]  }
0x103: {  	v18 =	vmul.f32 v13, v2;
	v10 =	vld [tilespmem:s10+$0x0];
	v11 =	vmul.f32 v11, v4;
	v17 =	vadd.f32 v6, v5  }
0x104: {  	s8 =	simm.s32 $0x1E020;
	v13 =	vmul.f32 v14, v3;
	v5 =	vmul.f32 v9, v2;
	v9 =	vld [tilespmem:s9+$0x0]  }
0x105: {  	s12 =	simm.s32 $0x0;
	v14 =	vmul.f32 v15, v4;
	v12 =	vadd.f32 v18, v12;
	v6 =	vadd.f32 v11, v16;
	v11 =	vld [tilespmem:s13+$0xFFFFFFE0];
	s13 =	sadd.s32 $0x40, s13;
	[tilespmem:s8+$0x10] =	vst v17  }
.LBB2_13:
0x106: {  	v15 =	vld [tilespmem:s13+$0x10];
	v7 =	vmul.f32 v7, v1;
	s11 =	sadd.s32 $0x40, s11  }
0x107: {  	s10 =	sadd.s32 $0x40, s10;
	v16 =	vld [tilespmem:s11+$0x10];
	v13 =	vadd.f32 v14, v13;
	v8 =	vmul.f32 v8, v2  }
0x108: {  	s9 =	sadd.s32 $0x40, s9;
	v14 =	vld [tilespmem:s10+$0x10];
	v10 =	vmul.f32 v10, v3  }
0x109: {  	s12 =	sadd.s32 $0x40, s12;
	v17 =	vld [tilespmem:s9+$0x10];
	v12 =	vadd.f32 v13, v12;
	v7 =	vadd.f32 v8, v7;
	v8 =	vmul.f32 v9, v4  }
0x10a: {  	p0 =	slt.u32 s12, $0x7C0;
	v9 =	vld [tilespmem:s11+$0xFFFFFFE0];
	v11 =	vmul.f32 v11, v1  }
0x10b: {  	v13 =	vld [tilespmem:s10+$0xFFFFFFE0];
	[tilespmem:s8+$0xFFFFFFF0] =	vst v12;
	v8 =	vadd.f32 v8, v10  }
0x10c: {  	v10 =	vld [tilespmem:s9+$0xFFFFFFE0];
	v5 =	vadd.f32 v5, v11  }
0x10d: {  	v12 =	vmul.f32 v15, v1;
	v15 =	vmul.f32 v16, v2;
	v11 =	vld [tilespmem:s13+$0xFFFFFFF0];
	v7 =	vadd.f32 v8, v7  }
0x10e: {  	v8 =	vmul.f32 v14, v3;
	v16 =	vld [tilespmem:s11+$0xFFFFFFF0];
	v14 =	vmul.f32 v17, v4;
	v6 =	vadd.f32 v6, v5  }
0x10f: {  	v5 =	vmul.f32 v9, v2;
	v9 =	vld [tilespmem:s10+$0xFFFFFFF0];
	[tilespmem:s8+$0x0] =	vst v7  }
0x110: {  	v12 =	vadd.f32 v15, v12;
	v13 =	vmul.f32 v13, v3;
	v17 =	vld [tilespmem:s9+$0xFFFFFFF0];
	v14 =	vadd.f32 v14, v8;
	[tilespmem:s8+$0xFFFFFFE0] =	vst v6  }
.Ltmp14:
0x111: {  	v6 =	vmul.f32 v10, v4;
	v7 =	vld [tilespmem:s13+$0x0];
	(pc) =	sbr.rel @p0 .LBB2_13-.Ltmp14, $4  }
0x112: {  	v15 =	vmul.f32 v11, v1;
	v8 =	vld [tilespmem:s11+$0x0];
	v11 =	vadd.f32 v14, v12  }
0x113: {  	s8 =	sadd.s32 $0x40, s8;
	v6 =	vadd.f32 v6, v13;
	v12 =	vmul.f32 v16, v2;
	v10 =	vld [tilespmem:s10+$0x0]  }
0x114: {  	v13 =	vmul.f32 v9, v3;
	v9 =	vld [tilespmem:s9+$0x0];
	[tilespmem:s8+$0x10] =	vst v11  }
0x115: {  	v11 =	vld [tilespmem:s13+$0xFFFFFFE0];
	v12 =	vadd.f32 v12, v15;
	v14 =	vmul.f32 v17, v4;
	s13 =	sadd.s32 $0x40, s13  }
0x116: {  	(v2sf) =	vpush v0, $0x0;
	_ =	sdelay $0x6  }
0x117: {  	v7 =	vmul.f32 v7, v1;
	v2 =	vmul.f32 v8, v2  }
0x118: {  	v3 =	vmul.f32 v10, v3;
	v4 =	vmul.f32 v9, v4  }
0x119: {  	v61 =	vadd.f32 v14, v13;
	v62 =	vmul.f32 v11, v1  }
0x11a: {  	v2 =	vadd.f32 v2, v7;
	v3 =	vadd.f32 v4, v3  }
0x11b: {  	v63 =	vadd.f32 v61, v12;
	v1 =	vadd.f32 v5, v62  }
0x11c: {  	v2 =	vadd.f32 v3, v2  }
0x11d: {  	[tilespmem:s8+$0xFFFFFFF0] =	vst v63;
	v1 =	vadd.f32 v6, v1  }
0x11e: {  	[tilespmem:s8+$0x0] =	vst v2  }
0x11f: {  	[tilespmem:s8+$0xFFFFFFE0] =	vst v1;
	s8 =	spop (v2sf)  }
0x120: {  	p0 =	sgt.s32 s8, $0x1  }
.Ltmp15:
0x121: {  	_ = 	snop;
	(pc) =	sbr.rel @!p0 .LBB2_18-.Ltmp15, $2  }
0x122: {  	_ =	sdelay $0x2  }
0x123: {  	s9 =	simm.s32 $0x1  }
.LBB2_15:
0x124: {  	s10 =	sshll.u32 s9, $0x2  }
0x125: {  	s10 =	sadd.s32 s30, s10  }
0x126: {  	v0 =	vld [tilespmem:s10+$0x1F700];
	_ =	sdelay $0x2  }
0x127: {  	v1 =	vld [tilespmem:s10+$0x1F701];
	_ =	sdelay $0x1  }
0x128: {  	v2 =	vld [tilespmem:s10+$0x1F702];
	(v2sf) =	vpush v0, $0x0  }
0x129: {  	v3 =	vld [tilespmem:s10+$0x1F703];
	_ =	sdelay $0x1  }
0x12a: {  	(v2sf) =	vpush v1, $0x0;
	_ =	sdelay $0x1  }
0x12b: {  	(v2sf) =	vpush v2, $0x0  }
0x12c: {  	(v2sf) =	vpush v3, $0x0;
	_ =	sdelay $0x8  }
0x12d: {  	v0 =	vld.msk [tilespmem:s10+$0x1E800 ss:$0x0], $0xffff;
	s11 =	spop (v2sf)  }
0x12e: {  	v1 =	vld.msk [tilespmem:s10+$0x1E801 ss:$0x0], $0xffff;
	s11 =	sshll.u32 s11, $0x2  }
0x12f: {  	v2 =	vld.msk [tilespmem:s10+$0x1E802 ss:$0x0], $0xffff;
	s11 =	sshra.s32 s11, $0x2  }
0x130: {  	v3 =	vld.msk [tilespmem:s10+$0x1E803 ss:$0x0], $0xffff;
	s12 =	spop (v2sf);
	s16 =	sadd.s32 $0x20, s11  }
0x131: {  	s12 =	sshll.u32 s12, $0x2;
	v4 =	vld [tilespmem:s16+$0x10]  }
0x132: {  	s13 =	spop (v2sf);
	s12 =	sshra.s32 s12, $0x2;
	v8 =	vld [tilespmem:s16+$0xFFFFFFE0]  }
0x133: {  	s14 =	spop (v2sf);
	s13 =	sshll.u32 s13, $0x2;
	s11 =	sadd.s32 $0x20, s12;
	v12 =	vld [tilespmem:s16+$0xFFFFFFF0]  }
0x134: {  	s15 =	sshll.u32 s14, $0x2;
	s10 =	sshra.s32 s13, $0x2;
	v5 =	vld [tilespmem:s11+$0x10]  }
0x135: {  	s13 =	sshra.s32 s15, $0x2;
	s12 =	sadd.s32 $0x20, s10;
	v9 =	vld [tilespmem:s11+$0xFFFFFFE0]  }
0x136: {  	s13 =	sadd.s32 $0x20, s13;
	v6 =	vld [tilespmem:s12+$0x10]  }
0x137: {  	v7 =	vld [tilespmem:s13+$0x10]  }
0x138: {  	v14 =	vld [tilespmem:s11+$0xFFFFFFF0]  }
0x139: {  	v10 =	vld [tilespmem:s12+$0xFFFFFFE0]  }
0x13a: {  	s10 =	simm.s32 $0x1E020;
	v11 =	vld [tilespmem:s13+$0xFFFFFFE0]  }
0x13b: {  	v13 =	vld [tilespmem:s10+$0x10];
	v4 =	vmul.f32 v4, v0;
	v5 =	vmul.f32 v5, v1  }
0x13c: {  	v15 =	vld [tilespmem:s12+$0xFFFFFFF0];
	v6 =	vmul.f32 v6, v2;
	v7 =	vmul.f32 v7, v3  }
0x13d: {  	v16 =	vld [tilespmem:s13+$0xFFFFFFF0];
	v8 =	vmul.f32 v8, v0  }
0x13e: {  	v17 =	vld [tilespmem:s16+$0x0];
	v9 =	vmul.f32 v9, v1;
	v4 =	vadd.f32 v5, v4;
	v5 =	vadd.f32 v7, v6  }
0x13f: {  	v18 =	vld [tilespmem:s11+$0x0];
	v6 =	vmul.f32 v10, v2;
	v10 =	vmul.f32 v11, v3  }
0x140: {  	v9 =	vadd.f32 v9, v8;
	v7 =	vld [tilespmem:s12+$0x0];
	v4 =	vadd.f32 v5, v4  }
0x141: {  	v8 =	vld [tilespmem:s13+$0x0];
	v11 =	vmul.f32 v12, v0;
	v5 =	vadd.f32 v10, v6;
	v10 =	vmul.f32 v14, v1  }
0x142: {  	v6 =	vld [tilespmem:s10+$0xFFFFFFF0];
	v14 =	vmul.f32 v16, v3;
	v12 =	vadd.f32 v4, v13;
	v13 =	vmul.f32 v15, v2  }
0x143: {  	v5 =	vadd.f32 v5, v9;
	v10 =	vadd.f32 v10, v11;
	v4 =	vld [tilespmem:s10+$0x0]  }
0x144: {  	s16 =	sadd.s32 $0x40, s16;
	s14 =	simm.s32 $0x1E020;
	s15 =	simm.s32 $0x0;
	v11 =	vmul.f32 v17, v0;
	v9 =	vld [tilespmem:s10+$0xFFFFFFE0];
	[tilespmem:s10+$0x10] =	vst v12;
	v12 =	vadd.f32 v14, v13;
	v13 =	vmul.f32 v18, v1  }
.LBB2_16:
0x145: {  	v14 =	vld [tilespmem:s16+$0x10];
	v7 =	vmul.f32 v7, v2;
	s11 =	sadd.s32 $0x40, s11  }
0x146: {  	s12 =	sadd.s32 $0x40, s12;
	v15 =	vld [tilespmem:s11+$0x10];
	v10 =	vadd.f32 v12, v10;
	v11 =	vadd.f32 v13, v11;
	v8 =	vmul.f32 v8, v3  }
0x147: {  	s13 =	sadd.s32 $0x40, s13;
	v12 =	vld [tilespmem:s12+$0x10]  }
0x148: {  	s15 =	sadd.s32 $0x40, s15;
	v13 =	vld [tilespmem:s13+$0x10];
	v6 =	vadd.f32 v10, v6;
	v7 =	vadd.f32 v8, v7  }
0x149: {  	p0 =	slt.u32 s15, $0x7C0;
	v8 =	vld [tilespmem:s16+$0xFFFFFFE0];
	v5 =	vadd.f32 v5, v9  }
0x14a: {  	v9 =	vld [tilespmem:s11+$0xFFFFFFE0];
	[tilespmem:s10+$0xFFFFFFF0] =	vst v6;
	v6 =	vadd.f32 v7, v11  }
0x14b: {  	v7 =	vld [tilespmem:s12+$0xFFFFFFE0];
	[tilespmem:s10+$0xFFFFFFE0] =	vst v5  }
0x14c: {  	v10 =	vmul.f32 v14, v0;
	v11 =	vmul.f32 v15, v1;
	v5 =	vld [tilespmem:s13+$0xFFFFFFE0];
	v4 =	vadd.f32 v6, v4  }
0x14d: {  	s10 =	sadd.s32 $0x40, s10;
	v12 =	vmul.f32 v12, v2;
	v6 =	vld [tilespmem:s16+$0xFFFFFFF0];
	v13 =	vmul.f32 v13, v3  }
0x14e: {  	v8 =	vmul.f32 v8, v0;
	v14 =	vld [tilespmem:s10+$0x10];
	[tilespmem:s14+$0x0] =	vst v4;
	s14 =	smov.u32 s10  }
0x14f: {  	v10 =	vadd.f32 v11, v10;
	v4 =	vmul.f32 v9, v1;
	v9 =	vld [tilespmem:s11+$0xFFFFFFF0];
	v11 =	vadd.f32 v13, v12  }
0x150: {  	v7 =	vmul.f32 v7, v2;
	v12 =	vld [tilespmem:s12+$0xFFFFFFF0]  }
0x151: {  	v4 =	vadd.f32 v4, v8;
	v5 =	vmul.f32 v5, v3;
	v13 =	vld [tilespmem:s13+$0xFFFFFFF0];
	v8 =	vadd.f32 v11, v10  }
0x152: {  	v10 =	vmul.f32 v6, v0;
	v11 =	vld [tilespmem:s16+$0x0]  }
0x153: {  	v5 =	vadd.f32 v5, v7;
	v15 =	vld [tilespmem:s11+$0x0];
	v6 =	vadd.f32 v8, v14  }
.Ltmp16:
0x154: {  	v9 =	vmul.f32 v9, v1;
	v7 =	vld [tilespmem:s12+$0x0];
	(pc) =	sbr.rel @p0 .LBB2_16-.Ltmp16, $4  }
0x155: {  	v5 =	vadd.f32 v5, v4;
	v12 =	vmul.f32 v12, v2;
	v8 =	vld [tilespmem:s13+$0x0];
	[tilespmem:s10+$0x10] =	vst v6  }
0x156: {  	v6 =	vld [tilespmem:s10+$0xFFFFFFF0];
	v10 =	vadd.f32 v9, v10;
	v13 =	vmul.f32 v13, v3  }
0x157: {  	v4 =	vld [tilespmem:s10+$0x0];
	v11 =	vmul.f32 v11, v0  }
0x158: {  	s16 =	sadd.s32 $0x40, s16;
	v9 =	vld [tilespmem:s10+$0xFFFFFFE0];
	v12 =	vadd.f32 v13, v12;
	v13 =	vmul.f32 v15, v1  }
0x159: {  	_ = 	snop  }
0x15a: {  	v0 =	vmul.f32 v7, v2;
	v1 =	vmul.f32 v8, v3  }
0x15b: {  	v60 =	vadd.f32 v12, v10  }
0x15c: {  	s9 =	sadd.s32 $0x1, s9;
	v61 =	vadd.f32 v13, v11;
	v0 =	vadd.f32 v1, v0  }
0x15d: {  	p0 =	sne.s32 s9, s8  }
.Ltmp17:
0x15e: {  	v62 =	vadd.f32 v60, v6;
	v0 =	vadd.f32 v0, v61;
	(pc) =	sbr.rel @p0 .LBB2_15-.Ltmp17, $4  }
.Ltmp18:
0x15f: {  	v63 =	vadd.f32 v5, v9;
	(pc) =	sbr.rel @!p0 .LBB2_18-.Ltmp18, $4  }
0x160: {  	[tilespmem:s10+$0xFFFFFFF0] =	vst v62;
	v0 =	vadd.f32 v0, v4  }
0x161: {  	[tilespmem:s10+$0xFFFFFFE0] =	vst v63  }
0x162: {  	[tilespmem:s14+$0x0] =	vst v0  }
0x163: {  	_ = 	snop  }
.LBB2_22:
0x164: {  	_ =	sfence.sel $0x180000  }
0x165: {  	[bflag:$0x0] =	sbarrier.arrive $0xFFFF  }
0x166: {  	_ =	strace $0x90000047  }
0x167: {  	s0 =	stileid.u32;
	[bflag:$0x2] =	sbarrier.arrive $0xFFFF  }
0x168: {  	p0 =	sne.s32 s0, $0x0;
	s0 =	rddreg [dreg:$0x3]  }
0x169: {  	s0 =	sadd.s32 @!p0 $0x100000, s0  }
0x16a: {  	[sflag:s0] =	ssyncadd.tile.s32 @!p0 $0x1;
	_ =	shalt  }
.Lfunc_end2:
_tile_overlayer_lowered:
.L_overlay_start_2:
0x16b: {  	(tag) =	ssettag $0x2  }
0x16c: {  	s0 =	rddreg [dreg:$0x0];
	s2 =	stileid.u32  }
0x16d: {  	s1 =	rddreg [dreg:$0x1];
	p0 =	sne.s32 s2, $0x0  }
0x16e: {  	s3 =	rddreg [dreg:$0x2];
	[bflag:$0x3] =	sbarrier.arrive $0xFFFF;
	s2 =	simm.s32 @!p0 $0x1C02  }
0x16f: {  	[timem:s3], [sflag:s2] =	dma.local @!p0 [hbm:s0], s1  }
0x170: {  	s0 =	simm.s32 @!p0 $0x2  }
0x171: {  	_ =	swait.ge @!p0 [sflag:s0], s1  }
0x172: {  	s1 =	ssub.s32 @!p0 $0x0, s1;
	[sflag:s0] =	ssyncset.done @!p0 $0x0  }
0x173: {  	[sflag:s0] =	ssyncadd.s32 @!p0 s1  }
0x174: {  	[bflag:$0x3] =	sbarrier.arrive $0xFFFF  }
0x175: {  	_ =	shalt  }

</sc_bundles>
